<compile_context>
chip_gen: v7x
topology: tpu7x:2x2x1
jax: 0.10.2.dev20260603
libtpu: 0.0.44.dev20260713+nightly
codegen_flags: <defaults>
</compile_context>

<pallas_src>
import functools

import jax
import jax.numpy as jnp
from jax.experimental import pallas as pl
from jax.experimental.pallas import tpu as pltpu
from jax.experimental.pallas import tpu_sc as plsc

_NUMBERS = (99991, 100003, 100019)
_D = 64
_W = 128


def _mod_body(id_ref, start_ref, r0_ref, r1_ref, r2_ref):
    idx = id_ref[...] + start_ref[...]
    r0_ref[...] = idx % _NUMBERS[0]
    r1_ref[...] = idx % _NUMBERS[1]
    r2_ref[...] = idx % _NUMBERS[2]


def _mod_hashes(id, start):
    B, L = id.shape
    RB = 512
    out = jax.ShapeDtypeStruct((B, L), jnp.int32)
    return pl.pallas_call(
        _mod_body,
        grid=(B // RB,),
        in_specs=[
            pl.BlockSpec((RB, L), lambda i: (i, 0)),
            pl.BlockSpec((RB, 1), lambda i: (i, 0)),
        ],
        out_specs=[
            pl.BlockSpec((RB, L), lambda i: (i, 0)),
            pl.BlockSpec((RB, L), lambda i: (i, 0)),
            pl.BlockSpec((RB, L), lambda i: (i, 0)),
        ],
        out_shape=[out, out, out],
    )(id, start)


_NW = 32


def _sc_gather_sum(e0, e1, e2, r0, r1, r2):
    nrow = r0.shape[0]
    ntok = nrow * 128
    SP = nrow // _NW
    mesh = plsc.VectorSubcoreMesh(core_axis_name="c", subcore_axis_name="s")

    @functools.partial(
        pl.kernel,
        out_type=jax.ShapeDtypeStruct((ntok // 2, 2 * _D), jnp.float32),
        mesh=mesh,
        compiler_params=pltpu.CompilerParams(use_tc_tiling_on_sc=False),
        scratch_types=(
            [pltpu.VMEM((128, _D), jnp.float32)] * 9
            + [pltpu.VMEM((128,), jnp.int32)] * 9
            + [pltpu.SMEM((1,), jnp.int32)]
            + [pltpu.SemaphoreType.DMA] * 9
        ),
    )
    def k(e0_hbm, e1_hbm, e2_hbm, r0_hbm, r1_hbm, r2_hbm, o_hbm,
          ga0, ga1, ga2, gb0, gb1, gb2, gc0, gc1, gc2,
          ia0, ia1, ia2, ib0, ib1, ib2, ic0, ic1, ic2, cnt,
          sa0, sa1, sa2, sb0, sb1, sb2, sc0, sc1, sc2):
        cnt[0] = 0
        bufs = ((ga0, ga1, ga2), (gb0, gb1, gb2), (gc0, gc1, gc2))
        ibufs = ((ia0, ia1, ia2), (ib0, ib1, ib2), (ic0, ic1, ic2))
        sems = ((sa0, sa1, sa2), (sb0, sb1, sb2), (sc0, sc1, sc2))

        def _sum_into(o_v, g0, g1, g2):
            @pl.loop(0, 64)
            def _(p):
                for t in range(2):
                    i = 2 * p + t
                    for j in range(0, _D, 16):
                        src = (i, pl.ds(j, 16))
                        o_v[p, pl.ds(t * _D + j, 16)] = g0[src] + g1[src] + g2[src]

        def body(r0_v, r1_v, r2_v, o_v):
            s = cnt[0]
            par = jax.lax.rem(s, 3)

            for b in range(3):
                @pl.when(jnp.logical_and(s < SP, par == b))
                def _(b=b):
                    for t, r_v in enumerate((r0_v, r1_v, r2_v)):
                        for c in range(0, 128, 16):
                            ibufs[b][t][pl.ds(c, 16)] = r_v[0, pl.ds(c, 16)]
                    pltpu.async_copy(e0_hbm.at[ibufs[b][0]], bufs[b][0], sems[b][0])
                    pltpu.async_copy(e1_hbm.at[ibufs[b][1]], bufs[b][1], sems[b][1])
                    pltpu.async_copy(e2_hbm.at[ibufs[b][2]], bufs[b][2], sems[b][2])

            for b in range(3):
                @pl.when(jnp.logical_and(s > 1, par == (b + 2) % 3))
                def _(b=b):
                    pltpu.make_async_copy(e0_hbm.at[pl.ds(0, 128)], bufs[b][0], sems[b][0]).wait()
                    pltpu.make_async_copy(e1_hbm.at[pl.ds(0, 128)], bufs[b][1], sems[b][1]).wait()
                    pltpu.make_async_copy(e2_hbm.at[pl.ds(0, 128)], bufs[b][2], sems[b][2]).wait()
                    _sum_into(o_v, *bufs[b])

            cnt[0] = s + 1

        pltpu.emit_pipeline(
            body,
            grid=(_NW, SP + 2),
            in_specs=[
                pl.BlockSpec((1, 128), lambda w, s: (w * SP + jnp.minimum(s, SP - 1), 0)),
                pl.BlockSpec((1, 128), lambda w, s: (w * SP + jnp.minimum(s, SP - 1), 0)),
                pl.BlockSpec((1, 128), lambda w, s: (w * SP + jnp.minimum(s, SP - 1), 0)),
            ],
            out_specs=[
                pl.BlockSpec((64, 2 * _D), lambda w, s: (w * SP + jnp.maximum(s - 2, 0), 0)),
            ],
            core_axis_name=("c", "s"),
            dimension_semantics=(pltpu.PARALLEL, pltpu.ARBITRARY),
        )(r0_hbm, r1_hbm, r2_hbm, o_hbm)

    return k(e0, e1, e2, r0, r1, r2)


def _ln_body(pe_ref, g_ref, b_ref, o_ref):
    x = pe_ref[...]
    lane = jax.lax.broadcasted_iota(jnp.int32, x.shape, 1)
    left = lane < _D
    xl = jnp.where(left, x, 0.0)
    xx = x * x
    s_all = jnp.sum(x, axis=-1, keepdims=True)
    s_l = jnp.sum(xl, axis=-1, keepdims=True)
    q_all = jnp.sum(xx, axis=-1, keepdims=True)
    q_l = jnp.sum(jnp.where(left, xx, 0.0), axis=-1, keepdims=True)
    mu_l = s_l / _D
    mu_r = (s_all - s_l) / _D
    rs_l = jax.lax.rsqrt(q_l / _D - mu_l * mu_l + 1e-5)
    rs_r = jax.lax.rsqrt((q_all - q_l) / _D - mu_r * mu_r + 1e-5)
    mu = jnp.where(left, mu_l, mu_r)
    rs = jnp.where(left, rs_l, rs_r)
    o_ref[...] = (x - mu) * rs * g_ref[...] + b_ref[...]


def _layer_norm(pe, gamma, beta):
    nrow = pe.shape[0]
    TB = 2048
    return pl.pallas_call(
        _ln_body,
        grid=(nrow // TB,),
        in_specs=[
            pl.BlockSpec((TB, 2 * _D), lambda i: (i, 0)),
            pl.BlockSpec((1, 2 * _D), lambda i: (0, 0)),
            pl.BlockSpec((1, 2 * _D), lambda i: (0, 0)),
        ],
        out_specs=pl.BlockSpec((TB, 2 * _D), lambda i: (i, 0)),
        out_shape=jax.ShapeDtypeStruct((nrow, 2 * _D), jnp.float32),
    )(pe, gamma, beta)


def kernel(id, start, emb0, emb1, emb2, gamma, beta):
    B, L = id.shape
    ntok = B * L
    r0, r1, r2 = _mod_hashes(id, start)
    nr = ntok // 128
    pe = _sc_gather_sum(
        emb0, emb1, emb2,
        r0.reshape(nr, 128), r1.reshape(nr, 128), r2.reshape(nr, 128),
    )
    g2 = jnp.concatenate([gamma, gamma]).reshape(1, 2 * _D)
    b2 = jnp.concatenate([beta, beta]).reshape(1, 2 * _D)
    out = _layer_norm(pe, g2, b2)
    return out.reshape(B, L, _D)

# --- scband reference (transcript-rebuilt; emitter-appended) ---
"""Pipeline reference for scband-num-embedding-77077483094482 (READ-ONLY COPY).

The authoritative reference and input builder live on the scoring server;
editing this copy changes nothing except your own understanding.
"""

import jax, jax.numpy as jnp
import numpy as np

NUMBERS = (99991, 100003, 100019)
D = 64
B, L = 4096, 200


def setup_inputs(seed: int = 0) -> dict:
    key = jax.random.key(seed)
    k_id, k_start, k0, k1, k2 = jax.random.split(key, 5)
    inp = {}
    inp["id"] = jax.random.randint(k_id, (B, L), 0, 1000000, dtype=jnp.int32)
    # torch forward draws start = randint(0, 1e9, (B, 1)) each call; we materialize it
    # deterministically here so torch/jax comparisons can inject the same values.
    inp["start"] = jax.random.randint(k_start, (B, 1), 0, 1000000000, dtype=jnp.int32)
    inp["emb0"] = jax.random.normal(k0, (NUMBERS[0], D), dtype=jnp.float32) * 0.02
    inp["emb1"] = jax.random.normal(k1, (NUMBERS[1], D), dtype=jnp.float32) * 0.02
    inp["emb2"] = jax.random.normal(k2, (NUMBERS[2], D), dtype=jnp.float32) * 0.02
    inp["gamma"] = jnp.ones((D,), dtype=jnp.float32)
    inp["beta"] = jnp.zeros((D,), dtype=jnp.float32)
    return inp


def _layer_norm(x, gamma, beta, eps=1e-5):
    mu = jnp.mean(x, axis=-1, keepdims=True)
    var = jnp.mean((x - mu) ** 2, axis=-1, keepdims=True)
    return (x - mu) / jnp.sqrt(var + eps) * gamma + beta


def reference(id, start, emb0, emb1, emb2, gamma, beta):
    idx = start + id  # broadcast [B,1] + [B,L] -> [B,L]; max < 2^31, int32 safe
    pe = (
        jnp.take(emb0, idx % NUMBERS[0], axis=0)
        + jnp.take(emb1, idx % NUMBERS[1], axis=0)
        + jnp.take(emb2, idx % NUMBERS[2], axis=0)
    )
    return _layer_norm(pe, gamma, beta)

if __name__ == "__main__":
    import jax
    _d = setup_inputs()
    print(jax.jit(kernel)(*tuple(_d.values())))

</pallas_src>

<mosaic_0001>
#map = affine_map<(d0, d1) -> (0, 0)>
module attributes {stable_mosaic.version = 14 : i64} {
  func.func @k(%arg0: i32, %arg1: i32, %arg2: memref<99991x64xf32, #tpu.memory_space<hbm>>, %arg3: memref<100003x64xf32, #tpu.memory_space<hbm>>, %arg4: memref<100019x64xf32, #tpu.memory_space<hbm>>, %arg5: memref<6400x128xi32, #tpu.memory_space<hbm>>, %arg6: memref<6400x128xi32, #tpu.memory_space<hbm>>, %arg7: memref<6400x128xi32, #tpu.memory_space<hbm>>, %arg8: memref<409600x128xf32, #tpu.memory_space<hbm>>, %arg9: memref<128x64xf32, #tpu.memory_space<vmem>>, %arg10: memref<128x64xf32, #tpu.memory_space<vmem>>, %arg11: memref<128x64xf32, #tpu.memory_space<vmem>>, %arg12: memref<128x64xf32, #tpu.memory_space<vmem>>, %arg13: memref<128x64xf32, #tpu.memory_space<vmem>>, %arg14: memref<128x64xf32, #tpu.memory_space<vmem>>, %arg15: memref<128x64xf32, #tpu.memory_space<vmem>>, %arg16: memref<128x64xf32, #tpu.memory_space<vmem>>, %arg17: memref<128x64xf32, #tpu.memory_space<vmem>>, %arg18: memref<128xi32, #tpu.memory_space<vmem>>, %arg19: memref<128xi32, #tpu.memory_space<vmem>>, %arg20: memref<128xi32, #tpu.memory_space<vmem>>, %arg21: memref<128xi32, #tpu.memory_space<vmem>>, %arg22: memref<128xi32, #tpu.memory_space<vmem>>, %arg23: memref<128xi32, #tpu.memory_space<vmem>>, %arg24: memref<128xi32, #tpu.memory_space<vmem>>, %arg25: memref<128xi32, #tpu.memory_space<vmem>>, %arg26: memref<128xi32, #tpu.memory_space<vmem>>, %arg27: memref<1xi32, #tpu.memory_space<smem>>, %arg28: memref<!tpu.dma_semaphore, #tpu.memory_space<semaphore_mem>>, %arg29: memref<!tpu.dma_semaphore, #tpu.memory_space<semaphore_mem>>, %arg30: memref<!tpu.dma_semaphore, #tpu.memory_space<semaphore_mem>>, %arg31: memref<!tpu.dma_semaphore, #tpu.memory_space<semaphore_mem>>, %arg32: memref<!tpu.dma_semaphore, #tpu.memory_space<semaphore_mem>>, %arg33: memref<!tpu.dma_semaphore, #tpu.memory_space<semaphore_mem>>, %arg34: memref<!tpu.dma_semaphore, #tpu.memory_space<semaphore_mem>>, %arg35: memref<!tpu.dma_semaphore, #tpu.memory_space<semaphore_mem>>, %arg36: memref<!tpu.dma_semaphore, #tpu.memory_space<semaphore_mem>>) attributes {dimension_semantics = [#tpu.dimension_semantics<core_parallel>, #tpu.dimension_semantics<subcore_parallel>], iteration_bounds = array<i64: 2, 16>, scalar_prefetch = 0 : i64, scratch_operands = 28 : i64, tpu.core_type = #tpu.core_type<sc_vector_subcore>, window_params = [{transform_indices = #map}, {transform_indices = #map}, {transform_indices = #map}, {transform_indices = #map}, {transform_indices = #map}, {transform_indices = #map}, {transform_indices = #map}]} {
    %swap3A = arith.constant 0 : i32
    %swap3A_0 = arith.constant 0 : i32
    %swap3A_1 = arith.index_cast %swap3A_0 : i32 to index
    %swap3A_2 = memref.load %arg27[%swap3A_1] : memref<1xi32, #tpu.memory_space<smem>>
    memref.store %swap3A, %arg27[%swap3A_1] : memref<1xi32, #tpu.memory_space<smem>>
    %mul3A = arith.constant 1 : i32
    %mul3A_3 = arith.muli %arg1, %mul3A : i32
    %add3A = arith.constant 0 : i32
    %add3A_4 = arith.addi %add3A, %mul3A_3 : i32
    %mul3A_5 = arith.constant 16 : i32
    %mul3A_6 = arith.muli %arg0, %mul3A_5 : i32
    %add3A_7 = arith.addi %add3A_4, %mul3A_6 : i32
    %mul3A_8 = arith.constant 1 : i32
    %mul3A_9 = arith.muli %add3A_7, %mul3A_8 : i32
    "tpu.region"() ({
      %run_scoped3A = memref.alloca() : memref<2x1x128xi32, #tpu.memory_space<vmem>>
      %run_scoped3A_10 = tpu.sem_alloc : memref<2x!tpu.dma_semaphore, #tpu.memory_space<semaphore_mem>>
      %run_scoped3A_11 = memref.alloca() : memref<2x1x128xi32, #tpu.memory_space<vmem>>
      %run_scoped3A_12 = tpu.sem_alloc : memref<2x!tpu.dma_semaphore, #tpu.memory_space<semaphore_mem>>
      %run_scoped3A_13 = memref.alloca() : memref<2x1x128xi32, #tpu.memory_space<vmem>>
      %run_scoped3A_14 = tpu.sem_alloc : memref<2x!tpu.dma_semaphore, #tpu.memory_space<semaphore_mem>>
      %run_scoped3A_15 = memref.alloca() : memref<2x64x128xf32, #tpu.memory_space<vmem>>
      %run_scoped3A_16 = tpu.sem_alloc : memref<2x!tpu.dma_semaphore, #tpu.memory_space<semaphore_mem>>
      %add3A_17 = arith.constant 0 : i32
      %add3A_18 = arith.addi %add3A_17, %mul3A_9 : i32
      %select_n3A = arith.constant true
      %select_n3A_19 = arith.constant 0 : i32
      %select_n3A_20 = arith.constant -1 : i32
      %select_n3A_21 = arith.select %select_n3A, %select_n3A_20, %select_n3A_19 : i32
      %eq3A = arith.constant -1 : i32
      %eq3A_22 = arith.cmpi eq, %select_n3A_21, %eq3A : i32
      %select_n3A_23 = arith.constant 201 : i32
      %select_n3A_24 = arith.select %eq3A_22, %select_n3A_23, %select_n3A_21 : i32
      %select_n3A_25 = arith.constant 0 : i32
      %select_n3A_26 = arith.constant -1 : i32
      %select_n3A_27 = arith.select %eq3A_22, %select_n3A_26, %select_n3A_25 : i32
      %eq3A_28 = arith.constant -1 : i32
      %eq3A_29 = arith.cmpi eq, %select_n3A_27, %eq3A_28 : i32
      %select_n3A_30 = arith.constant 0 : i32
      %select_n3A_31 = arith.select %eq3A_29, %select_n3A_30, %select_n3A_27 : i32
      %add3A_32 = arith.constant 0 : i32
      %add3A_33 = arith.addi %add3A_32, %mul3A_9 : i32
      %add3A_34 = arith.constant 0 : i32
      %add3A_35 = arith.addi %select_n3A_24, %add3A_34 : i32
      %select_n3A_36 = arith.constant true
      %select_n3A_37 = arith.constant 0 : i32
      %select_n3A_38 = arith.constant 1 : i32
      %select_n3A_39 = arith.select %select_n3A_36, %select_n3A_38, %select_n3A_37 : i32
      %eq3A_40 = arith.constant 202 : i32
      %eq3A_41 = arith.cmpi eq, %select_n3A_39, %eq3A_40 : i32
      %select_n3A_42 = arith.constant 0 : i32
      %select_n3A_43 = arith.select %eq3A_41, %select_n3A_42, %select_n3A_39 : i32
      %select_n3A_44 = arith.constant 0 : i32
      %select_n3A_45 = arith.constant 1 : i32
      %select_n3A_46 = arith.select %eq3A_41, %select_n3A_45, %select_n3A_44 : i32
      %eq3A_47 = arith.constant 1 : i32
      %eq3A_48 = arith.cmpi eq, %select_n3A_46, %eq3A_47 : i32
      %select_n3A_49 = arith.constant 0 : i32
      %select_n3A_50 = arith.select %eq3A_48, %select_n3A_49, %select_n3A_46 : i32
      %add3A_51 = arith.constant 0 : i32
      %add3A_52 = arith.addi %add3A_51, %mul3A_9 : i32
      %add3A_53 = arith.constant 0 : i32
      %add3A_54 = arith.addi %select_n3A_43, %add3A_53 : i32
      %add3A_55 = arith.constant 1 : i32
      %add3A_56 = arith.addi %select_n3A_43, %add3A_55 : i32
      %select_n3A_57 = arith.constant true
      %select_n3A_58 = arith.select %select_n3A_57, %add3A_56, %select_n3A_43 : i32
      %eq3A_59 = arith.constant 202 : i32
      %eq3A_60 = arith.cmpi eq, %select_n3A_58, %eq3A_59 : i32
      %select_n3A_61 = arith.constant 0 : i32
      %select_n3A_62 = arith.select %eq3A_60, %select_n3A_61, %select_n3A_58 : i32
      %select_n3A_63 = arith.constant 0 : i32
      %select_n3A_64 = arith.constant 1 : i32
      %select_n3A_65 = arith.select %eq3A_60, %select_n3A_64, %select_n3A_63 : i32
      %eq3A_66 = arith.constant 1 : i32
      %eq3A_67 = arith.cmpi eq, %select_n3A_65, %eq3A_66 : i32
      %select_n3A_68 = arith.constant 0 : i32
      %select_n3A_69 = arith.select %eq3A_67, %select_n3A_68, %select_n3A_65 : i32
      %add3A_70 = arith.constant 0 : i32
      %add3A_71 = arith.addi %add3A_70, %mul3A_9 : i32
      %add3A_72 = arith.constant 0 : i32
      %add3A_73 = arith.addi %select_n3A_62, %add3A_72 : i32
      "tpu.trace_start"() <{level = 10 : i32, message = "ep_initialize_0"}> : () -> ()
      %rem3A = arith.constant 0 : i32
      %rem3A_74 = arith.constant 2 : i32
      %rem3A_75 = arith.remui %rem3A, %rem3A_74 : i32
      %mul3A_76 = arith.constant 200 : i32
      %mul3A_77 = arith.muli %add3A_18, %mul3A_76 : i32
      %min3A = arith.constant 0 : i32
      %min3A_78 = arith.constant 199 : i32
      %min3A_79 = arith.minsi %min3A, %min3A_78 : i32
      %add3A_80 = arith.addi %mul3A_77, %min3A_79 : i32
      %mul3A_81 = arith.constant 1 : i32
      %mul3A_82 = arith.muli %mul3A_81, %add3A_80 : i32
      %dma_start3A = arith.constant 0 : i32
      %dma_start3A_83 = arith.constant 0 : i32
      %dma_start3A_84 = tpu.memref_slice %run_scoped3A[%rem3A_75, %dma_start3A, %dma_start3A_83] : memref<2x1x128xi32, #tpu.memory_space<vmem>> -> memref<1x1x128xi32, #tpu.memory_space<vmem>>
      %dma_start3A_85 = tpu.memref_squeeze %dma_start3A_84 : memref<1x1x128xi32, #tpu.memory_space<vmem>> -> memref<1x128xi32, #tpu.memory_space<vmem>>
      %dma_start3A_86 = arith.constant 0 : i32
      %dma_start3A_87 = tpu.memref_slice %arg5[%mul3A_82, %dma_start3A_86] : memref<6400x128xi32, #tpu.memory_space<hbm>> -> memref<1x128xi32, #tpu.memory_space<hbm>>
      %dma_start3A_88 = tpu.memref_slice %run_scoped3A_10[%rem3A_75] : memref<2x!tpu.dma_semaphore, #tpu.memory_space<semaphore_mem>> -> memref<1x!tpu.dma_semaphore, #tpu.memory_space<semaphore_mem>>
      %dma_start3A_89 = tpu.memref_squeeze %dma_start3A_88 : memref<1x!tpu.dma_semaphore, #tpu.memory_space<semaphore_mem>> -> memref<!tpu.dma_semaphore, #tpu.memory_space<semaphore_mem>>
      %dma_start3A_90 = arith.constant 0 : i32
      %dma_start3A_91 = arith.constant 0 : i32
      %dma_start3A_92 = tpu.memref_slice %run_scoped3A[%rem3A_75, %dma_start3A_90, %dma_start3A_91] : memref<2x1x128xi32, #tpu.memory_space<vmem>> -> memref<1x1x128xi32, #tpu.memory_space<vmem>>
      %dma_start3A_93 = tpu.memref_squeeze %dma_start3A_92 : memref<1x1x128xi32, #tpu.memory_space<vmem>> -> memref<1x128xi32, #tpu.memory_space<vmem>>
      %dma_start3A_94 = arith.constant 0 : i32
      %dma_start3A_95 = tpu.memref_slice %arg5[%mul3A_82, %dma_start3A_94] : memref<6400x128xi32, #tpu.memory_space<hbm>> -> memref<1x128xi32, #tpu.memory_space<hbm>>
      tpu.enqueue_dma source(%dma_start3A_95 : memref<1x128xi32, #tpu.memory_space<hbm>>) target(%dma_start3A_93 : memref<1x128xi32, #tpu.memory_space<vmem>>) target_semaphore(%dma_start3A_89 : memref<!tpu.dma_semaphore, #tpu.memory_space<semaphore_mem>>)
      %add3A_96 = arith.constant 0 : i32
      %add3A_97 = arith.constant 1 : i32
      %add3A_98 = arith.addi %add3A_96, %add3A_97 : i32
      %select_n3A_99 = arith.constant true
      %select_n3A_100 = arith.constant 0 : i32
      %select_n3A_101 = arith.select %select_n3A_99, %add3A_98, %select_n3A_100 : i32
      %rem3A_102 = arith.constant 0 : i32
      %rem3A_103 = arith.constant 2 : i32
      %rem3A_104 = arith.remui %rem3A_102, %rem3A_103 : i32
      %mul3A_105 = arith.constant 200 : i32
      %mul3A_106 = arith.muli %add3A_18, %mul3A_105 : i32
      %min3A_107 = arith.constant 0 : i32
      %min3A_108 = arith.constant 199 : i32
      %min3A_109 = arith.minsi %min3A_107, %min3A_108 : i32
      %add3A_110 = arith.addi %mul3A_106, %min3A_109 : i32
      %mul3A_111 = arith.constant 1 : i32
      %mul3A_112 = arith.muli %mul3A_111, %add3A_110 : i32
      %dma_start3A_113 = arith.constant 0 : i32
      %dma_start3A_114 = arith.constant 0 : i32
      %dma_start3A_115 = tpu.memref_slice %run_scoped3A_11[%rem3A_104, %dma_start3A_113, %dma_start3A_114] : memref<2x1x128xi32, #tpu.memory_space<vmem>> -> memref<1x1x128xi32, #tpu.memory_space<vmem>>
      %dma_start3A_116 = tpu.memref_squeeze %dma_start3A_115 : memref<1x1x128xi32, #tpu.memory_space<vmem>> -> memref<1x128xi32, #tpu.memory_space<vmem>>
      %dma_start3A_117 = arith.constant 0 : i32
      %dma_start3A_118 = tpu.memref_slice %arg6[%mul3A_112, %dma_start3A_117] : memref<6400x128xi32, #tpu.memory_space<hbm>> -> memref<1x128xi32, #tpu.memory_space<hbm>>
      %dma_start3A_119 = tpu.memref_slice %run_scoped3A_12[%rem3A_104] : memref<2x!tpu.dma_semaphore, #tpu.memory_space<semaphore_mem>> -> memref<1x!tpu.dma_semaphore, #tpu.memory_space<semaphore_mem>>
      %dma_start3A_120 = tpu.memref_squeeze %dma_start3A_119 : memref<1x!tpu.dma_semaphore, #tpu.memory_space<semaphore_mem>> -> memref<!tpu.dma_semaphore, #tpu.memory_space<semaphore_mem>>
      %dma_start3A_121 = arith.constant 0 : i32
      %dma_start3A_122 = arith.constant 0 : i32
      %dma_start3A_123 = tpu.memref_slice %run_scoped3A_11[%rem3A_104, %dma_start3A_121, %dma_start3A_122] : memref<2x1x128xi32, #tpu.memory_space<vmem>> -> memref<1x1x128xi32, #tpu.memory_space<vmem>>
      %dma_start3A_124 = tpu.memref_squeeze %dma_start3A_123 : memref<1x1x128xi32, #tpu.memory_space<vmem>> -> memref<1x128xi32, #tpu.memory_space<vmem>>
      %dma_start3A_125 = arith.constant 0 : i32
      %dma_start3A_126 = tpu.memref_slice %arg6[%mul3A_112, %dma_start3A_125] : memref<6400x128xi32, #tpu.memory_space<hbm>> -> memref<1x128xi32, #tpu.memory_space<hbm>>
      tpu.enqueue_dma source(%dma_start3A_126 : memref<1x128xi32, #tpu.memory_space<hbm>>) target(%dma_start3A_124 : memref<1x128xi32, #tpu.memory_space<vmem>>) target_semaphore(%dma_start3A_120 : memref<!tpu.dma_semaphore, #tpu.memory_space<semaphore_mem>>)
      %add3A_127 = arith.constant 0 : i32
      %add3A_128 = arith.constant 1 : i32
      %add3A_129 = arith.addi %add3A_127, %add3A_128 : i32
      %select_n3A_130 = arith.constant true
      %select_n3A_131 = arith.constant 0 : i32
      %select_n3A_132 = arith.select %select_n3A_130, %add3A_129, %select_n3A_131 : i32
      %rem3A_133 = arith.constant 0 : i32
      %rem3A_134 = arith.constant 2 : i32
      %rem3A_135 = arith.remui %rem3A_133, %rem3A_134 : i32
      %mul3A_136 = arith.constant 200 : i32
      %mul3A_137 = arith.muli %add3A_18, %mul3A_136 : i32
      %min3A_138 = arith.constant 0 : i32
      %min3A_139 = arith.constant 199 : i32
      %min3A_140 = arith.minsi %min3A_138, %min3A_139 : i32
      %add3A_141 = arith.addi %mul3A_137, %min3A_140 : i32
      %mul3A_142 = arith.constant 1 : i32
      %mul3A_143 = arith.muli %mul3A_142, %add3A_141 : i32
      %dma_start3A_144 = arith.constant 0 : i32
      %dma_start3A_145 = arith.constant 0 : i32
      %dma_start3A_146 = tpu.memref_slice %run_scoped3A_13[%rem3A_135, %dma_start3A_144, %dma_start3A_145] : memref<2x1x128xi32, #tpu.memory_space<vmem>> -> memref<1x1x128xi32, #tpu.memory_space<vmem>>
      %dma_start3A_147 = tpu.memref_squeeze %dma_start3A_146 : memref<1x1x128xi32, #tpu.memory_space<vmem>> -> memref<1x128xi32, #tpu.memory_space<vmem>>
      %dma_start3A_148 = arith.constant 0 : i32
      %dma_start3A_149 = tpu.memref_slice %arg7[%mul3A_143, %dma_start3A_148] : memref<6400x128xi32, #tpu.memory_space<hbm>> -> memref<1x128xi32, #tpu.memory_space<hbm>>
      %dma_start3A_150 = tpu.memref_slice %run_scoped3A_14[%rem3A_135] : memref<2x!tpu.dma_semaphore, #tpu.memory_space<semaphore_mem>> -> memref<1x!tpu.dma_semaphore, #tpu.memory_space<semaphore_mem>>
      %dma_start3A_151 = tpu.memref_squeeze %dma_start3A_150 : memref<1x!tpu.dma_semaphore, #tpu.memory_space<semaphore_mem>> -> memref<!tpu.dma_semaphore, #tpu.memory_space<semaphore_mem>>
      %dma_start3A_152 = arith.constant 0 : i32
      %dma_start3A_153 = arith.constant 0 : i32
      %dma_start3A_154 = tpu.memref_slice %run_scoped3A_13[%rem3A_135, %dma_start3A_152, %dma_start3A_153] : memref<2x1x128xi32, #tpu.memory_space<vmem>> -> memref<1x1x128xi32, #tpu.memory_space<vmem>>
      %dma_start3A_155 = tpu.memref_squeeze %dma_start3A_154 : memref<1x1x128xi32, #tpu.memory_space<vmem>> -> memref<1x128xi32, #tpu.memory_space<vmem>>
      %dma_start3A_156 = arith.constant 0 : i32
      %dma_start3A_157 = tpu.memref_slice %arg7[%mul3A_143, %dma_start3A_156] : memref<6400x128xi32, #tpu.memory_space<hbm>> -> memref<1x128xi32, #tpu.memory_space<hbm>>
      tpu.enqueue_dma source(%dma_start3A_157 : memref<1x128xi32, #tpu.memory_space<hbm>>) target(%dma_start3A_155 : memref<1x128xi32, #tpu.memory_space<vmem>>) target_semaphore(%dma_start3A_151 : memref<!tpu.dma_semaphore, #tpu.memory_space<semaphore_mem>>)
      %add3A_158 = arith.constant 0 : i32
      %add3A_159 = arith.constant 1 : i32
      %add3A_160 = arith.addi %add3A_158, %add3A_159 : i32
      %select_n3A_161 = arith.constant true
      %select_n3A_162 = arith.constant 0 : i32
      %select_n3A_163 = arith.select %select_n3A_161, %add3A_160, %select_n3A_162 : i32
      "tpu.trace_stop"() : () -> ()
      %scan3A = arith.constant 0 : i32
      %scan3A_164 = arith.constant 0 : i32
      %scan3A_165 = arith.constant 0 : i32
      %scan3A_166 = arith.constant 0 : i32
      %scan3A_167 = arith.constant 0 : i32
      %scan3A_168 = arith.constant 0 : i32
      %scan3A_169 = arith.constant 0 : i32
      %scan3A_170 = arith.constant 0 : i32
      %scan3A_171 = arith.constant 202 : i32
      %scan3A_172 = arith.addi %scan3A_170, %scan3A_171 : i32
      %scan3A_173 = arith.constant 1 : i32
      %scan3A_174:10 = scf.for %scan3A_274 = %scan3A_170 to %scan3A_172 step %scan3A_173 iter_args(%scan3A_275 = %select_n3A_101, %scan3A_276 = %scan3A, %scan3A_277 = %select_n3A_132, %scan3A_278 = %scan3A_164, %scan3A_279 = %select_n3A_163, %scan3A_280 = %scan3A_165, %scan3A_281 = %scan3A_166, %scan3A_282 = %scan3A_167, %scan3A_283 = %scan3A_168, %scan3A_284 = %scan3A_169) -> (i32, i32, i32, i32, i32, i32, i32, i32, i32, i32)  : i32 {
        %eq3A_285 = arith.constant 0 : i32
        %eq3A_286 = arith.cmpi eq, %scan3A_274, %eq3A_285 : i32
        %eq3A_287 = arith.constant 201 : i32
        %eq3A_288 = arith.cmpi eq, %scan3A_274, %eq3A_287 : i32
        %add3A_289 = arith.constant 0 : i32
        %add3A_290 = arith.addi %add3A_289, %mul3A_9 : i32
        %add3A_291 = arith.constant 0 : i32
        %add3A_292 = arith.addi %scan3A_284, %add3A_291 : i32
        %sub3A_293 = arith.constant 1 : i32
        %sub3A_294 = arith.subi %scan3A_284, %sub3A_293 : i32
        %select_n3A_295 = arith.constant true
        %select_n3A_296 = arith.select %select_n3A_295, %sub3A_294, %scan3A_284 : i32
        %eq3A_297 = arith.constant -1 : i32
        %eq3A_298 = arith.cmpi eq, %select_n3A_296, %eq3A_297 : i32
        %select_n3A_299 = arith.constant 201 : i32
        %select_n3A_300 = arith.select %eq3A_298, %select_n3A_299, %select_n3A_296 : i32
        %select_n3A_301 = arith.constant 0 : i32
        %select_n3A_302 = arith.constant -1 : i32
        %select_n3A_303 = arith.select %eq3A_298, %select_n3A_302, %select_n3A_301 : i32
        %eq3A_304 = arith.constant -1 : i32
        %eq3A_305 = arith.cmpi eq, %select_n3A_303, %eq3A_304 : i32
        %select_n3A_306 = arith.constant 0 : i32
        %select_n3A_307 = arith.select %eq3A_305, %select_n3A_306, %select_n3A_303 : i32
        %add3A_308 = arith.constant 0 : i32
        %add3A_309 = arith.addi %add3A_308, %mul3A_9 : i32
        %add3A_310 = arith.constant 0 : i32
        %add3A_311 = arith.addi %select_n3A_300, %add3A_310 : i32
        %add3A_312 = arith.constant 1 : i32
        %add3A_313 = arith.addi %scan3A_284, %add3A_312 : i32
        %select_n3A_314 = arith.constant true
        %select_n3A_315 = arith.select %select_n3A_314, %add3A_313, %scan3A_284 : i32
        %eq3A_316 = arith.constant 202 : i32
        %eq3A_317 = arith.cmpi eq, %select_n3A_315, %eq3A_316 : i32
        %select_n3A_318 = arith.constant 0 : i32
        %select_n3A_319 = arith.select %eq3A_317, %select_n3A_318, %select_n3A_315 : i32
        %select_n3A_320 = arith.constant 0 : i32
        %select_n3A_321 = arith.constant 1 : i32
        %select_n3A_322 = arith.select %eq3A_317, %select_n3A_321, %select_n3A_320 : i32
        %eq3A_323 = arith.constant 1 : i32
        %eq3A_324 = arith.cmpi eq, %select_n3A_322, %eq3A_323 : i32
        %select_n3A_325 = arith.constant 0 : i32
        %select_n3A_326 = arith.select %eq3A_324, %select_n3A_325, %select_n3A_322 : i32
        %add3A_327 = arith.constant 0 : i32
        %add3A_328 = arith.addi %add3A_327, %mul3A_9 : i32
        %add3A_329 = arith.constant 0 : i32
        %add3A_330 = arith.addi %select_n3A_319, %add3A_329 : i32
        %add3A_331 = arith.constant 1 : i32
        %add3A_332 = arith.addi %select_n3A_319, %add3A_331 : i32
        %select_n3A_333 = arith.constant true
        %select_n3A_334 = arith.select %select_n3A_333, %add3A_332, %select_n3A_319 : i32
        %eq3A_335 = arith.constant 202 : i32
        %eq3A_336 = arith.cmpi eq, %select_n3A_334, %eq3A_335 : i32
        %select_n3A_337 = arith.constant 0 : i32
        %select_n3A_338 = arith.select %eq3A_336, %select_n3A_337, %select_n3A_334 : i32
        %select_n3A_339 = arith.constant 0 : i32
        %select_n3A_340 = arith.constant 1 : i32
        %select_n3A_341 = arith.select %eq3A_336, %select_n3A_340, %select_n3A_339 : i32
        %eq3A_342 = arith.constant 1 : i32
        %eq3A_343 = arith.cmpi eq, %select_n3A_341, %eq3A_342 : i32
        %select_n3A_344 = arith.constant 0 : i32
        %select_n3A_345 = arith.select %eq3A_343, %select_n3A_344, %select_n3A_341 : i32
        %add3A_346 = arith.constant 0 : i32
        %add3A_347 = arith.addi %add3A_346, %mul3A_9 : i32
        %add3A_348 = arith.constant 0 : i32
        %add3A_349 = arith.addi %select_n3A_338, %add3A_348 : i32
        %mul3A_350 = arith.constant 200 : i32
        %mul3A_351 = arith.muli %add3A_290, %mul3A_350 : i32
        %min3A_352 = arith.constant 199 : i32
        %min3A_353 = arith.minsi %add3A_292, %min3A_352 : i32
        %add3A_354 = arith.addi %mul3A_351, %min3A_353 : i32
        %mul3A_355 = arith.constant 200 : i32
        %mul3A_356 = arith.muli %add3A_328, %mul3A_355 : i32
        %min3A_357 = arith.constant 199 : i32
        %min3A_358 = arith.minsi %add3A_330, %min3A_357 : i32
        %add3A_359 = arith.addi %mul3A_356, %min3A_358 : i32
        %ne3A = arith.cmpi ne, %add3A_354, %add3A_359 : i32
        %or3A = arith.constant false
        %or3A_360 = arith.ori %or3A, %ne3A : i1
        %or3A_361 = arith.constant false
        %or3A_362 = arith.ori %or3A_360, %or3A_361 : i1
        %ge3A = arith.constant 201 : i32
        %ge3A_363 = arith.cmpi sge, %scan3A_274, %ge3A : i32
        %not3A = arith.constant true
        %not3A_364 = arith.xori %ge3A_363, %not3A : i1
        %and3A = arith.andi %or3A_362, %not3A_364 : i1
        %convert_element_type3A = arith.extui %and3A : i1 to i32
        %cond3A = arith.constant 0 : i32
        %cond3A_365 = arith.cmpi ne, %convert_element_type3A, %cond3A : i32
        scf.if %cond3A_365 {
          "tpu.trace_start"() <{level = 10 : i32, message = "ep_copy_in"}> : () -> ()
          %rem3A_857 = arith.constant 2 : i32
          %rem3A_858 = arith.remui %scan3A_275, %rem3A_857 : i32
          %mul3A_859 = arith.constant 200 : i32
          %mul3A_860 = arith.muli %add3A_328, %mul3A_859 : i32
          %min3A_861 = arith.constant 199 : i32
          %min3A_862 = arith.minsi %add3A_330, %min3A_861 : i32
          %add3A_863 = arith.addi %mul3A_860, %min3A_862 : i32
          %mul3A_864 = arith.constant 1 : i32
          %mul3A_865 = arith.muli %mul3A_864, %add3A_863 : i32
          %dma_start3A_866 = arith.constant 0 : i32
          %dma_start3A_867 = arith.constant 0 : i32
          %dma_start3A_868 = tpu.memref_slice %run_scoped3A[%rem3A_858, %dma_start3A_866, %dma_start3A_867] : memref<2x1x128xi32, #tpu.memory_space<vmem>> -> memref<1x1x128xi32, #tpu.memory_space<vmem>>
          %dma_start3A_869 = tpu.memref_squeeze %dma_start3A_868 : memref<1x1x128xi32, #tpu.memory_space<vmem>> -> memref<1x128xi32, #tpu.memory_space<vmem>>
          %dma_start3A_870 = arith.constant 0 : i32
          %dma_start3A_871 = tpu.memref_slice %arg5[%mul3A_865, %dma_start3A_870] : memref<6400x128xi32, #tpu.memory_space<hbm>> -> memref<1x128xi32, #tpu.memory_space<hbm>>
          %dma_start3A_872 = tpu.memref_slice %run_scoped3A_10[%rem3A_858] : memref<2x!tpu.dma_semaphore, #tpu.memory_space<semaphore_mem>> -> memref<1x!tpu.dma_semaphore, #tpu.memory_space<semaphore_mem>>
          %dma_start3A_873 = tpu.memref_squeeze %dma_start3A_872 : memref<1x!tpu.dma_semaphore, #tpu.memory_space<semaphore_mem>> -> memref<!tpu.dma_semaphore, #tpu.memory_space<semaphore_mem>>
          %dma_start3A_874 = arith.constant 0 : i32
          %dma_start3A_875 = arith.constant 0 : i32
          %dma_start3A_876 = tpu.memref_slice %run_scoped3A[%rem3A_858, %dma_start3A_874, %dma_start3A_875] : memref<2x1x128xi32, #tpu.memory_space<vmem>> -> memref<1x1x128xi32, #tpu.memory_space<vmem>>
          %dma_start3A_877 = tpu.memref_squeeze %dma_start3A_876 : memref<1x1x128xi32, #tpu.memory_space<vmem>> -> memref<1x128xi32, #tpu.memory_space<vmem>>
          %dma_start3A_878 = arith.constant 0 : i32
          %dma_start3A_879 = tpu.memref_slice %arg5[%mul3A_865, %dma_start3A_878] : memref<6400x128xi32, #tpu.memory_space<hbm>> -> memref<1x128xi32, #tpu.memory_space<hbm>>
          tpu.enqueue_dma source(%dma_start3A_879 : memref<1x128xi32, #tpu.memory_space<hbm>>) target(%dma_start3A_877 : memref<1x128xi32, #tpu.memory_space<vmem>>) target_semaphore(%dma_start3A_873 : memref<!tpu.dma_semaphore, #tpu.memory_space<semaphore_mem>>)
          "tpu.trace_stop"() : () -> ()
        } else {
        }
        %and3A_366 = arith.constant true
        %and3A_367 = arith.andi %and3A, %and3A_366 : i1
        %add3A_368 = arith.constant 1 : i32
        %add3A_369 = arith.addi %scan3A_275, %add3A_368 : i32
        %select_n3A_370 = arith.select %and3A_367, %add3A_369, %scan3A_275 : i32
        %mul3A_371 = arith.constant 200 : i32
        %mul3A_372 = arith.muli %add3A_290, %mul3A_371 : i32
        %min3A_373 = arith.constant 199 : i32
        %min3A_374 = arith.minsi %add3A_292, %min3A_373 : i32
        %add3A_375 = arith.addi %mul3A_372, %min3A_374 : i32
        %mul3A_376 = arith.constant 200 : i32
        %mul3A_377 = arith.muli %add3A_328, %mul3A_376 : i32
        %min3A_378 = arith.constant 199 : i32
        %min3A_379 = arith.minsi %add3A_330, %min3A_378 : i32
        %add3A_380 = arith.addi %mul3A_377, %min3A_379 : i32
        %ne3A_381 = arith.cmpi ne, %add3A_375, %add3A_380 : i32
        %or3A_382 = arith.constant false
        %or3A_383 = arith.ori %or3A_382, %ne3A_381 : i1
        %or3A_384 = arith.constant false
        %or3A_385 = arith.ori %or3A_383, %or3A_384 : i1
        %ge3A_386 = arith.constant 201 : i32
        %ge3A_387 = arith.cmpi sge, %scan3A_274, %ge3A_386 : i32
        %not3A_388 = arith.constant true
        %not3A_389 = arith.xori %ge3A_387, %not3A_388 : i1
        %and3A_390 = arith.andi %or3A_385, %not3A_389 : i1
        %convert_element_type3A_391 = arith.extui %and3A_390 : i1 to i32
        %cond3A_392 = arith.constant 0 : i32
        %cond3A_393 = arith.cmpi ne, %convert_element_type3A_391, %cond3A_392 : i32
        scf.if %cond3A_393 {
          "tpu.trace_start"() <{level = 10 : i32, message = "ep_copy_in"}> : () -> ()
          %rem3A_857 = arith.constant 2 : i32
          %rem3A_858 = arith.remui %scan3A_277, %rem3A_857 : i32
          %mul3A_859 = arith.constant 200 : i32
          %mul3A_860 = arith.muli %add3A_328, %mul3A_859 : i32
          %min3A_861 = arith.constant 199 : i32
          %min3A_862 = arith.minsi %add3A_330, %min3A_861 : i32
          %add3A_863 = arith.addi %mul3A_860, %min3A_862 : i32
          %mul3A_864 = arith.constant 1 : i32
          %mul3A_865 = arith.muli %mul3A_864, %add3A_863 : i32
          %dma_start3A_866 = arith.constant 0 : i32
          %dma_start3A_867 = arith.constant 0 : i32
          %dma_start3A_868 = tpu.memref_slice %run_scoped3A_11[%rem3A_858, %dma_start3A_866, %dma_start3A_867] : memref<2x1x128xi32, #tpu.memory_space<vmem>> -> memref<1x1x128xi32, #tpu.memory_space<vmem>>
          %dma_start3A_869 = tpu.memref_squeeze %dma_start3A_868 : memref<1x1x128xi32, #tpu.memory_space<vmem>> -> memref<1x128xi32, #tpu.memory_space<vmem>>
          %dma_start3A_870 = arith.constant 0 : i32
          %dma_start3A_871 = tpu.memref_slice %arg6[%mul3A_865, %dma_start3A_870] : memref<6400x128xi32, #tpu.memory_space<hbm>> -> memref<1x128xi32, #tpu.memory_space<hbm>>
          %dma_start3A_872 = tpu.memref_slice %run_scoped3A_12[%rem3A_858] : memref<2x!tpu.dma_semaphore, #tpu.memory_space<semaphore_mem>> -> memref<1x!tpu.dma_semaphore, #tpu.memory_space<semaphore_mem>>
          %dma_start3A_873 = tpu.memref_squeeze %dma_start3A_872 : memref<1x!tpu.dma_semaphore, #tpu.memory_space<semaphore_mem>> -> memref<!tpu.dma_semaphore, #tpu.memory_space<semaphore_mem>>
          %dma_start3A_874 = arith.constant 0 : i32
          %dma_start3A_875 = arith.constant 0 : i32
          %dma_start3A_876 = tpu.memref_slice %run_scoped3A_11[%rem3A_858, %dma_start3A_874, %dma_start3A_875] : memref<2x1x128xi32, #tpu.memory_space<vmem>> -> memref<1x1x128xi32, #tpu.memory_space<vmem>>
          %dma_start3A_877 = tpu.memref_squeeze %dma_start3A_876 : memref<1x1x128xi32, #tpu.memory_space<vmem>> -> memref<1x128xi32, #tpu.memory_space<vmem>>
          %dma_start3A_878 = arith.constant 0 : i32
          %dma_start3A_879 = tpu.memref_slice %arg6[%mul3A_865, %dma_start3A_878] : memref<6400x128xi32, #tpu.memory_space<hbm>> -> memref<1x128xi32, #tpu.memory_space<hbm>>
          tpu.enqueue_dma source(%dma_start3A_879 : memref<1x128xi32, #tpu.memory_space<hbm>>) target(%dma_start3A_877 : memref<1x128xi32, #tpu.memory_space<vmem>>) target_semaphore(%dma_start3A_873 : memref<!tpu.dma_semaphore, #tpu.memory_space<semaphore_mem>>)
          "tpu.trace_stop"() : () -> ()
        } else {
        }
        %and3A_394 = arith.constant true
        %and3A_395 = arith.andi %and3A_390, %and3A_394 : i1
        %add3A_396 = arith.constant 1 : i32
        %add3A_397 = arith.addi %scan3A_277, %add3A_396 : i32
        %select_n3A_398 = arith.select %and3A_395, %add3A_397, %scan3A_277 : i32
        %mul3A_399 = arith.constant 200 : i32
        %mul3A_400 = arith.muli %add3A_290, %mul3A_399 : i32
        %min3A_401 = arith.constant 199 : i32
        %min3A_402 = arith.minsi %add3A_292, %min3A_401 : i32
        %add3A_403 = arith.addi %mul3A_400, %min3A_402 : i32
        %mul3A_404 = arith.constant 200 : i32
        %mul3A_405 = arith.muli %add3A_328, %mul3A_404 : i32
        %min3A_406 = arith.constant 199 : i32
        %min3A_407 = arith.minsi %add3A_330, %min3A_406 : i32
        %add3A_408 = arith.addi %mul3A_405, %min3A_407 : i32
        %ne3A_409 = arith.cmpi ne, %add3A_403, %add3A_408 : i32
        %or3A_410 = arith.constant false
        %or3A_411 = arith.ori %or3A_410, %ne3A_409 : i1
        %or3A_412 = arith.constant false
        %or3A_413 = arith.ori %or3A_411, %or3A_412 : i1
        %ge3A_414 = arith.constant 201 : i32
        %ge3A_415 = arith.cmpi sge, %scan3A_274, %ge3A_414 : i32
        %not3A_416 = arith.constant true
        %not3A_417 = arith.xori %ge3A_415, %not3A_416 : i1
        %and3A_418 = arith.andi %or3A_413, %not3A_417 : i1
        %convert_element_type3A_419 = arith.extui %and3A_418 : i1 to i32
        %cond3A_420 = arith.constant 0 : i32
        %cond3A_421 = arith.cmpi ne, %convert_element_type3A_419, %cond3A_420 : i32
        scf.if %cond3A_421 {
          "tpu.trace_start"() <{level = 10 : i32, message = "ep_copy_in"}> : () -> ()
          %rem3A_857 = arith.constant 2 : i32
          %rem3A_858 = arith.remui %scan3A_279, %rem3A_857 : i32
          %mul3A_859 = arith.constant 200 : i32
          %mul3A_860 = arith.muli %add3A_328, %mul3A_859 : i32
          %min3A_861 = arith.constant 199 : i32
          %min3A_862 = arith.minsi %add3A_330, %min3A_861 : i32
          %add3A_863 = arith.addi %mul3A_860, %min3A_862 : i32
          %mul3A_864 = arith.constant 1 : i32
          %mul3A_865 = arith.muli %mul3A_864, %add3A_863 : i32
          %dma_start3A_866 = arith.constant 0 : i32
          %dma_start3A_867 = arith.constant 0 : i32
          %dma_start3A_868 = tpu.memref_slice %run_scoped3A_13[%rem3A_858, %dma_start3A_866, %dma_start3A_867] : memref<2x1x128xi32, #tpu.memory_space<vmem>> -> memref<1x1x128xi32, #tpu.memory_space<vmem>>
          %dma_start3A_869 = tpu.memref_squeeze %dma_start3A_868 : memref<1x1x128xi32, #tpu.memory_space<vmem>> -> memref<1x128xi32, #tpu.memory_space<vmem>>
          %dma_start3A_870 = arith.constant 0 : i32
          %dma_start3A_871 = tpu.memref_slice %arg7[%mul3A_865, %dma_start3A_870] : memref<6400x128xi32, #tpu.memory_space<hbm>> -> memref<1x128xi32, #tpu.memory_space<hbm>>
          %dma_start3A_872 = tpu.memref_slice %run_scoped3A_14[%rem3A_858] : memref<2x!tpu.dma_semaphore, #tpu.memory_space<semaphore_mem>> -> memref<1x!tpu.dma_semaphore, #tpu.memory_space<semaphore_mem>>
          %dma_start3A_873 = tpu.memref_squeeze %dma_start3A_872 : memref<1x!tpu.dma_semaphore, #tpu.memory_space<semaphore_mem>> -> memref<!tpu.dma_semaphore, #tpu.memory_space<semaphore_mem>>
          %dma_start3A_874 = arith.constant 0 : i32
          %dma_start3A_875 = arith.constant 0 : i32
          %dma_start3A_876 = tpu.memref_slice %run_scoped3A_13[%rem3A_858, %dma_start3A_874, %dma_start3A_875] : memref<2x1x128xi32, #tpu.memory_space<vmem>> -> memref<1x1x128xi32, #tpu.memory_space<vmem>>
          %dma_start3A_877 = tpu.memref_squeeze %dma_start3A_876 : memref<1x1x128xi32, #tpu.memory_space<vmem>> -> memref<1x128xi32, #tpu.memory_space<vmem>>
          %dma_start3A_878 = arith.constant 0 : i32
          %dma_start3A_879 = tpu.memref_slice %arg7[%mul3A_865, %dma_start3A_878] : memref<6400x128xi32, #tpu.memory_space<hbm>> -> memref<1x128xi32, #tpu.memory_space<hbm>>
          tpu.enqueue_dma source(%dma_start3A_879 : memref<1x128xi32, #tpu.memory_space<hbm>>) target(%dma_start3A_877 : memref<1x128xi32, #tpu.memory_space<vmem>>) target_semaphore(%dma_start3A_873 : memref<!tpu.dma_semaphore, #tpu.memory_space<semaphore_mem>>)
          "tpu.trace_stop"() : () -> ()
        } else {
        }
        %and3A_422 = arith.constant true
        %and3A_423 = arith.andi %and3A_418, %and3A_422 : i1
        %add3A_424 = arith.constant 1 : i32
        %add3A_425 = arith.addi %scan3A_279, %add3A_424 : i32
        %select_n3A_426 = arith.select %and3A_423, %add3A_425, %scan3A_279 : i32
        %mul3A_427 = arith.constant 200 : i32
        %mul3A_428 = arith.muli %add3A_290, %mul3A_427 : i32
        %sub3A_429 = arith.constant 2 : i32
        %sub3A_430 = arith.subi %add3A_292, %sub3A_429 : i32
        %max3A_431 = arith.constant 0 : i32
        %max3A_432 = arith.maxsi %sub3A_430, %max3A_431 : i32
        %add3A_433 = arith.addi %mul3A_428, %max3A_432 : i32
        %mul3A_434 = arith.constant 200 : i32
        %mul3A_435 = arith.muli %add3A_328, %mul3A_434 : i32
        %sub3A_436 = arith.constant 2 : i32
        %sub3A_437 = arith.subi %add3A_330, %sub3A_436 : i32
        %max3A_438 = arith.constant 0 : i32
        %max3A_439 = arith.maxsi %sub3A_437, %max3A_438 : i32
        %add3A_440 = arith.addi %mul3A_435, %max3A_439 : i32
        %ne3A_441 = arith.cmpi ne, %add3A_433, %add3A_440 : i32
        %or3A_442 = arith.constant false
        %or3A_443 = arith.ori %or3A_442, %ne3A_441 : i1
        %or3A_444 = arith.constant false
        %or3A_445 = arith.ori %or3A_443, %or3A_444 : i1
        %ge3A_446 = arith.constant 201 : i32
        %ge3A_447 = arith.cmpi sge, %scan3A_274, %ge3A_446 : i32
        %not3A_448 = arith.constant true
        %not3A_449 = arith.xori %ge3A_447, %not3A_448 : i1
        %and3A_450 = arith.andi %or3A_445, %not3A_449 : i1
        %mul3A_451 = arith.constant 200 : i32
        %mul3A_452 = arith.muli %add3A_290, %mul3A_451 : i32
        %min3A_453 = arith.constant 199 : i32
        %min3A_454 = arith.minsi %add3A_292, %min3A_453 : i32
        %add3A_455 = arith.addi %mul3A_452, %min3A_454 : i32
        %mul3A_456 = arith.constant 200 : i32
        %mul3A_457 = arith.muli %add3A_309, %mul3A_456 : i32
        %min3A_458 = arith.constant 199 : i32
        %min3A_459 = arith.minsi %add3A_311, %min3A_458 : i32
        %add3A_460 = arith.addi %mul3A_457, %min3A_459 : i32
        %ne3A_461 = arith.cmpi ne, %add3A_455, %add3A_460 : i32
        %or3A_462 = arith.constant false
        %or3A_463 = arith.ori %or3A_462, %ne3A_461 : i1
        %or3A_464 = arith.constant false
        %or3A_465 = arith.ori %or3A_463, %or3A_464 : i1
        %or3A_466 = arith.ori %or3A_465, %eq3A_286 : i1
        %convert_element_type3A_467 = arith.extui %or3A_466 : i1 to i32
        %cond3A_468 = arith.constant 0 : i32
        %cond3A_469 = arith.cmpi ne, %convert_element_type3A_467, %cond3A_468 : i32
        scf.if %cond3A_469 {
          "tpu.trace_start"() <{level = 10 : i32, message = "ep_wait_in"}> : () -> ()
          %mul3A_857 = arith.constant 200 : i32
          %mul3A_858 = arith.muli %add3A_290, %mul3A_857 : i32
          %min3A_859 = arith.constant 199 : i32
          %min3A_860 = arith.minsi %add3A_292, %min3A_859 : i32
          %add3A_861 = arith.addi %mul3A_858, %min3A_860 : i32
          %mul3A_862 = arith.constant 1 : i32
          %mul3A_863 = arith.muli %mul3A_862, %add3A_861 : i32
          %rem3A_864 = arith.constant 2 : i32
          %rem3A_865 = arith.remui %scan3A_276, %rem3A_864 : i32
          %dma_wait3A_866 = arith.constant 0 : i32
          %dma_wait3A_867 = arith.constant 0 : i32
          %dma_wait3A_868 = tpu.memref_slice %run_scoped3A[%rem3A_865, %dma_wait3A_866, %dma_wait3A_867] : memref<2x1x128xi32, #tpu.memory_space<vmem>> -> memref<1x1x128xi32, #tpu.memory_space<vmem>>
          %dma_wait3A_869 = tpu.memref_squeeze %dma_wait3A_868 : memref<1x1x128xi32, #tpu.memory_space<vmem>> -> memref<1x128xi32, #tpu.memory_space<vmem>>
          %dma_wait3A_870 = arith.constant 0 : i32
          %dma_wait3A_871 = tpu.memref_slice %arg5[%mul3A_863, %dma_wait3A_870] : memref<6400x128xi32, #tpu.memory_space<hbm>> -> memref<1x128xi32, #tpu.memory_space<hbm>>
          %dma_wait3A_872 = tpu.memref_slice %run_scoped3A_10[%rem3A_865] : memref<2x!tpu.dma_semaphore, #tpu.memory_space<semaphore_mem>> -> memref<1x!tpu.dma_semaphore, #tpu.memory_space<semaphore_mem>>
          %dma_wait3A_873 = tpu.memref_squeeze %dma_wait3A_872 : memref<1x!tpu.dma_semaphore, #tpu.memory_space<semaphore_mem>> -> memref<!tpu.dma_semaphore, #tpu.memory_space<semaphore_mem>>
          %dma_wait3A_874 = arith.constant 0 : i32
          %dma_wait3A_875 = arith.constant 0 : i32
          %dma_wait3A_876 = tpu.memref_slice %run_scoped3A[%rem3A_865, %dma_wait3A_874, %dma_wait3A_875] : memref<2x1x128xi32, #tpu.memory_space<vmem>> -> memref<1x1x128xi32, #tpu.memory_space<vmem>>
          %dma_wait3A_877 = tpu.memref_squeeze %dma_wait3A_876 : memref<1x1x128xi32, #tpu.memory_space<vmem>> -> memref<1x128xi32, #tpu.memory_space<vmem>>
          %dma_wait3A_878 = arith.constant 0 : i32
          %dma_wait3A_879 = tpu.memref_slice %arg5[%mul3A_863, %dma_wait3A_878] : memref<6400x128xi32, #tpu.memory_space<hbm>> -> memref<1x128xi32, #tpu.memory_space<hbm>>
          tpu.wait_dma2 semaphore(%dma_wait3A_873 : memref<!tpu.dma_semaphore, #tpu.memory_space<semaphore_mem>>) src(%dma_wait3A_879 : memref<1x128xi32, #tpu.memory_space<hbm>>) dst(%dma_wait3A_877 : memref<1x128xi32, #tpu.memory_space<vmem>>)
          "tpu.trace_stop"() : () -> ()
        } else {
        }
        %mul3A_470 = arith.constant 200 : i32
        %mul3A_471 = arith.muli %add3A_290, %mul3A_470 : i32
        %min3A_472 = arith.constant 199 : i32
        %min3A_473 = arith.minsi %add3A_292, %min3A_472 : i32
        %add3A_474 = arith.addi %mul3A_471, %min3A_473 : i32
        %mul3A_475 = arith.constant 200 : i32
        %mul3A_476 = arith.muli %add3A_309, %mul3A_475 : i32
        %min3A_477 = arith.constant 199 : i32
        %min3A_478 = arith.minsi %add3A_311, %min3A_477 : i32
        %add3A_479 = arith.addi %mul3A_476, %min3A_478 : i32
        %ne3A_480 = arith.cmpi ne, %add3A_474, %add3A_479 : i32
        %or3A_481 = arith.constant false
        %or3A_482 = arith.ori %or3A_481, %ne3A_480 : i1
        %or3A_483 = arith.constant false
        %or3A_484 = arith.ori %or3A_482, %or3A_483 : i1
        %or3A_485 = arith.ori %or3A_484, %eq3A_286 : i1
        %convert_element_type3A_486 = arith.extui %or3A_485 : i1 to i32
        %cond3A_487 = arith.constant 0 : i32
        %cond3A_488 = arith.cmpi ne, %convert_element_type3A_486, %cond3A_487 : i32
        scf.if %cond3A_488 {
          "tpu.trace_start"() <{level = 10 : i32, message = "ep_wait_in"}> : () -> ()
          %mul3A_857 = arith.constant 200 : i32
          %mul3A_858 = arith.muli %add3A_290, %mul3A_857 : i32
          %min3A_859 = arith.constant 199 : i32
          %min3A_860 = arith.minsi %add3A_292, %min3A_859 : i32
          %add3A_861 = arith.addi %mul3A_858, %min3A_860 : i32
          %mul3A_862 = arith.constant 1 : i32
          %mul3A_863 = arith.muli %mul3A_862, %add3A_861 : i32
          %rem3A_864 = arith.constant 2 : i32
          %rem3A_865 = arith.remui %scan3A_278, %rem3A_864 : i32
          %dma_wait3A_866 = arith.constant 0 : i32
          %dma_wait3A_867 = arith.constant 0 : i32
          %dma_wait3A_868 = tpu.memref_slice %run_scoped3A_11[%rem3A_865, %dma_wait3A_866, %dma_wait3A_867] : memref<2x1x128xi32, #tpu.memory_space<vmem>> -> memref<1x1x128xi32, #tpu.memory_space<vmem>>
          %dma_wait3A_869 = tpu.memref_squeeze %dma_wait3A_868 : memref<1x1x128xi32, #tpu.memory_space<vmem>> -> memref<1x128xi32, #tpu.memory_space<vmem>>
          %dma_wait3A_870 = arith.constant 0 : i32
          %dma_wait3A_871 = tpu.memref_slice %arg6[%mul3A_863, %dma_wait3A_870] : memref<6400x128xi32, #tpu.memory_space<hbm>> -> memref<1x128xi32, #tpu.memory_space<hbm>>
          %dma_wait3A_872 = tpu.memref_slice %run_scoped3A_12[%rem3A_865] : memref<2x!tpu.dma_semaphore, #tpu.memory_space<semaphore_mem>> -> memref<1x!tpu.dma_semaphore, #tpu.memory_space<semaphore_mem>>
          %dma_wait3A_873 = tpu.memref_squeeze %dma_wait3A_872 : memref<1x!tpu.dma_semaphore, #tpu.memory_space<semaphore_mem>> -> memref<!tpu.dma_semaphore, #tpu.memory_space<semaphore_mem>>
          %dma_wait3A_874 = arith.constant 0 : i32
          %dma_wait3A_875 = arith.constant 0 : i32
          %dma_wait3A_876 = tpu.memref_slice %run_scoped3A_11[%rem3A_865, %dma_wait3A_874, %dma_wait3A_875] : memref<2x1x128xi32, #tpu.memory_space<vmem>> -> memref<1x1x128xi32, #tpu.memory_space<vmem>>
          %dma_wait3A_877 = tpu.memref_squeeze %dma_wait3A_876 : memref<1x1x128xi32, #tpu.memory_space<vmem>> -> memref<1x128xi32, #tpu.memory_space<vmem>>
          %dma_wait3A_878 = arith.constant 0 : i32
          %dma_wait3A_879 = tpu.memref_slice %arg6[%mul3A_863, %dma_wait3A_878] : memref<6400x128xi32, #tpu.memory_space<hbm>> -> memref<1x128xi32, #tpu.memory_space<hbm>>
          tpu.wait_dma2 semaphore(%dma_wait3A_873 : memref<!tpu.dma_semaphore, #tpu.memory_space<semaphore_mem>>) src(%dma_wait3A_879 : memref<1x128xi32, #tpu.memory_space<hbm>>) dst(%dma_wait3A_877 : memref<1x128xi32, #tpu.memory_space<vmem>>)
          "tpu.trace_stop"() : () -> ()
        } else {
        }
        %mul3A_489 = arith.constant 200 : i32
        %mul3A_490 = arith.muli %add3A_290, %mul3A_489 : i32
        %min3A_491 = arith.constant 199 : i32
        %min3A_492 = arith.minsi %add3A_292, %min3A_491 : i32
        %add3A_493 = arith.addi %mul3A_490, %min3A_492 : i32
        %mul3A_494 = arith.constant 200 : i32
        %mul3A_495 = arith.muli %add3A_309, %mul3A_494 : i32
        %min3A_496 = arith.constant 199 : i32
        %min3A_497 = arith.minsi %add3A_311, %min3A_496 : i32
        %add3A_498 = arith.addi %mul3A_495, %min3A_497 : i32
        %ne3A_499 = arith.cmpi ne, %add3A_493, %add3A_498 : i32
        %or3A_500 = arith.constant false
        %or3A_501 = arith.ori %or3A_500, %ne3A_499 : i1
        %or3A_502 = arith.constant false
        %or3A_503 = arith.ori %or3A_501, %or3A_502 : i1
        %or3A_504 = arith.ori %or3A_503, %eq3A_286 : i1
        %convert_element_type3A_505 = arith.extui %or3A_504 : i1 to i32
        %cond3A_506 = arith.constant 0 : i32
        %cond3A_507 = arith.cmpi ne, %convert_element_type3A_505, %cond3A_506 : i32
        scf.if %cond3A_507 {
          "tpu.trace_start"() <{level = 10 : i32, message = "ep_wait_in"}> : () -> ()
          %mul3A_857 = arith.constant 200 : i32
          %mul3A_858 = arith.muli %add3A_290, %mul3A_857 : i32
          %min3A_859 = arith.constant 199 : i32
          %min3A_860 = arith.minsi %add3A_292, %min3A_859 : i32
          %add3A_861 = arith.addi %mul3A_858, %min3A_860 : i32
          %mul3A_862 = arith.constant 1 : i32
          %mul3A_863 = arith.muli %mul3A_862, %add3A_861 : i32
          %rem3A_864 = arith.constant 2 : i32
          %rem3A_865 = arith.remui %scan3A_280, %rem3A_864 : i32
          %dma_wait3A_866 = arith.constant 0 : i32
          %dma_wait3A_867 = arith.constant 0 : i32
          %dma_wait3A_868 = tpu.memref_slice %run_scoped3A_13[%rem3A_865, %dma_wait3A_866, %dma_wait3A_867] : memref<2x1x128xi32, #tpu.memory_space<vmem>> -> memref<1x1x128xi32, #tpu.memory_space<vmem>>
          %dma_wait3A_869 = tpu.memref_squeeze %dma_wait3A_868 : memref<1x1x128xi32, #tpu.memory_space<vmem>> -> memref<1x128xi32, #tpu.memory_space<vmem>>
          %dma_wait3A_870 = arith.constant 0 : i32
          %dma_wait3A_871 = tpu.memref_slice %arg7[%mul3A_863, %dma_wait3A_870] : memref<6400x128xi32, #tpu.memory_space<hbm>> -> memref<1x128xi32, #tpu.memory_space<hbm>>
          %dma_wait3A_872 = tpu.memref_slice %run_scoped3A_14[%rem3A_865] : memref<2x!tpu.dma_semaphore, #tpu.memory_space<semaphore_mem>> -> memref<1x!tpu.dma_semaphore, #tpu.memory_space<semaphore_mem>>
          %dma_wait3A_873 = tpu.memref_squeeze %dma_wait3A_872 : memref<1x!tpu.dma_semaphore, #tpu.memory_space<semaphore_mem>> -> memref<!tpu.dma_semaphore, #tpu.memory_space<semaphore_mem>>
          %dma_wait3A_874 = arith.constant 0 : i32
          %dma_wait3A_875 = arith.constant 0 : i32
          %dma_wait3A_876 = tpu.memref_slice %run_scoped3A_13[%rem3A_865, %dma_wait3A_874, %dma_wait3A_875] : memref<2x1x128xi32, #tpu.memory_space<vmem>> -> memref<1x1x128xi32, #tpu.memory_space<vmem>>
          %dma_wait3A_877 = tpu.memref_squeeze %dma_wait3A_876 : memref<1x1x128xi32, #tpu.memory_space<vmem>> -> memref<1x128xi32, #tpu.memory_space<vmem>>
          %dma_wait3A_878 = arith.constant 0 : i32
          %dma_wait3A_879 = tpu.memref_slice %arg7[%mul3A_863, %dma_wait3A_878] : memref<6400x128xi32, #tpu.memory_space<hbm>> -> memref<1x128xi32, #tpu.memory_space<hbm>>
          tpu.wait_dma2 semaphore(%dma_wait3A_873 : memref<!tpu.dma_semaphore, #tpu.memory_space<semaphore_mem>>) src(%dma_wait3A_879 : memref<1x128xi32, #tpu.memory_space<hbm>>) dst(%dma_wait3A_877 : memref<1x128xi32, #tpu.memory_space<vmem>>)
          "tpu.trace_stop"() : () -> ()
        } else {
        }
        %mul3A_508 = arith.constant 200 : i32
        %mul3A_509 = arith.muli %add3A_290, %mul3A_508 : i32
        %sub3A_510 = arith.constant 2 : i32
        %sub3A_511 = arith.subi %add3A_292, %sub3A_510 : i32
        %max3A_512 = arith.constant 0 : i32
        %max3A_513 = arith.maxsi %sub3A_511, %max3A_512 : i32
        %add3A_514 = arith.addi %mul3A_509, %max3A_513 : i32
        %mul3A_515 = arith.constant 200 : i32
        %mul3A_516 = arith.muli %add3A_309, %mul3A_515 : i32
        %sub3A_517 = arith.constant 2 : i32
        %sub3A_518 = arith.subi %add3A_311, %sub3A_517 : i32
        %max3A_519 = arith.constant 0 : i32
        %max3A_520 = arith.maxsi %sub3A_518, %max3A_519 : i32
        %add3A_521 = arith.addi %mul3A_516, %max3A_520 : i32
        %ne3A_522 = arith.cmpi ne, %add3A_514, %add3A_521 : i32
        %or3A_523 = arith.constant false
        %or3A_524 = arith.ori %or3A_523, %ne3A_522 : i1
        %or3A_525 = arith.constant false
        %or3A_526 = arith.ori %or3A_524, %or3A_525 : i1
        %or3A_527 = arith.ori %or3A_526, %eq3A_286 : i1
        %convert_element_type3A_528 = arith.extui %or3A_527 : i1 to i32
        %cond3A_529 = arith.constant 0 : i32
        %cond3A_530 = arith.cmpi ne, %convert_element_type3A_528, %cond3A_529 : i32
        scf.if %cond3A_530 {
        } else {
        }
        %rem3A_531 = arith.constant 2 : i32
        %rem3A_532 = arith.remui %scan3A_276, %rem3A_531 : i32
        %rem3A_533 = arith.constant 2 : i32
        %rem3A_534 = arith.remui %scan3A_278, %rem3A_533 : i32
        %rem3A_535 = arith.constant 2 : i32
        %rem3A_536 = arith.remui %scan3A_280, %rem3A_535 : i32
        %rem3A_537 = arith.constant 2 : i32
        %rem3A_538 = arith.remui %scan3A_281, %rem3A_537 : i32
        %get3A = arith.constant 0 : i32
        "tpu.trace_start"() <{level = 10 : i32, message = "ep_run_kernel"}> : () -> ()
        %get3A_539 = arith.index_cast %get3A : i32 to index
        %get3A_540 = memref.load %arg27[%get3A_539] : memref<1xi32, #tpu.memory_space<smem>>
        %rem3A_541 = arith.constant 3 : i32
        %rem3A_542 = arith.remsi %get3A_540, %rem3A_541 : i32
        %lt3A = arith.constant 200 : i32
        %lt3A_543 = arith.cmpi slt, %get3A_540, %lt3A : i32
        %eq3A_544 = arith.constant 0 : i32
        %eq3A_545 = arith.cmpi eq, %rem3A_542, %eq3A_544 : i32
        %and3A_546 = arith.andi %lt3A_543, %eq3A_545 : i1
        %convert_element_type3A_547 = arith.extui %and3A_546 : i1 to i32
        %cond3A_548 = arith.constant 0 : i32
        %cond3A_549 = arith.cmpi ne, %convert_element_type3A_547, %cond3A_548 : i32
        scf.if %cond3A_549 {
          %get3A_857 = arith.constant 0 : i32
          %get3A_858 = arith.constant 0 : i32
          %get3A_859 = arith.constant 0 : i32
          %get3A_860 = tpu.memref_slice %run_scoped3A[%rem3A_532, %get3A_858, %get3A_859] : memref<2x1x128xi32, #tpu.memory_space<vmem>> -> memref<1x1x128xi32, #tpu.memory_space<vmem>>
          %get3A_861 = tpu.memref_squeeze %get3A_860 : memref<1x1x128xi32, #tpu.memory_space<vmem>> -> memref<1x128xi32, #tpu.memory_space<vmem>>
          %get3A_862 = arith.index_cast %get3A_857 : i32 to index
          %get3A_863 = arith.constant 0 : index
          %get3A_864 = tpu.vector_load %get3A_861[%get3A_862, %get3A_863] {strides = array<i32>} : memref<1x128xi32, #tpu.memory_space<vmem>>, vector<1x16xi32>,
          %get3A_865 = vector.shape_cast %get3A_864 : vector<1x16xi32> to vector<16xi32>
          %swap3A_866 = arith.constant 0 : index
          %swap3A_867 = tpu.vector_load %arg18[%swap3A_866] {strides = array<i32>} : memref<128xi32, #tpu.memory_space<vmem>>, vector<16xi32>,
          %swap3A_868 = vector.shape_cast %swap3A_867 : vector<16xi32> to vector<16xi32>
          %swap3A_869 = vector.shape_cast %get3A_865 : vector<16xi32> to vector<16xi32>
          tpu.vector_store %arg18[%swap3A_866], %swap3A_869 {strides = array<i32>} : memref<128xi32, #tpu.memory_space<vmem>>, vector<16xi32>,
          %get3A_870 = arith.constant 0 : i32
          %get3A_871 = arith.constant 0 : i32
          %get3A_872 = arith.constant 0 : i32
          %get3A_873 = tpu.memref_slice %run_scoped3A[%rem3A_532, %get3A_871, %get3A_872] : memref<2x1x128xi32, #tpu.memory_space<vmem>> -> memref<1x1x128xi32, #tpu.memory_space<vmem>>
          %get3A_874 = tpu.memref_squeeze %get3A_873 : memref<1x1x128xi32, #tpu.memory_space<vmem>> -> memref<1x128xi32, #tpu.memory_space<vmem>>
          %get3A_875 = arith.index_cast %get3A_870 : i32 to index
          %get3A_876 = arith.constant 16 : index
          %get3A_877 = tpu.vector_load %get3A_874[%get3A_875, %get3A_876] {strides = array<i32>} : memref<1x128xi32, #tpu.memory_space<vmem>>, vector<1x16xi32>,
          %get3A_878 = vector.shape_cast %get3A_877 : vector<1x16xi32> to vector<16xi32>
          %swap3A_879 = arith.constant 16 : index
          %swap3A_880 = tpu.vector_load %arg18[%swap3A_879] {strides = array<i32>} : memref<128xi32, #tpu.memory_space<vmem>>, vector<16xi32>,
          %swap3A_881 = vector.shape_cast %swap3A_880 : vector<16xi32> to vector<16xi32>
          %swap3A_882 = vector.shape_cast %get3A_878 : vector<16xi32> to vector<16xi32>
          tpu.vector_store %arg18[%swap3A_879], %swap3A_882 {strides = array<i32>} : memref<128xi32, #tpu.memory_space<vmem>>, vector<16xi32>,
          %get3A_883 = arith.constant 0 : i32
          %get3A_884 = arith.constant 0 : i32
          %get3A_885 = arith.constant 0 : i32
          %get3A_886 = tpu.memref_slice %run_scoped3A[%rem3A_532, %get3A_884, %get3A_885] : memref<2x1x128xi32, #tpu.memory_space<vmem>> -> memref<1x1x128xi32, #tpu.memory_space<vmem>>
          %get3A_887 = tpu.memref_squeeze %get3A_886 : memref<1x1x128xi32, #tpu.memory_space<vmem>> -> memref<1x128xi32, #tpu.memory_space<vmem>>
          %get3A_888 = arith.index_cast %get3A_883 : i32 to index
          %get3A_889 = arith.constant 32 : index
          %get3A_890 = tpu.vector_load %get3A_887[%get3A_888, %get3A_889] {strides = array<i32>} : memref<1x128xi32, #tpu.memory_space<vmem>>, vector<1x16xi32>,
          %get3A_891 = vector.shape_cast %get3A_890 : vector<1x16xi32> to vector<16xi32>
          %swap3A_892 = arith.constant 32 : index
          %swap3A_893 = tpu.vector_load %arg18[%swap3A_892] {strides = array<i32>} : memref<128xi32, #tpu.memory_space<vmem>>, vector<16xi32>,
          %swap3A_894 = vector.shape_cast %swap3A_893 : vector<16xi32> to vector<16xi32>
          %swap3A_895 = vector.shape_cast %get3A_891 : vector<16xi32> to vector<16xi32>
          tpu.vector_store %arg18[%swap3A_892], %swap3A_895 {strides = array<i32>} : memref<128xi32, #tpu.memory_space<vmem>>, vector<16xi32>,
          %get3A_896 = arith.constant 0 : i32
          %get3A_897 = arith.constant 0 : i32
          %get3A_898 = arith.constant 0 : i32
          %get3A_899 = tpu.memref_slice %run_scoped3A[%rem3A_532, %get3A_897, %get3A_898] : memref<2x1x128xi32, #tpu.memory_space<vmem>> -> memref<1x1x128xi32, #tpu.memory_space<vmem>>
          %get3A_900 = tpu.memref_squeeze %get3A_899 : memref<1x1x128xi32, #tpu.memory_space<vmem>> -> memref<1x128xi32, #tpu.memory_space<vmem>>
          %get3A_901 = arith.index_cast %get3A_896 : i32 to index
          %get3A_902 = arith.constant 48 : index
          %get3A_903 = tpu.vector_load %get3A_900[%get3A_901, %get3A_902] {strides = array<i32>} : memref<1x128xi32, #tpu.memory_space<vmem>>, vector<1x16xi32>,
          %get3A_904 = vector.shape_cast %get3A_903 : vector<1x16xi32> to vector<16xi32>
          %swap3A_905 = arith.constant 48 : index
          %swap3A_906 = tpu.vector_load %arg18[%swap3A_905] {strides = array<i32>} : memref<128xi32, #tpu.memory_space<vmem>>, vector<16xi32>,
          %swap3A_907 = vector.shape_cast %swap3A_906 : vector<16xi32> to vector<16xi32>
          %swap3A_908 = vector.shape_cast %get3A_904 : vector<16xi32> to vector<16xi32>
          tpu.vector_store %arg18[%swap3A_905], %swap3A_908 {strides = array<i32>} : memref<128xi32, #tpu.memory_space<vmem>>, vector<16xi32>,
          %get3A_909 = arith.constant 0 : i32
          %get3A_910 = arith.constant 0 : i32
          %get3A_911 = arith.constant 0 : i32
          %get3A_912 = tpu.memref_slice %run_scoped3A[%rem3A_532, %get3A_910, %get3A_911] : memref<2x1x128xi32, #tpu.memory_space<vmem>> -> memref<1x1x128xi32, #tpu.memory_space<vmem>>
          %get3A_913 = tpu.memref_squeeze %get3A_912 : memref<1x1x128xi32, #tpu.memory_space<vmem>> -> memref<1x128xi32, #tpu.memory_space<vmem>>
          %get3A_914 = arith.index_cast %get3A_909 : i32 to index
          %get3A_915 = arith.constant 64 : index
          %get3A_916 = tpu.vector_load %get3A_913[%get3A_914, %get3A_915] {strides = array<i32>} : memref<1x128xi32, #tpu.memory_space<vmem>>, vector<1x16xi32>,
          %get3A_917 = vector.shape_cast %get3A_916 : vector<1x16xi32> to vector<16xi32>
          %swap3A_918 = arith.constant 64 : index
          %swap3A_919 = tpu.vector_load %arg18[%swap3A_918] {strides = array<i32>} : memref<128xi32, #tpu.memory_space<vmem>>, vector<16xi32>,
          %swap3A_920 = vector.shape_cast %swap3A_919 : vector<16xi32> to vector<16xi32>
          %swap3A_921 = vector.shape_cast %get3A_917 : vector<16xi32> to vector<16xi32>
          tpu.vector_store %arg18[%swap3A_918], %swap3A_921 {strides = array<i32>} : memref<128xi32, #tpu.memory_space<vmem>>, vector<16xi32>,
          %get3A_922 = arith.constant 0 : i32
          %get3A_923 = arith.constant 0 : i32
          %get3A_924 = arith.constant 0 : i32
          %get3A_925 = tpu.memref_slice %run_scoped3A[%rem3A_532, %get3A_923, %get3A_924] : memref<2x1x128xi32, #tpu.memory_space<vmem>> -> memref<1x1x128xi32, #tpu.memory_space<vmem>>
          %get3A_926 = tpu.memref_squeeze %get3A_925 : memref<1x1x128xi32, #tpu.memory_space<vmem>> -> memref<1x128xi32, #tpu.memory_space<vmem>>
          %get3A_927 = arith.index_cast %get3A_922 : i32 to index
          %get3A_928 = arith.constant 80 : index
          %get3A_929 = tpu.vector_load %get3A_926[%get3A_927, %get3A_928] {strides = array<i32>} : memref<1x128xi32, #tpu.memory_space<vmem>>, vector<1x16xi32>,
          %get3A_930 = vector.shape_cast %get3A_929 : vector<1x16xi32> to vector<16xi32>
          %swap3A_931 = arith.constant 80 : index
          %swap3A_932 = tpu.vector_load %arg18[%swap3A_931] {strides = array<i32>} : memref<128xi32, #tpu.memory_space<vmem>>, vector<16xi32>,
          %swap3A_933 = vector.shape_cast %swap3A_932 : vector<16xi32> to vector<16xi32>
          %swap3A_934 = vector.shape_cast %get3A_930 : vector<16xi32> to vector<16xi32>
          tpu.vector_store %arg18[%swap3A_931], %swap3A_934 {strides = array<i32>} : memref<128xi32, #tpu.memory_space<vmem>>, vector<16xi32>,
          %get3A_935 = arith.constant 0 : i32
          %get3A_936 = arith.constant 0 : i32
          %get3A_937 = arith.constant 0 : i32
          %get3A_938 = tpu.memref_slice %run_scoped3A[%rem3A_532, %get3A_936, %get3A_937] : memref<2x1x128xi32, #tpu.memory_space<vmem>> -> memref<1x1x128xi32, #tpu.memory_space<vmem>>
          %get3A_939 = tpu.memref_squeeze %get3A_938 : memref<1x1x128xi32, #tpu.memory_space<vmem>> -> memref<1x128xi32, #tpu.memory_space<vmem>>
          %get3A_940 = arith.index_cast %get3A_935 : i32 to index
          %get3A_941 = arith.constant 96 : index
          %get3A_942 = tpu.vector_load %get3A_939[%get3A_940, %get3A_941] {strides = array<i32>} : memref<1x128xi32, #tpu.memory_space<vmem>>, vector<1x16xi32>,
          %get3A_943 = vector.shape_cast %get3A_942 : vector<1x16xi32> to vector<16xi32>
          %swap3A_944 = arith.constant 96 : index
          %swap3A_945 = tpu.vector_load %arg18[%swap3A_944] {strides = array<i32>} : memref<128xi32, #tpu.memory_space<vmem>>, vector<16xi32>,
          %swap3A_946 = vector.shape_cast %swap3A_945 : vector<16xi32> to vector<16xi32>
          %swap3A_947 = vector.shape_cast %get3A_943 : vector<16xi32> to vector<16xi32>
          tpu.vector_store %arg18[%swap3A_944], %swap3A_947 {strides = array<i32>} : memref<128xi32, #tpu.memory_space<vmem>>, vector<16xi32>,
          %get3A_948 = arith.constant 0 : i32
          %get3A_949 = arith.constant 0 : i32
          %get3A_950 = arith.constant 0 : i32
          %get3A_951 = tpu.memref_slice %run_scoped3A[%rem3A_532, %get3A_949, %get3A_950] : memref<2x1x128xi32, #tpu.memory_space<vmem>> -> memref<1x1x128xi32, #tpu.memory_space<vmem>>
          %get3A_952 = tpu.memref_squeeze %get3A_951 : memref<1x1x128xi32, #tpu.memory_space<vmem>> -> memref<1x128xi32, #tpu.memory_space<vmem>>
          %get3A_953 = arith.index_cast %get3A_948 : i32 to index
          %get3A_954 = arith.constant 112 : index
          %get3A_955 = tpu.vector_load %get3A_952[%get3A_953, %get3A_954] {strides = array<i32>} : memref<1x128xi32, #tpu.memory_space<vmem>>, vector<1x16xi32>,
          %get3A_956 = vector.shape_cast %get3A_955 : vector<1x16xi32> to vector<16xi32>
          %swap3A_957 = arith.constant 112 : index
          %swap3A_958 = tpu.vector_load %arg18[%swap3A_957] {strides = array<i32>} : memref<128xi32, #tpu.memory_space<vmem>>, vector<16xi32>,
          %swap3A_959 = vector.shape_cast %swap3A_958 : vector<16xi32> to vector<16xi32>
          %swap3A_960 = vector.shape_cast %get3A_956 : vector<16xi32> to vector<16xi32>
          tpu.vector_store %arg18[%swap3A_957], %swap3A_960 {strides = array<i32>} : memref<128xi32, #tpu.memory_space<vmem>>, vector<16xi32>,
          %get3A_961 = arith.constant 0 : i32
          %get3A_962 = arith.constant 0 : i32
          %get3A_963 = arith.constant 0 : i32
          %get3A_964 = tpu.memref_slice %run_scoped3A_11[%rem3A_534, %get3A_962, %get3A_963] : memref<2x1x128xi32, #tpu.memory_space<vmem>> -> memref<1x1x128xi32, #tpu.memory_space<vmem>>
          %get3A_965 = tpu.memref_squeeze %get3A_964 : memref<1x1x128xi32, #tpu.memory_space<vmem>> -> memref<1x128xi32, #tpu.memory_space<vmem>>
          %get3A_966 = arith.index_cast %get3A_961 : i32 to index
          %get3A_967 = arith.constant 0 : index
          %get3A_968 = tpu.vector_load %get3A_965[%get3A_966, %get3A_967] {strides = array<i32>} : memref<1x128xi32, #tpu.memory_space<vmem>>, vector<1x16xi32>,
          %get3A_969 = vector.shape_cast %get3A_968 : vector<1x16xi32> to vector<16xi32>
          %swap3A_970 = arith.constant 0 : index
          %swap3A_971 = tpu.vector_load %arg19[%swap3A_970] {strides = array<i32>} : memref<128xi32, #tpu.memory_space<vmem>>, vector<16xi32>,
          %swap3A_972 = vector.shape_cast %swap3A_971 : vector<16xi32> to vector<16xi32>
          %swap3A_973 = vector.shape_cast %get3A_969 : vector<16xi32> to vector<16xi32>
          tpu.vector_store %arg19[%swap3A_970], %swap3A_973 {strides = array<i32>} : memref<128xi32, #tpu.memory_space<vmem>>, vector<16xi32>,
          %get3A_974 = arith.constant 0 : i32
          %get3A_975 = arith.constant 0 : i32
          %get3A_976 = arith.constant 0 : i32
          %get3A_977 = tpu.memref_slice %run_scoped3A_11[%rem3A_534, %get3A_975, %get3A_976] : memref<2x1x128xi32, #tpu.memory_space<vmem>> -> memref<1x1x128xi32, #tpu.memory_space<vmem>>
          %get3A_978 = tpu.memref_squeeze %get3A_977 : memref<1x1x128xi32, #tpu.memory_space<vmem>> -> memref<1x128xi32, #tpu.memory_space<vmem>>
          %get3A_979 = arith.index_cast %get3A_974 : i32 to index
          %get3A_980 = arith.constant 16 : index
          %get3A_981 = tpu.vector_load %get3A_978[%get3A_979, %get3A_980] {strides = array<i32>} : memref<1x128xi32, #tpu.memory_space<vmem>>, vector<1x16xi32>,
          %get3A_982 = vector.shape_cast %get3A_981 : vector<1x16xi32> to vector<16xi32>
          %swap3A_983 = arith.constant 16 : index
          %swap3A_984 = tpu.vector_load %arg19[%swap3A_983] {strides = array<i32>} : memref<128xi32, #tpu.memory_space<vmem>>, vector<16xi32>,
          %swap3A_985 = vector.shape_cast %swap3A_984 : vector<16xi32> to vector<16xi32>
          %swap3A_986 = vector.shape_cast %get3A_982 : vector<16xi32> to vector<16xi32>
          tpu.vector_store %arg19[%swap3A_983], %swap3A_986 {strides = array<i32>} : memref<128xi32, #tpu.memory_space<vmem>>, vector<16xi32>,
          %get3A_987 = arith.constant 0 : i32
          %get3A_988 = arith.constant 0 : i32
          %get3A_989 = arith.constant 0 : i32
          %get3A_990 = tpu.memref_slice %run_scoped3A_11[%rem3A_534, %get3A_988, %get3A_989] : memref<2x1x128xi32, #tpu.memory_space<vmem>> -> memref<1x1x128xi32, #tpu.memory_space<vmem>>
          %get3A_991 = tpu.memref_squeeze %get3A_990 : memref<1x1x128xi32, #tpu.memory_space<vmem>> -> memref<1x128xi32, #tpu.memory_space<vmem>>
          %get3A_992 = arith.index_cast %get3A_987 : i32 to index
          %get3A_993 = arith.constant 32 : index
          %get3A_994 = tpu.vector_load %get3A_991[%get3A_992, %get3A_993] {strides = array<i32>} : memref<1x128xi32, #tpu.memory_space<vmem>>, vector<1x16xi32>,
          %get3A_995 = vector.shape_cast %get3A_994 : vector<1x16xi32> to vector<16xi32>
          %swap3A_996 = arith.constant 32 : index
          %swap3A_997 = tpu.vector_load %arg19[%swap3A_996] {strides = array<i32>} : memref<128xi32, #tpu.memory_space<vmem>>, vector<16xi32>,
          %swap3A_998 = vector.shape_cast %swap3A_997 : vector<16xi32> to vector<16xi32>
          %swap3A_999 = vector.shape_cast %get3A_995 : vector<16xi32> to vector<16xi32>
          tpu.vector_store %arg19[%swap3A_996], %swap3A_999 {strides = array<i32>} : memref<128xi32, #tpu.memory_space<vmem>>, vector<16xi32>,
          %get3A_1000 = arith.constant 0 : i32
          %get3A_1001 = arith.constant 0 : i32
          %get3A_1002 = arith.constant 0 : i32
          %get3A_1003 = tpu.memref_slice %run_scoped3A_11[%rem3A_534, %get3A_1001, %get3A_1002] : memref<2x1x128xi32, #tpu.memory_space<vmem>> -> memref<1x1x128xi32, #tpu.memory_space<vmem>>
          %get3A_1004 = tpu.memref_squeeze %get3A_1003 : memref<1x1x128xi32, #tpu.memory_space<vmem>> -> memref<1x128xi32, #tpu.memory_space<vmem>>
          %get3A_1005 = arith.index_cast %get3A_1000 : i32 to index
          %get3A_1006 = arith.constant 48 : index
          %get3A_1007 = tpu.vector_load %get3A_1004[%get3A_1005, %get3A_1006] {strides = array<i32>} : memref<1x128xi32, #tpu.memory_space<vmem>>, vector<1x16xi32>,
          %get3A_1008 = vector.shape_cast %get3A_1007 : vector<1x16xi32> to vector<16xi32>
          %swap3A_1009 = arith.constant 48 : index
          %swap3A_1010 = tpu.vector_load %arg19[%swap3A_1009] {strides = array<i32>} : memref<128xi32, #tpu.memory_space<vmem>>, vector<16xi32>,
          %swap3A_1011 = vector.shape_cast %swap3A_1010 : vector<16xi32> to vector<16xi32>
          %swap3A_1012 = vector.shape_cast %get3A_1008 : vector<16xi32> to vector<16xi32>
          tpu.vector_store %arg19[%swap3A_1009], %swap3A_1012 {strides = array<i32>} : memref<128xi32, #tpu.memory_space<vmem>>, vector<16xi32>,
          %get3A_1013 = arith.constant 0 : i32
          %get3A_1014 = arith.constant 0 : i32
          %get3A_1015 = arith.constant 0 : i32
          %get3A_1016 = tpu.memref_slice %run_scoped3A_11[%rem3A_534, %get3A_1014, %get3A_1015] : memref<2x1x128xi32, #tpu.memory_space<vmem>> -> memref<1x1x128xi32, #tpu.memory_space<vmem>>
          %get3A_1017 = tpu.memref_squeeze %get3A_1016 : memref<1x1x128xi32, #tpu.memory_space<vmem>> -> memref<1x128xi32, #tpu.memory_space<vmem>>
          %get3A_1018 = arith.index_cast %get3A_1013 : i32 to index
          %get3A_1019 = arith.constant 64 : index
          %get3A_1020 = tpu.vector_load %get3A_1017[%get3A_1018, %get3A_1019] {strides = array<i32>} : memref<1x128xi32, #tpu.memory_space<vmem>>, vector<1x16xi32>,
          %get3A_1021 = vector.shape_cast %get3A_1020 : vector<1x16xi32> to vector<16xi32>
          %swap3A_1022 = arith.constant 64 : index
          %swap3A_1023 = tpu.vector_load %arg19[%swap3A_1022] {strides = array<i32>} : memref<128xi32, #tpu.memory_space<vmem>>, vector<16xi32>,
          %swap3A_1024 = vector.shape_cast %swap3A_1023 : vector<16xi32> to vector<16xi32>
          %swap3A_1025 = vector.shape_cast %get3A_1021 : vector<16xi32> to vector<16xi32>
          tpu.vector_store %arg19[%swap3A_1022], %swap3A_1025 {strides = array<i32>} : memref<128xi32, #tpu.memory_space<vmem>>, vector<16xi32>,
          %get3A_1026 = arith.constant 0 : i32
          %get3A_1027 = arith.constant 0 : i32
          %get3A_1028 = arith.constant 0 : i32
          %get3A_1029 = tpu.memref_slice %run_scoped3A_11[%rem3A_534, %get3A_1027, %get3A_1028] : memref<2x1x128xi32, #tpu.memory_space<vmem>> -> memref<1x1x128xi32, #tpu.memory_space<vmem>>
          %get3A_1030 = tpu.memref_squeeze %get3A_1029 : memref<1x1x128xi32, #tpu.memory_space<vmem>> -> memref<1x128xi32, #tpu.memory_space<vmem>>
          %get3A_1031 = arith.index_cast %get3A_1026 : i32 to index
          %get3A_1032 = arith.constant 80 : index
          %get3A_1033 = tpu.vector_load %get3A_1030[%get3A_1031, %get3A_1032] {strides = array<i32>} : memref<1x128xi32, #tpu.memory_space<vmem>>, vector<1x16xi32>,
          %get3A_1034 = vector.shape_cast %get3A_1033 : vector<1x16xi32> to vector<16xi32>
          %swap3A_1035 = arith.constant 80 : index
          %swap3A_1036 = tpu.vector_load %arg19[%swap3A_1035] {strides = array<i32>} : memref<128xi32, #tpu.memory_space<vmem>>, vector<16xi32>,
          %swap3A_1037 = vector.shape_cast %swap3A_1036 : vector<16xi32> to vector<16xi32>
          %swap3A_1038 = vector.shape_cast %get3A_1034 : vector<16xi32> to vector<16xi32>
          tpu.vector_store %arg19[%swap3A_1035], %swap3A_1038 {strides = array<i32>} : memref<128xi32, #tpu.memory_space<vmem>>, vector<16xi32>,
          %get3A_1039 = arith.constant 0 : i32
          %get3A_1040 = arith.constant 0 : i32
          %get3A_1041 = arith.constant 0 : i32
          %get3A_1042 = tpu.memref_slice %run_scoped3A_11[%rem3A_534, %get3A_1040, %get3A_1041] : memref<2x1x128xi32, #tpu.memory_space<vmem>> -> memref<1x1x128xi32, #tpu.memory_space<vmem>>
          %get3A_1043 = tpu.memref_squeeze %get3A_1042 : memref<1x1x128xi32, #tpu.memory_space<vmem>> -> memref<1x128xi32, #tpu.memory_space<vmem>>
          %get3A_1044 = arith.index_cast %get3A_1039 : i32 to index
          %get3A_1045 = arith.constant 96 : index
          %get3A_1046 = tpu.vector_load %get3A_1043[%get3A_1044, %get3A_1045] {strides = array<i32>} : memref<1x128xi32, #tpu.memory_space<vmem>>, vector<1x16xi32>,
          %get3A_1047 = vector.shape_cast %get3A_1046 : vector<1x16xi32> to vector<16xi32>
          %swap3A_1048 = arith.constant 96 : index
          %swap3A_1049 = tpu.vector_load %arg19[%swap3A_1048] {strides = array<i32>} : memref<128xi32, #tpu.memory_space<vmem>>, vector<16xi32>,
          %swap3A_1050 = vector.shape_cast %swap3A_1049 : vector<16xi32> to vector<16xi32>
          %swap3A_1051 = vector.shape_cast %get3A_1047 : vector<16xi32> to vector<16xi32>
          tpu.vector_store %arg19[%swap3A_1048], %swap3A_1051 {strides = array<i32>} : memref<128xi32, #tpu.memory_space<vmem>>, vector<16xi32>,
          %get3A_1052 = arith.constant 0 : i32
          %get3A_1053 = arith.constant 0 : i32
          %get3A_1054 = arith.constant 0 : i32
          %get3A_1055 = tpu.memref_slice %run_scoped3A_11[%rem3A_534, %get3A_1053, %get3A_1054] : memref<2x1x128xi32, #tpu.memory_space<vmem>> -> memref<1x1x128xi32, #tpu.memory_space<vmem>>
          %get3A_1056 = tpu.memref_squeeze %get3A_1055 : memref<1x1x128xi32, #tpu.memory_space<vmem>> -> memref<1x128xi32, #tpu.memory_space<vmem>>
          %get3A_1057 = arith.index_cast %get3A_1052 : i32 to index
          %get3A_1058 = arith.constant 112 : index
          %get3A_1059 = tpu.vector_load %get3A_1056[%get3A_1057, %get3A_1058] {strides = array<i32>} : memref<1x128xi32, #tpu.memory_space<vmem>>, vector<1x16xi32>,
          %get3A_1060 = vector.shape_cast %get3A_1059 : vector<1x16xi32> to vector<16xi32>
          %swap3A_1061 = arith.constant 112 : index
          %swap3A_1062 = tpu.vector_load %arg19[%swap3A_1061] {strides = array<i32>} : memref<128xi32, #tpu.memory_space<vmem>>, vector<16xi32>,
          %swap3A_1063 = vector.shape_cast %swap3A_1062 : vector<16xi32> to vector<16xi32>
          %swap3A_1064 = vector.shape_cast %get3A_1060 : vector<16xi32> to vector<16xi32>
          tpu.vector_store %arg19[%swap3A_1061], %swap3A_1064 {strides = array<i32>} : memref<128xi32, #tpu.memory_space<vmem>>, vector<16xi32>,
          %get3A_1065 = arith.constant 0 : i32
          %get3A_1066 = arith.constant 0 : i32
          %get3A_1067 = arith.constant 0 : i32
          %get3A_1068 = tpu.memref_slice %run_scoped3A_13[%rem3A_536, %get3A_1066, %get3A_1067] : memref<2x1x128xi32, #tpu.memory_space<vmem>> -> memref<1x1x128xi32, #tpu.memory_space<vmem>>
          %get3A_1069 = tpu.memref_squeeze %get3A_1068 : memref<1x1x128xi32, #tpu.memory_space<vmem>> -> memref<1x128xi32, #tpu.memory_space<vmem>>
          %get3A_1070 = arith.index_cast %get3A_1065 : i32 to index
          %get3A_1071 = arith.constant 0 : index
          %get3A_1072 = tpu.vector_load %get3A_1069[%get3A_1070, %get3A_1071] {strides = array<i32>} : memref<1x128xi32, #tpu.memory_space<vmem>>, vector<1x16xi32>,
          %get3A_1073 = vector.shape_cast %get3A_1072 : vector<1x16xi32> to vector<16xi32>
          %swap3A_1074 = arith.constant 0 : index
          %swap3A_1075 = tpu.vector_load %arg20[%swap3A_1074] {strides = array<i32>} : memref<128xi32, #tpu.memory_space<vmem>>, vector<16xi32>,
          %swap3A_1076 = vector.shape_cast %swap3A_1075 : vector<16xi32> to vector<16xi32>
          %swap3A_1077 = vector.shape_cast %get3A_1073 : vector<16xi32> to vector<16xi32>
          tpu.vector_store %arg20[%swap3A_1074], %swap3A_1077 {strides = array<i32>} : memref<128xi32, #tpu.memory_space<vmem>>, vector<16xi32>,
          %get3A_1078 = arith.constant 0 : i32
          %get3A_1079 = arith.constant 0 : i32
          %get3A_1080 = arith.constant 0 : i32
          %get3A_1081 = tpu.memref_slice %run_scoped3A_13[%rem3A_536, %get3A_1079, %get3A_1080] : memref<2x1x128xi32, #tpu.memory_space<vmem>> -> memref<1x1x128xi32, #tpu.memory_space<vmem>>
          %get3A_1082 = tpu.memref_squeeze %get3A_1081 : memref<1x1x128xi32, #tpu.memory_space<vmem>> -> memref<1x128xi32, #tpu.memory_space<vmem>>
          %get3A_1083 = arith.index_cast %get3A_1078 : i32 to index
          %get3A_1084 = arith.constant 16 : index
          %get3A_1085 = tpu.vector_load %get3A_1082[%get3A_1083, %get3A_1084] {strides = array<i32>} : memref<1x128xi32, #tpu.memory_space<vmem>>, vector<1x16xi32>,
          %get3A_1086 = vector.shape_cast %get3A_1085 : vector<1x16xi32> to vector<16xi32>
          %swap3A_1087 = arith.constant 16 : index
          %swap3A_1088 = tpu.vector_load %arg20[%swap3A_1087] {strides = array<i32>} : memref<128xi32, #tpu.memory_space<vmem>>, vector<16xi32>,
          %swap3A_1089 = vector.shape_cast %swap3A_1088 : vector<16xi32> to vector<16xi32>
          %swap3A_1090 = vector.shape_cast %get3A_1086 : vector<16xi32> to vector<16xi32>
          tpu.vector_store %arg20[%swap3A_1087], %swap3A_1090 {strides = array<i32>} : memref<128xi32, #tpu.memory_space<vmem>>, vector<16xi32>,
          %get3A_1091 = arith.constant 0 : i32
          %get3A_1092 = arith.constant 0 : i32
          %get3A_1093 = arith.constant 0 : i32
          %get3A_1094 = tpu.memref_slice %run_scoped3A_13[%rem3A_536, %get3A_1092, %get3A_1093] : memref<2x1x128xi32, #tpu.memory_space<vmem>> -> memref<1x1x128xi32, #tpu.memory_space<vmem>>
          %get3A_1095 = tpu.memref_squeeze %get3A_1094 : memref<1x1x128xi32, #tpu.memory_space<vmem>> -> memref<1x128xi32, #tpu.memory_space<vmem>>
          %get3A_1096 = arith.index_cast %get3A_1091 : i32 to index
          %get3A_1097 = arith.constant 32 : index
          %get3A_1098 = tpu.vector_load %get3A_1095[%get3A_1096, %get3A_1097] {strides = array<i32>} : memref<1x128xi32, #tpu.memory_space<vmem>>, vector<1x16xi32>,
          %get3A_1099 = vector.shape_cast %get3A_1098 : vector<1x16xi32> to vector<16xi32>
          %swap3A_1100 = arith.constant 32 : index
          %swap3A_1101 = tpu.vector_load %arg20[%swap3A_1100] {strides = array<i32>} : memref<128xi32, #tpu.memory_space<vmem>>, vector<16xi32>,
          %swap3A_1102 = vector.shape_cast %swap3A_1101 : vector<16xi32> to vector<16xi32>
          %swap3A_1103 = vector.shape_cast %get3A_1099 : vector<16xi32> to vector<16xi32>
          tpu.vector_store %arg20[%swap3A_1100], %swap3A_1103 {strides = array<i32>} : memref<128xi32, #tpu.memory_space<vmem>>, vector<16xi32>,
          %get3A_1104 = arith.constant 0 : i32
          %get3A_1105 = arith.constant 0 : i32
          %get3A_1106 = arith.constant 0 : i32
          %get3A_1107 = tpu.memref_slice %run_scoped3A_13[%rem3A_536, %get3A_1105, %get3A_1106] : memref<2x1x128xi32, #tpu.memory_space<vmem>> -> memref<1x1x128xi32, #tpu.memory_space<vmem>>
          %get3A_1108 = tpu.memref_squeeze %get3A_1107 : memref<1x1x128xi32, #tpu.memory_space<vmem>> -> memref<1x128xi32, #tpu.memory_space<vmem>>
          %get3A_1109 = arith.index_cast %get3A_1104 : i32 to index
          %get3A_1110 = arith.constant 48 : index
          %get3A_1111 = tpu.vector_load %get3A_1108[%get3A_1109, %get3A_1110] {strides = array<i32>} : memref<1x128xi32, #tpu.memory_space<vmem>>, vector<1x16xi32>,
          %get3A_1112 = vector.shape_cast %get3A_1111 : vector<1x16xi32> to vector<16xi32>
          %swap3A_1113 = arith.constant 48 : index
          %swap3A_1114 = tpu.vector_load %arg20[%swap3A_1113] {strides = array<i32>} : memref<128xi32, #tpu.memory_space<vmem>>, vector<16xi32>,
          %swap3A_1115 = vector.shape_cast %swap3A_1114 : vector<16xi32> to vector<16xi32>
          %swap3A_1116 = vector.shape_cast %get3A_1112 : vector<16xi32> to vector<16xi32>
          tpu.vector_store %arg20[%swap3A_1113], %swap3A_1116 {strides = array<i32>} : memref<128xi32, #tpu.memory_space<vmem>>, vector<16xi32>,
          %get3A_1117 = arith.constant 0 : i32
          %get3A_1118 = arith.constant 0 : i32
          %get3A_1119 = arith.constant 0 : i32
          %get3A_1120 = tpu.memref_slice %run_scoped3A_13[%rem3A_536, %get3A_1118, %get3A_1119] : memref<2x1x128xi32, #tpu.memory_space<vmem>> -> memref<1x1x128xi32, #tpu.memory_space<vmem>>
          %get3A_1121 = tpu.memref_squeeze %get3A_1120 : memref<1x1x128xi32, #tpu.memory_space<vmem>> -> memref<1x128xi32, #tpu.memory_space<vmem>>
          %get3A_1122 = arith.index_cast %get3A_1117 : i32 to index
          %get3A_1123 = arith.constant 64 : index
          %get3A_1124 = tpu.vector_load %get3A_1121[%get3A_1122, %get3A_1123] {strides = array<i32>} : memref<1x128xi32, #tpu.memory_space<vmem>>, vector<1x16xi32>,
          %get3A_1125 = vector.shape_cast %get3A_1124 : vector<1x16xi32> to vector<16xi32>
          %swap3A_1126 = arith.constant 64 : index
          %swap3A_1127 = tpu.vector_load %arg20[%swap3A_1126] {strides = array<i32>} : memref<128xi32, #tpu.memory_space<vmem>>, vector<16xi32>,
          %swap3A_1128 = vector.shape_cast %swap3A_1127 : vector<16xi32> to vector<16xi32>
          %swap3A_1129 = vector.shape_cast %get3A_1125 : vector<16xi32> to vector<16xi32>
          tpu.vector_store %arg20[%swap3A_1126], %swap3A_1129 {strides = array<i32>} : memref<128xi32, #tpu.memory_space<vmem>>, vector<16xi32>,
          %get3A_1130 = arith.constant 0 : i32
          %get3A_1131 = arith.constant 0 : i32
          %get3A_1132 = arith.constant 0 : i32
          %get3A_1133 = tpu.memref_slice %run_scoped3A_13[%rem3A_536, %get3A_1131, %get3A_1132] : memref<2x1x128xi32, #tpu.memory_space<vmem>> -> memref<1x1x128xi32, #tpu.memory_space<vmem>>
          %get3A_1134 = tpu.memref_squeeze %get3A_1133 : memref<1x1x128xi32, #tpu.memory_space<vmem>> -> memref<1x128xi32, #tpu.memory_space<vmem>>
          %get3A_1135 = arith.index_cast %get3A_1130 : i32 to index
          %get3A_1136 = arith.constant 80 : index
          %get3A_1137 = tpu.vector_load %get3A_1134[%get3A_1135, %get3A_1136] {strides = array<i32>} : memref<1x128xi32, #tpu.memory_space<vmem>>, vector<1x16xi32>,
          %get3A_1138 = vector.shape_cast %get3A_1137 : vector<1x16xi32> to vector<16xi32>
          %swap3A_1139 = arith.constant 80 : index
          %swap3A_1140 = tpu.vector_load %arg20[%swap3A_1139] {strides = array<i32>} : memref<128xi32, #tpu.memory_space<vmem>>, vector<16xi32>,
          %swap3A_1141 = vector.shape_cast %swap3A_1140 : vector<16xi32> to vector<16xi32>
          %swap3A_1142 = vector.shape_cast %get3A_1138 : vector<16xi32> to vector<16xi32>
          tpu.vector_store %arg20[%swap3A_1139], %swap3A_1142 {strides = array<i32>} : memref<128xi32, #tpu.memory_space<vmem>>, vector<16xi32>,
          %get3A_1143 = arith.constant 0 : i32
          %get3A_1144 = arith.constant 0 : i32
          %get3A_1145 = arith.constant 0 : i32
          %get3A_1146 = tpu.memref_slice %run_scoped3A_13[%rem3A_536, %get3A_1144, %get3A_1145] : memref<2x1x128xi32, #tpu.memory_space<vmem>> -> memref<1x1x128xi32, #tpu.memory_space<vmem>>
          %get3A_1147 = tpu.memref_squeeze %get3A_1146 : memref<1x1x128xi32, #tpu.memory_space<vmem>> -> memref<1x128xi32, #tpu.memory_space<vmem>>
          %get3A_1148 = arith.index_cast %get3A_1143 : i32 to index
          %get3A_1149 = arith.constant 96 : index
          %get3A_1150 = tpu.vector_load %get3A_1147[%get3A_1148, %get3A_1149] {strides = array<i32>} : memref<1x128xi32, #tpu.memory_space<vmem>>, vector<1x16xi32>,
          %get3A_1151 = vector.shape_cast %get3A_1150 : vector<1x16xi32> to vector<16xi32>
          %swap3A_1152 = arith.constant 96 : index
          %swap3A_1153 = tpu.vector_load %arg20[%swap3A_1152] {strides = array<i32>} : memref<128xi32, #tpu.memory_space<vmem>>, vector<16xi32>,
          %swap3A_1154 = vector.shape_cast %swap3A_1153 : vector<16xi32> to vector<16xi32>
          %swap3A_1155 = vector.shape_cast %get3A_1151 : vector<16xi32> to vector<16xi32>
          tpu.vector_store %arg20[%swap3A_1152], %swap3A_1155 {strides = array<i32>} : memref<128xi32, #tpu.memory_space<vmem>>, vector<16xi32>,
          %get3A_1156 = arith.constant 0 : i32
          %get3A_1157 = arith.constant 0 : i32
          %get3A_1158 = arith.constant 0 : i32
          %get3A_1159 = tpu.memref_slice %run_scoped3A_13[%rem3A_536, %get3A_1157, %get3A_1158] : memref<2x1x128xi32, #tpu.memory_space<vmem>> -> memref<1x1x128xi32, #tpu.memory_space<vmem>>
          %get3A_1160 = tpu.memref_squeeze %get3A_1159 : memref<1x1x128xi32, #tpu.memory_space<vmem>> -> memref<1x128xi32, #tpu.memory_space<vmem>>
          %get3A_1161 = arith.index_cast %get3A_1156 : i32 to index
          %get3A_1162 = arith.constant 112 : index
          %get3A_1163 = tpu.vector_load %get3A_1160[%get3A_1161, %get3A_1162] {strides = array<i32>} : memref<1x128xi32, #tpu.memory_space<vmem>>, vector<1x16xi32>,
          %get3A_1164 = vector.shape_cast %get3A_1163 : vector<1x16xi32> to vector<16xi32>
          %swap3A_1165 = arith.constant 112 : index
          %swap3A_1166 = tpu.vector_load %arg20[%swap3A_1165] {strides = array<i32>} : memref<128xi32, #tpu.memory_space<vmem>>, vector<16xi32>,
          %swap3A_1167 = vector.shape_cast %swap3A_1166 : vector<16xi32> to vector<16xi32>
          %swap3A_1168 = vector.shape_cast %get3A_1164 : vector<16xi32> to vector<16xi32>
          tpu.vector_store %arg20[%swap3A_1165], %swap3A_1168 {strides = array<i32>} : memref<128xi32, #tpu.memory_space<vmem>>, vector<16xi32>,
          %dma_start3A_1169 = arith.constant 0 : i32
          %dma_start3A_1170 = arith.constant 0 : i32
          %dma_start3A_1171 = tpu.memref_slice %arg2[%dma_start3A_1169, %dma_start3A_1170] : memref<99991x64xf32, #tpu.memory_space<hbm>> -> memref<99991x64xf32, #tpu.memory_space<hbm>>
          tpu.enqueue_indirect_dma source(%dma_start3A_1171 : memref<99991x64xf32, #tpu.memory_space<hbm>>) target(%arg9 : memref<128x64xf32, #tpu.memory_space<vmem>>) offsets(%arg18 : memref<128xi32, #tpu.memory_space<vmem>>) semaphore(%arg28 : memref<!tpu.dma_semaphore, #tpu.memory_space<semaphore_mem>>)
          %dma_start3A_1172 = arith.constant 0 : i32
          %dma_start3A_1173 = arith.constant 0 : i32
          %dma_start3A_1174 = tpu.memref_slice %arg3[%dma_start3A_1172, %dma_start3A_1173] : memref<100003x64xf32, #tpu.memory_space<hbm>> -> memref<100003x64xf32, #tpu.memory_space<hbm>>
          tpu.enqueue_indirect_dma source(%dma_start3A_1174 : memref<100003x64xf32, #tpu.memory_space<hbm>>) target(%arg10 : memref<128x64xf32, #tpu.memory_space<vmem>>) offsets(%arg19 : memref<128xi32, #tpu.memory_space<vmem>>) semaphore(%arg29 : memref<!tpu.dma_semaphore, #tpu.memory_space<semaphore_mem>>)
          %dma_start3A_1175 = arith.constant 0 : i32
          %dma_start3A_1176 = arith.constant 0 : i32
          %dma_start3A_1177 = tpu.memref_slice %arg4[%dma_start3A_1175, %dma_start3A_1176] : memref<100019x64xf32, #tpu.memory_space<hbm>> -> memref<100019x64xf32, #tpu.memory_space<hbm>>
          tpu.enqueue_indirect_dma source(%dma_start3A_1177 : memref<100019x64xf32, #tpu.memory_space<hbm>>) target(%arg11 : memref<128x64xf32, #tpu.memory_space<vmem>>) offsets(%arg20 : memref<128xi32, #tpu.memory_space<vmem>>) semaphore(%arg30 : memref<!tpu.dma_semaphore, #tpu.memory_space<semaphore_mem>>)
        } else {
        }
        %lt3A_550 = arith.constant 200 : i32
        %lt3A_551 = arith.cmpi slt, %get3A_540, %lt3A_550 : i32
        %eq3A_552 = arith.constant 1 : i32
        %eq3A_553 = arith.cmpi eq, %rem3A_542, %eq3A_552 : i32
        %and3A_554 = arith.andi %lt3A_551, %eq3A_553 : i1
        %convert_element_type3A_555 = arith.extui %and3A_554 : i1 to i32
        %cond3A_556 = arith.constant 0 : i32
        %cond3A_557 = arith.cmpi ne, %convert_element_type3A_555, %cond3A_556 : i32
        scf.if %cond3A_557 {
          %get3A_857 = arith.constant 0 : i32
          %get3A_858 = arith.constant 0 : i32
          %get3A_859 = arith.constant 0 : i32
          %get3A_860 = tpu.memref_slice %run_scoped3A[%rem3A_532, %get3A_858, %get3A_859] : memref<2x1x128xi32, #tpu.memory_space<vmem>> -> memref<1x1x128xi32, #tpu.memory_space<vmem>>
          %get3A_861 = tpu.memref_squeeze %get3A_860 : memref<1x1x128xi32, #tpu.memory_space<vmem>> -> memref<1x128xi32, #tpu.memory_space<vmem>>
          %get3A_862 = arith.index_cast %get3A_857 : i32 to index
          %get3A_863 = arith.constant 0 : index
          %get3A_864 = tpu.vector_load %get3A_861[%get3A_862, %get3A_863] {strides = array<i32>} : memref<1x128xi32, #tpu.memory_space<vmem>>, vector<1x16xi32>,
          %get3A_865 = vector.shape_cast %get3A_864 : vector<1x16xi32> to vector<16xi32>
          %swap3A_866 = arith.constant 0 : index
          %swap3A_867 = tpu.vector_load %arg21[%swap3A_866] {strides = array<i32>} : memref<128xi32, #tpu.memory_space<vmem>>, vector<16xi32>,
          %swap3A_868 = vector.shape_cast %swap3A_867 : vector<16xi32> to vector<16xi32>
          %swap3A_869 = vector.shape_cast %get3A_865 : vector<16xi32> to vector<16xi32>
          tpu.vector_store %arg21[%swap3A_866], %swap3A_869 {strides = array<i32>} : memref<128xi32, #tpu.memory_space<vmem>>, vector<16xi32>,
          %get3A_870 = arith.constant 0 : i32
          %get3A_871 = arith.constant 0 : i32
          %get3A_872 = arith.constant 0 : i32
          %get3A_873 = tpu.memref_slice %run_scoped3A[%rem3A_532, %get3A_871, %get3A_872] : memref<2x1x128xi32, #tpu.memory_space<vmem>> -> memref<1x1x128xi32, #tpu.memory_space<vmem>>
          %get3A_874 = tpu.memref_squeeze %get3A_873 : memref<1x1x128xi32, #tpu.memory_space<vmem>> -> memref<1x128xi32, #tpu.memory_space<vmem>>
          %get3A_875 = arith.index_cast %get3A_870 : i32 to index
          %get3A_876 = arith.constant 16 : index
          %get3A_877 = tpu.vector_load %get3A_874[%get3A_875, %get3A_876] {strides = array<i32>} : memref<1x128xi32, #tpu.memory_space<vmem>>, vector<1x16xi32>,
          %get3A_878 = vector.shape_cast %get3A_877 : vector<1x16xi32> to vector<16xi32>
          %swap3A_879 = arith.constant 16 : index
          %swap3A_880 = tpu.vector_load %arg21[%swap3A_879] {strides = array<i32>} : memref<128xi32, #tpu.memory_space<vmem>>, vector<16xi32>,
          %swap3A_881 = vector.shape_cast %swap3A_880 : vector<16xi32> to vector<16xi32>
          %swap3A_882 = vector.shape_cast %get3A_878 : vector<16xi32> to vector<16xi32>
          tpu.vector_store %arg21[%swap3A_879], %swap3A_882 {strides = array<i32>} : memref<128xi32, #tpu.memory_space<vmem>>, vector<16xi32>,
          %get3A_883 = arith.constant 0 : i32
          %get3A_884 = arith.constant 0 : i32
          %get3A_885 = arith.constant 0 : i32
          %get3A_886 = tpu.memref_slice %run_scoped3A[%rem3A_532, %get3A_884, %get3A_885] : memref<2x1x128xi32, #tpu.memory_space<vmem>> -> memref<1x1x128xi32, #tpu.memory_space<vmem>>
          %get3A_887 = tpu.memref_squeeze %get3A_886 : memref<1x1x128xi32, #tpu.memory_space<vmem>> -> memref<1x128xi32, #tpu.memory_space<vmem>>
          %get3A_888 = arith.index_cast %get3A_883 : i32 to index
          %get3A_889 = arith.constant 32 : index
          %get3A_890 = tpu.vector_load %get3A_887[%get3A_888, %get3A_889] {strides = array<i32>} : memref<1x128xi32, #tpu.memory_space<vmem>>, vector<1x16xi32>,
          %get3A_891 = vector.shape_cast %get3A_890 : vector<1x16xi32> to vector<16xi32>
          %swap3A_892 = arith.constant 32 : index
          %swap3A_893 = tpu.vector_load %arg21[%swap3A_892] {strides = array<i32>} : memref<128xi32, #tpu.memory_space<vmem>>, vector<16xi32>,
          %swap3A_894 = vector.shape_cast %swap3A_893 : vector<16xi32> to vector<16xi32>
          %swap3A_895 = vector.shape_cast %get3A_891 : vector<16xi32> to vector<16xi32>
          tpu.vector_store %arg21[%swap3A_892], %swap3A_895 {strides = array<i32>} : memref<128xi32, #tpu.memory_space<vmem>>, vector<16xi32>,
          %get3A_896 = arith.constant 0 : i32
          %get3A_897 = arith.constant 0 : i32
          %get3A_898 = arith.constant 0 : i32
          %get3A_899 = tpu.memref_slice %run_scoped3A[%rem3A_532, %get3A_897, %get3A_898] : memref<2x1x128xi32, #tpu.memory_space<vmem>> -> memref<1x1x128xi32, #tpu.memory_space<vmem>>
          %get3A_900 = tpu.memref_squeeze %get3A_899 : memref<1x1x128xi32, #tpu.memory_space<vmem>> -> memref<1x128xi32, #tpu.memory_space<vmem>>
          %get3A_901 = arith.index_cast %get3A_896 : i32 to index
          %get3A_902 = arith.constant 48 : index
          %get3A_903 = tpu.vector_load %get3A_900[%get3A_901, %get3A_902] {strides = array<i32>} : memref<1x128xi32, #tpu.memory_space<vmem>>, vector<1x16xi32>,
          %get3A_904 = vector.shape_cast %get3A_903 : vector<1x16xi32> to vector<16xi32>
          %swap3A_905 = arith.constant 48 : index
          %swap3A_906 = tpu.vector_load %arg21[%swap3A_905] {strides = array<i32>} : memref<128xi32, #tpu.memory_space<vmem>>, vector<16xi32>,
          %swap3A_907 = vector.shape_cast %swap3A_906 : vector<16xi32> to vector<16xi32>
          %swap3A_908 = vector.shape_cast %get3A_904 : vector<16xi32> to vector<16xi32>
          tpu.vector_store %arg21[%swap3A_905], %swap3A_908 {strides = array<i32>} : memref<128xi32, #tpu.memory_space<vmem>>, vector<16xi32>,
          %get3A_909 = arith.constant 0 : i32
          %get3A_910 = arith.constant 0 : i32
          %get3A_911 = arith.constant 0 : i32
          %get3A_912 = tpu.memref_slice %run_scoped3A[%rem3A_532, %get3A_910, %get3A_911] : memref<2x1x128xi32, #tpu.memory_space<vmem>> -> memref<1x1x128xi32, #tpu.memory_space<vmem>>
          %get3A_913 = tpu.memref_squeeze %get3A_912 : memref<1x1x128xi32, #tpu.memory_space<vmem>> -> memref<1x128xi32, #tpu.memory_space<vmem>>
          %get3A_914 = arith.index_cast %get3A_909 : i32 to index
          %get3A_915 = arith.constant 64 : index
          %get3A_916 = tpu.vector_load %get3A_913[%get3A_914, %get3A_915] {strides = array<i32>} : memref<1x128xi32, #tpu.memory_space<vmem>>, vector<1x16xi32>,
          %get3A_917 = vector.shape_cast %get3A_916 : vector<1x16xi32> to vector<16xi32>
          %swap3A_918 = arith.constant 64 : index
          %swap3A_919 = tpu.vector_load %arg21[%swap3A_918] {strides = array<i32>} : memref<128xi32, #tpu.memory_space<vmem>>, vector<16xi32>,
          %swap3A_920 = vector.shape_cast %swap3A_919 : vector<16xi32> to vector<16xi32>
          %swap3A_921 = vector.shape_cast %get3A_917 : vector<16xi32> to vector<16xi32>
          tpu.vector_store %arg21[%swap3A_918], %swap3A_921 {strides = array<i32>} : memref<128xi32, #tpu.memory_space<vmem>>, vector<16xi32>,
          %get3A_922 = arith.constant 0 : i32
          %get3A_923 = arith.constant 0 : i32
          %get3A_924 = arith.constant 0 : i32
          %get3A_925 = tpu.memref_slice %run_scoped3A[%rem3A_532, %get3A_923, %get3A_924] : memref<2x1x128xi32, #tpu.memory_space<vmem>> -> memref<1x1x128xi32, #tpu.memory_space<vmem>>
          %get3A_926 = tpu.memref_squeeze %get3A_925 : memref<1x1x128xi32, #tpu.memory_space<vmem>> -> memref<1x128xi32, #tpu.memory_space<vmem>>
          %get3A_927 = arith.index_cast %get3A_922 : i32 to index
          %get3A_928 = arith.constant 80 : index
          %get3A_929 = tpu.vector_load %get3A_926[%get3A_927, %get3A_928] {strides = array<i32>} : memref<1x128xi32, #tpu.memory_space<vmem>>, vector<1x16xi32>,
          %get3A_930 = vector.shape_cast %get3A_929 : vector<1x16xi32> to vector<16xi32>
          %swap3A_931 = arith.constant 80 : index
          %swap3A_932 = tpu.vector_load %arg21[%swap3A_931] {strides = array<i32>} : memref<128xi32, #tpu.memory_space<vmem>>, vector<16xi32>,
          %swap3A_933 = vector.shape_cast %swap3A_932 : vector<16xi32> to vector<16xi32>
          %swap3A_934 = vector.shape_cast %get3A_930 : vector<16xi32> to vector<16xi32>
          tpu.vector_store %arg21[%swap3A_931], %swap3A_934 {strides = array<i32>} : memref<128xi32, #tpu.memory_space<vmem>>, vector<16xi32>,
          %get3A_935 = arith.constant 0 : i32
          %get3A_936 = arith.constant 0 : i32
          %get3A_937 = arith.constant 0 : i32
          %get3A_938 = tpu.memref_slice %run_scoped3A[%rem3A_532, %get3A_936, %get3A_937] : memref<2x1x128xi32, #tpu.memory_space<vmem>> -> memref<1x1x128xi32, #tpu.memory_space<vmem>>
          %get3A_939 = tpu.memref_squeeze %get3A_938 : memref<1x1x128xi32, #tpu.memory_space<vmem>> -> memref<1x128xi32, #tpu.memory_space<vmem>>
          %get3A_940 = arith.index_cast %get3A_935 : i32 to index
          %get3A_941 = arith.constant 96 : index
          %get3A_942 = tpu.vector_load %get3A_939[%get3A_940, %get3A_941] {strides = array<i32>} : memref<1x128xi32, #tpu.memory_space<vmem>>, vector<1x16xi32>,
          %get3A_943 = vector.shape_cast %get3A_942 : vector<1x16xi32> to vector<16xi32>
          %swap3A_944 = arith.constant 96 : index
          %swap3A_945 = tpu.vector_load %arg21[%swap3A_944] {strides = array<i32>} : memref<128xi32, #tpu.memory_space<vmem>>, vector<16xi32>,
          %swap3A_946 = vector.shape_cast %swap3A_945 : vector<16xi32> to vector<16xi32>
          %swap3A_947 = vector.shape_cast %get3A_943 : vector<16xi32> to vector<16xi32>
          tpu.vector_store %arg21[%swap3A_944], %swap3A_947 {strides = array<i32>} : memref<128xi32, #tpu.memory_space<vmem>>, vector<16xi32>,
          %get3A_948 = arith.constant 0 : i32
          %get3A_949 = arith.constant 0 : i32
          %get3A_950 = arith.constant 0 : i32
          %get3A_951 = tpu.memref_slice %run_scoped3A[%rem3A_532, %get3A_949, %get3A_950] : memref<2x1x128xi32, #tpu.memory_space<vmem>> -> memref<1x1x128xi32, #tpu.memory_space<vmem>>
          %get3A_952 = tpu.memref_squeeze %get3A_951 : memref<1x1x128xi32, #tpu.memory_space<vmem>> -> memref<1x128xi32, #tpu.memory_space<vmem>>
          %get3A_953 = arith.index_cast %get3A_948 : i32 to index
          %get3A_954 = arith.constant 112 : index
          %get3A_955 = tpu.vector_load %get3A_952[%get3A_953, %get3A_954] {strides = array<i32>} : memref<1x128xi32, #tpu.memory_space<vmem>>, vector<1x16xi32>,
          %get3A_956 = vector.shape_cast %get3A_955 : vector<1x16xi32> to vector<16xi32>
          %swap3A_957 = arith.constant 112 : index
          %swap3A_958 = tpu.vector_load %arg21[%swap3A_957] {strides = array<i32>} : memref<128xi32, #tpu.memory_space<vmem>>, vector<16xi32>,
          %swap3A_959 = vector.shape_cast %swap3A_958 : vector<16xi32> to vector<16xi32>
          %swap3A_960 = vector.shape_cast %get3A_956 : vector<16xi32> to vector<16xi32>
          tpu.vector_store %arg21[%swap3A_957], %swap3A_960 {strides = array<i32>} : memref<128xi32, #tpu.memory_space<vmem>>, vector<16xi32>,
          %get3A_961 = arith.constant 0 : i32
          %get3A_962 = arith.constant 0 : i32
          %get3A_963 = arith.constant 0 : i32
          %get3A_964 = tpu.memref_slice %run_scoped3A_11[%rem3A_534, %get3A_962, %get3A_963] : memref<2x1x128xi32, #tpu.memory_space<vmem>> -> memref<1x1x128xi32, #tpu.memory_space<vmem>>
          %get3A_965 = tpu.memref_squeeze %get3A_964 : memref<1x1x128xi32, #tpu.memory_space<vmem>> -> memref<1x128xi32, #tpu.memory_space<vmem>>
          %get3A_966 = arith.index_cast %get3A_961 : i32 to index
          %get3A_967 = arith.constant 0 : index
          %get3A_968 = tpu.vector_load %get3A_965[%get3A_966, %get3A_967] {strides = array<i32>} : memref<1x128xi32, #tpu.memory_space<vmem>>, vector<1x16xi32>,
          %get3A_969 = vector.shape_cast %get3A_968 : vector<1x16xi32> to vector<16xi32>
          %swap3A_970 = arith.constant 0 : index
          %swap3A_971 = tpu.vector_load %arg22[%swap3A_970] {strides = array<i32>} : memref<128xi32, #tpu.memory_space<vmem>>, vector<16xi32>,
          %swap3A_972 = vector.shape_cast %swap3A_971 : vector<16xi32> to vector<16xi32>
          %swap3A_973 = vector.shape_cast %get3A_969 : vector<16xi32> to vector<16xi32>
          tpu.vector_store %arg22[%swap3A_970], %swap3A_973 {strides = array<i32>} : memref<128xi32, #tpu.memory_space<vmem>>, vector<16xi32>,
          %get3A_974 = arith.constant 0 : i32
          %get3A_975 = arith.constant 0 : i32
          %get3A_976 = arith.constant 0 : i32
          %get3A_977 = tpu.memref_slice %run_scoped3A_11[%rem3A_534, %get3A_975, %get3A_976] : memref<2x1x128xi32, #tpu.memory_space<vmem>> -> memref<1x1x128xi32, #tpu.memory_space<vmem>>
          %get3A_978 = tpu.memref_squeeze %get3A_977 : memref<1x1x128xi32, #tpu.memory_space<vmem>> -> memref<1x128xi32, #tpu.memory_space<vmem>>
          %get3A_979 = arith.index_cast %get3A_974 : i32 to index
          %get3A_980 = arith.constant 16 : index
          %get3A_981 = tpu.vector_load %get3A_978[%get3A_979, %get3A_980] {strides = array<i32>} : memref<1x128xi32, #tpu.memory_space<vmem>>, vector<1x16xi32>,
          %get3A_982 = vector.shape_cast %get3A_981 : vector<1x16xi32> to vector<16xi32>
          %swap3A_983 = arith.constant 16 : index
          %swap3A_984 = tpu.vector_load %arg22[%swap3A_983] {strides = array<i32>} : memref<128xi32, #tpu.memory_space<vmem>>, vector<16xi32>,
          %swap3A_985 = vector.shape_cast %swap3A_984 : vector<16xi32> to vector<16xi32>
          %swap3A_986 = vector.shape_cast %get3A_982 : vector<16xi32> to vector<16xi32>
          tpu.vector_store %arg22[%swap3A_983], %swap3A_986 {strides = array<i32>} : memref<128xi32, #tpu.memory_space<vmem>>, vector<16xi32>,
          %get3A_987 = arith.constant 0 : i32
          %get3A_988 = arith.constant 0 : i32
          %get3A_989 = arith.constant 0 : i32
          %get3A_990 = tpu.memref_slice %run_scoped3A_11[%rem3A_534, %get3A_988, %get3A_989] : memref<2x1x128xi32, #tpu.memory_space<vmem>> -> memref<1x1x128xi32, #tpu.memory_space<vmem>>
          %get3A_991 = tpu.memref_squeeze %get3A_990 : memref<1x1x128xi32, #tpu.memory_space<vmem>> -> memref<1x128xi32, #tpu.memory_space<vmem>>
          %get3A_992 = arith.index_cast %get3A_987 : i32 to index
          %get3A_993 = arith.constant 32 : index
          %get3A_994 = tpu.vector_load %get3A_991[%get3A_992, %get3A_993] {strides = array<i32>} : memref<1x128xi32, #tpu.memory_space<vmem>>, vector<1x16xi32>,
          %get3A_995 = vector.shape_cast %get3A_994 : vector<1x16xi32> to vector<16xi32>
          %swap3A_996 = arith.constant 32 : index
          %swap3A_997 = tpu.vector_load %arg22[%swap3A_996] {strides = array<i32>} : memref<128xi32, #tpu.memory_space<vmem>>, vector<16xi32>,
          %swap3A_998 = vector.shape_cast %swap3A_997 : vector<16xi32> to vector<16xi32>
          %swap3A_999 = vector.shape_cast %get3A_995 : vector<16xi32> to vector<16xi32>
          tpu.vector_store %arg22[%swap3A_996], %swap3A_999 {strides = array<i32>} : memref<128xi32, #tpu.memory_space<vmem>>, vector<16xi32>,
          %get3A_1000 = arith.constant 0 : i32
          %get3A_1001 = arith.constant 0 : i32
          %get3A_1002 = arith.constant 0 : i32
          %get3A_1003 = tpu.memref_slice %run_scoped3A_11[%rem3A_534, %get3A_1001, %get3A_1002] : memref<2x1x128xi32, #tpu.memory_space<vmem>> -> memref<1x1x128xi32, #tpu.memory_space<vmem>>
          %get3A_1004 = tpu.memref_squeeze %get3A_1003 : memref<1x1x128xi32, #tpu.memory_space<vmem>> -> memref<1x128xi32, #tpu.memory_space<vmem>>
          %get3A_1005 = arith.index_cast %get3A_1000 : i32 to index
          %get3A_1006 = arith.constant 48 : index
          %get3A_1007 = tpu.vector_load %get3A_1004[%get3A_1005, %get3A_1006] {strides = array<i32>} : memref<1x128xi32, #tpu.memory_space<vmem>>, vector<1x16xi32>,
          %get3A_1008 = vector.shape_cast %get3A_1007 : vector<1x16xi32> to vector<16xi32>
          %swap3A_1009 = arith.constant 48 : index
          %swap3A_1010 = tpu.vector_load %arg22[%swap3A_1009] {strides = array<i32>} : memref<128xi32, #tpu.memory_space<vmem>>, vector<16xi32>,
          %swap3A_1011 = vector.shape_cast %swap3A_1010 : vector<16xi32> to vector<16xi32>
          %swap3A_1012 = vector.shape_cast %get3A_1008 : vector<16xi32> to vector<16xi32>
          tpu.vector_store %arg22[%swap3A_1009], %swap3A_1012 {strides = array<i32>} : memref<128xi32, #tpu.memory_space<vmem>>, vector<16xi32>,
          %get3A_1013 = arith.constant 0 : i32
          %get3A_1014 = arith.constant 0 : i32
          %get3A_1015 = arith.constant 0 : i32
          %get3A_1016 = tpu.memref_slice %run_scoped3A_11[%rem3A_534, %get3A_1014, %get3A_1015] : memref<2x1x128xi32, #tpu.memory_space<vmem>> -> memref<1x1x128xi32, #tpu.memory_space<vmem>>
          %get3A_1017 = tpu.memref_squeeze %get3A_1016 : memref<1x1x128xi32, #tpu.memory_space<vmem>> -> memref<1x128xi32, #tpu.memory_space<vmem>>
          %get3A_1018 = arith.index_cast %get3A_1013 : i32 to index
          %get3A_1019 = arith.constant 64 : index
          %get3A_1020 = tpu.vector_load %get3A_1017[%get3A_1018, %get3A_1019] {strides = array<i32>} : memref<1x128xi32, #tpu.memory_space<vmem>>, vector<1x16xi32>,
          %get3A_1021 = vector.shape_cast %get3A_1020 : vector<1x16xi32> to vector<16xi32>
          %swap3A_1022 = arith.constant 64 : index
          %swap3A_1023 = tpu.vector_load %arg22[%swap3A_1022] {strides = array<i32>} : memref<128xi32, #tpu.memory_space<vmem>>, vector<16xi32>,
          %swap3A_1024 = vector.shape_cast %swap3A_1023 : vector<16xi32> to vector<16xi32>
          %swap3A_1025 = vector.shape_cast %get3A_1021 : vector<16xi32> to vector<16xi32>
          tpu.vector_store %arg22[%swap3A_1022], %swap3A_1025 {strides = array<i32>} : memref<128xi32, #tpu.memory_space<vmem>>, vector<16xi32>,
          %get3A_1026 = arith.constant 0 : i32
          %get3A_1027 = arith.constant 0 : i32
          %get3A_1028 = arith.constant 0 : i32
          %get3A_1029 = tpu.memref_slice %run_scoped3A_11[%rem3A_534, %get3A_1027, %get3A_1028] : memref<2x1x128xi32, #tpu.memory_space<vmem>> -> memref<1x1x128xi32, #tpu.memory_space<vmem>>
          %get3A_1030 = tpu.memref_squeeze %get3A_1029 : memref<1x1x128xi32, #tpu.memory_space<vmem>> -> memref<1x128xi32, #tpu.memory_space<vmem>>
          %get3A_1031 = arith.index_cast %get3A_1026 : i32 to index
          %get3A_1032 = arith.constant 80 : index
          %get3A_1033 = tpu.vector_load %get3A_1030[%get3A_1031, %get3A_1032] {strides = array<i32>} : memref<1x128xi32, #tpu.memory_space<vmem>>, vector<1x16xi32>,
          %get3A_1034 = vector.shape_cast %get3A_1033 : vector<1x16xi32> to vector<16xi32>
          %swap3A_1035 = arith.constant 80 : index
          %swap3A_1036 = tpu.vector_load %arg22[%swap3A_1035] {strides = array<i32>} : memref<128xi32, #tpu.memory_space<vmem>>, vector<16xi32>,
          %swap3A_1037 = vector.shape_cast %swap3A_1036 : vector<16xi32> to vector<16xi32>
          %swap3A_1038 = vector.shape_cast %get3A_1034 : vector<16xi32> to vector<16xi32>
          tpu.vector_store %arg22[%swap3A_1035], %swap3A_1038 {strides = array<i32>} : memref<128xi32, #tpu.memory_space<vmem>>, vector<16xi32>,
          %get3A_1039 = arith.constant 0 : i32
          %get3A_1040 = arith.constant 0 : i32
          %get3A_1041 = arith.constant 0 : i32
          %get3A_1042 = tpu.memref_slice %run_scoped3A_11[%rem3A_534, %get3A_1040, %get3A_1041] : memref<2x1x128xi32, #tpu.memory_space<vmem>> -> memref<1x1x128xi32, #tpu.memory_space<vmem>>
          %get3A_1043 = tpu.memref_squeeze %get3A_1042 : memref<1x1x128xi32, #tpu.memory_space<vmem>> -> memref<1x128xi32, #tpu.memory_space<vmem>>
          %get3A_1044 = arith.index_cast %get3A_1039 : i32 to index
          %get3A_1045 = arith.constant 96 : index
          %get3A_1046 = tpu.vector_load %get3A_1043[%get3A_1044, %get3A_1045] {strides = array<i32>} : memref<1x128xi32, #tpu.memory_space<vmem>>, vector<1x16xi32>,
          %get3A_1047 = vector.shape_cast %get3A_1046 : vector<1x16xi32> to vector<16xi32>
          %swap3A_1048 = arith.constant 96 : index
          %swap3A_1049 = tpu.vector_load %arg22[%swap3A_1048] {strides = array<i32>} : memref<128xi32, #tpu.memory_space<vmem>>, vector<16xi32>,
          %swap3A_1050 = vector.shape_cast %swap3A_1049 : vector<16xi32> to vector<16xi32>
          %swap3A_1051 = vector.shape_cast %get3A_1047 : vector<16xi32> to vector<16xi32>
          tpu.vector_store %arg22[%swap3A_1048], %swap3A_1051 {strides = array<i32>} : memref<128xi32, #tpu.memory_space<vmem>>, vector<16xi32>,
          %get3A_1052 = arith.constant 0 : i32
          %get3A_1053 = arith.constant 0 : i32
          %get3A_1054 = arith.constant 0 : i32
          %get3A_1055 = tpu.memref_slice %run_scoped3A_11[%rem3A_534, %get3A_1053, %get3A_1054] : memref<2x1x128xi32, #tpu.memory_space<vmem>> -> memref<1x1x128xi32, #tpu.memory_space<vmem>>
          %get3A_1056 = tpu.memref_squeeze %get3A_1055 : memref<1x1x128xi32, #tpu.memory_space<vmem>> -> memref<1x128xi32, #tpu.memory_space<vmem>>
          %get3A_1057 = arith.index_cast %get3A_1052 : i32 to index
          %get3A_1058 = arith.constant 112 : index
          %get3A_1059 = tpu.vector_load %get3A_1056[%get3A_1057, %get3A_1058] {strides = array<i32>} : memref<1x128xi32, #tpu.memory_space<vmem>>, vector<1x16xi32>,
          %get3A_1060 = vector.shape_cast %get3A_1059 : vector<1x16xi32> to vector<16xi32>
          %swap3A_1061 = arith.constant 112 : index
          %swap3A_1062 = tpu.vector_load %arg22[%swap3A_1061] {strides = array<i32>} : memref<128xi32, #tpu.memory_space<vmem>>, vector<16xi32>,
          %swap3A_1063 = vector.shape_cast %swap3A_1062 : vector<16xi32> to vector<16xi32>
          %swap3A_1064 = vector.shape_cast %get3A_1060 : vector<16xi32> to vector<16xi32>
          tpu.vector_store %arg22[%swap3A_1061], %swap3A_1064 {strides = array<i32>} : memref<128xi32, #tpu.memory_space<vmem>>, vector<16xi32>,
          %get3A_1065 = arith.constant 0 : i32
          %get3A_1066 = arith.constant 0 : i32
          %get3A_1067 = arith.constant 0 : i32
          %get3A_1068 = tpu.memref_slice %run_scoped3A_13[%rem3A_536, %get3A_1066, %get3A_1067] : memref<2x1x128xi32, #tpu.memory_space<vmem>> -> memref<1x1x128xi32, #tpu.memory_space<vmem>>
          %get3A_1069 = tpu.memref_squeeze %get3A_1068 : memref<1x1x128xi32, #tpu.memory_space<vmem>> -> memref<1x128xi32, #tpu.memory_space<vmem>>
          %get3A_1070 = arith.index_cast %get3A_1065 : i32 to index
          %get3A_1071 = arith.constant 0 : index
          %get3A_1072 = tpu.vector_load %get3A_1069[%get3A_1070, %get3A_1071] {strides = array<i32>} : memref<1x128xi32, #tpu.memory_space<vmem>>, vector<1x16xi32>,
          %get3A_1073 = vector.shape_cast %get3A_1072 : vector<1x16xi32> to vector<16xi32>
          %swap3A_1074 = arith.constant 0 : index
          %swap3A_1075 = tpu.vector_load %arg23[%swap3A_1074] {strides = array<i32>} : memref<128xi32, #tpu.memory_space<vmem>>, vector<16xi32>,
          %swap3A_1076 = vector.shape_cast %swap3A_1075 : vector<16xi32> to vector<16xi32>
          %swap3A_1077 = vector.shape_cast %get3A_1073 : vector<16xi32> to vector<16xi32>
          tpu.vector_store %arg23[%swap3A_1074], %swap3A_1077 {strides = array<i32>} : memref<128xi32, #tpu.memory_space<vmem>>, vector<16xi32>,
          %get3A_1078 = arith.constant 0 : i32
          %get3A_1079 = arith.constant 0 : i32
          %get3A_1080 = arith.constant 0 : i32
          %get3A_1081 = tpu.memref_slice %run_scoped3A_13[%rem3A_536, %get3A_1079, %get3A_1080] : memref<2x1x128xi32, #tpu.memory_space<vmem>> -> memref<1x1x128xi32, #tpu.memory_space<vmem>>
          %get3A_1082 = tpu.memref_squeeze %get3A_1081 : memref<1x1x128xi32, #tpu.memory_space<vmem>> -> memref<1x128xi32, #tpu.memory_space<vmem>>
          %get3A_1083 = arith.index_cast %get3A_1078 : i32 to index
          %get3A_1084 = arith.constant 16 : index
          %get3A_1085 = tpu.vector_load %get3A_1082[%get3A_1083, %get3A_1084] {strides = array<i32>} : memref<1x128xi32, #tpu.memory_space<vmem>>, vector<1x16xi32>,
          %get3A_1086 = vector.shape_cast %get3A_1085 : vector<1x16xi32> to vector<16xi32>
          %swap3A_1087 = arith.constant 16 : index
          %swap3A_1088 = tpu.vector_load %arg23[%swap3A_1087] {strides = array<i32>} : memref<128xi32, #tpu.memory_space<vmem>>, vector<16xi32>,
          %swap3A_1089 = vector.shape_cast %swap3A_1088 : vector<16xi32> to vector<16xi32>
          %swap3A_1090 = vector.shape_cast %get3A_1086 : vector<16xi32> to vector<16xi32>
          tpu.vector_store %arg23[%swap3A_1087], %swap3A_1090 {strides = array<i32>} : memref<128xi32, #tpu.memory_space<vmem>>, vector<16xi32>,
          %get3A_1091 = arith.constant 0 : i32
          %get3A_1092 = arith.constant 0 : i32
          %get3A_1093 = arith.constant 0 : i32
          %get3A_1094 = tpu.memref_slice %run_scoped3A_13[%rem3A_536, %get3A_1092, %get3A_1093] : memref<2x1x128xi32, #tpu.memory_space<vmem>> -> memref<1x1x128xi32, #tpu.memory_space<vmem>>
          %get3A_1095 = tpu.memref_squeeze %get3A_1094 : memref<1x1x128xi32, #tpu.memory_space<vmem>> -> memref<1x128xi32, #tpu.memory_space<vmem>>
          %get3A_1096 = arith.index_cast %get3A_1091 : i32 to index
          %get3A_1097 = arith.constant 32 : index
          %get3A_1098 = tpu.vector_load %get3A_1095[%get3A_1096, %get3A_1097] {strides = array<i32>} : memref<1x128xi32, #tpu.memory_space<vmem>>, vector<1x16xi32>,
          %get3A_1099 = vector.shape_cast %get3A_1098 : vector<1x16xi32> to vector<16xi32>
          %swap3A_1100 = arith.constant 32 : index
          %swap3A_1101 = tpu.vector_load %arg23[%swap3A_1100] {strides = array<i32>} : memref<128xi32, #tpu.memory_space<vmem>>, vector<16xi32>,
          %swap3A_1102 = vector.shape_cast %swap3A_1101 : vector<16xi32> to vector<16xi32>
          %swap3A_1103 = vector.shape_cast %get3A_1099 : vector<16xi32> to vector<16xi32>
          tpu.vector_store %arg23[%swap3A_1100], %swap3A_1103 {strides = array<i32>} : memref<128xi32, #tpu.memory_space<vmem>>, vector<16xi32>,
          %get3A_1104 = arith.constant 0 : i32
          %get3A_1105 = arith.constant 0 : i32
          %get3A_1106 = arith.constant 0 : i32
          %get3A_1107 = tpu.memref_slice %run_scoped3A_13[%rem3A_536, %get3A_1105, %get3A_1106] : memref<2x1x128xi32, #tpu.memory_space<vmem>> -> memref<1x1x128xi32, #tpu.memory_space<vmem>>
          %get3A_1108 = tpu.memref_squeeze %get3A_1107 : memref<1x1x128xi32, #tpu.memory_space<vmem>> -> memref<1x128xi32, #tpu.memory_space<vmem>>
          %get3A_1109 = arith.index_cast %get3A_1104 : i32 to index
          %get3A_1110 = arith.constant 48 : index
          %get3A_1111 = tpu.vector_load %get3A_1108[%get3A_1109, %get3A_1110] {strides = array<i32>} : memref<1x128xi32, #tpu.memory_space<vmem>>, vector<1x16xi32>,
          %get3A_1112 = vector.shape_cast %get3A_1111 : vector<1x16xi32> to vector<16xi32>
          %swap3A_1113 = arith.constant 48 : index
          %swap3A_1114 = tpu.vector_load %arg23[%swap3A_1113] {strides = array<i32>} : memref<128xi32, #tpu.memory_space<vmem>>, vector<16xi32>,
          %swap3A_1115 = vector.shape_cast %swap3A_1114 : vector<16xi32> to vector<16xi32>
          %swap3A_1116 = vector.shape_cast %get3A_1112 : vector<16xi32> to vector<16xi32>
          tpu.vector_store %arg23[%swap3A_1113], %swap3A_1116 {strides = array<i32>} : memref<128xi32, #tpu.memory_space<vmem>>, vector<16xi32>,
          %get3A_1117 = arith.constant 0 : i32
          %get3A_1118 = arith.constant 0 : i32
          %get3A_1119 = arith.constant 0 : i32
          %get3A_1120 = tpu.memref_slice %run_scoped3A_13[%rem3A_536, %get3A_1118, %get3A_1119] : memref<2x1x128xi32, #tpu.memory_space<vmem>> -> memref<1x1x128xi32, #tpu.memory_space<vmem>>
          %get3A_1121 = tpu.memref_squeeze %get3A_1120 : memref<1x1x128xi32, #tpu.memory_space<vmem>> -> memref<1x128xi32, #tpu.memory_space<vmem>>
          %get3A_1122 = arith.index_cast %get3A_1117 : i32 to index
          %get3A_1123 = arith.constant 64 : index
          %get3A_1124 = tpu.vector_load %get3A_1121[%get3A_1122, %get3A_1123] {strides = array<i32>} : memref<1x128xi32, #tpu.memory_space<vmem>>, vector<1x16xi32>,
          %get3A_1125 = vector.shape_cast %get3A_1124 : vector<1x16xi32> to vector<16xi32>
          %swap3A_1126 = arith.constant 64 : index
          %swap3A_1127 = tpu.vector_load %arg23[%swap3A_1126] {strides = array<i32>} : memref<128xi32, #tpu.memory_space<vmem>>, vector<16xi32>,
          %swap3A_1128 = vector.shape_cast %swap3A_1127 : vector<16xi32> to vector<16xi32>
          %swap3A_1129 = vector.shape_cast %get3A_1125 : vector<16xi32> to vector<16xi32>
          tpu.vector_store %arg23[%swap3A_1126], %swap3A_1129 {strides = array<i32>} : memref<128xi32, #tpu.memory_space<vmem>>, vector<16xi32>,
          %get3A_1130 = arith.constant 0 : i32
          %get3A_1131 = arith.constant 0 : i32
          %get3A_1132 = arith.constant 0 : i32
          %get3A_1133 = tpu.memref_slice %run_scoped3A_13[%rem3A_536, %get3A_1131, %get3A_1132] : memref<2x1x128xi32, #tpu.memory_space<vmem>> -> memref<1x1x128xi32, #tpu.memory_space<vmem>>
          %get3A_1134 = tpu.memref_squeeze %get3A_1133 : memref<1x1x128xi32, #tpu.memory_space<vmem>> -> memref<1x128xi32, #tpu.memory_space<vmem>>
          %get3A_1135 = arith.index_cast %get3A_1130 : i32 to index
          %get3A_1136 = arith.constant 80 : index
          %get3A_1137 = tpu.vector_load %get3A_1134[%get3A_1135, %get3A_1136] {strides = array<i32>} : memref<1x128xi32, #tpu.memory_space<vmem>>, vector<1x16xi32>,
          %get3A_1138 = vector.shape_cast %get3A_1137 : vector<1x16xi32> to vector<16xi32>
          %swap3A_1139 = arith.constant 80 : index
          %swap3A_1140 = tpu.vector_load %arg23[%swap3A_1139] {strides = array<i32>} : memref<128xi32, #tpu.memory_space<vmem>>, vector<16xi32>,
          %swap3A_1141 = vector.shape_cast %swap3A_1140 : vector<16xi32> to vector<16xi32>
          %swap3A_1142 = vector.shape_cast %get3A_1138 : vector<16xi32> to vector<16xi32>
          tpu.vector_store %arg23[%swap3A_1139], %swap3A_1142 {strides = array<i32>} : memref<128xi32, #tpu.memory_space<vmem>>, vector<16xi32>,
          %get3A_1143 = arith.constant 0 : i32
          %get3A_1144 = arith.constant 0 : i32
          %get3A_1145 = arith.constant 0 : i32
          %get3A_1146 = tpu.memref_slice %run_scoped3A_13[%rem3A_536, %get3A_1144, %get3A_1145] : memref<2x1x128xi32, #tpu.memory_space<vmem>> -> memref<1x1x128xi32, #tpu.memory_space<vmem>>
          %get3A_1147 = tpu.memref_squeeze %get3A_1146 : memref<1x1x128xi32, #tpu.memory_space<vmem>> -> memref<1x128xi32, #tpu.memory_space<vmem>>
          %get3A_1148 = arith.index_cast %get3A_1143 : i32 to index
          %get3A_1149 = arith.constant 96 : index
          %get3A_1150 = tpu.vector_load %get3A_1147[%get3A_1148, %get3A_1149] {strides = array<i32>} : memref<1x128xi32, #tpu.memory_space<vmem>>, vector<1x16xi32>,
          %get3A_1151 = vector.shape_cast %get3A_1150 : vector<1x16xi32> to vector<16xi32>
          %swap3A_1152 = arith.constant 96 : index
          %swap3A_1153 = tpu.vector_load %arg23[%swap3A_1152] {strides = array<i32>} : memref<128xi32, #tpu.memory_space<vmem>>, vector<16xi32>,
          %swap3A_1154 = vector.shape_cast %swap3A_1153 : vector<16xi32> to vector<16xi32>
          %swap3A_1155 = vector.shape_cast %get3A_1151 : vector<16xi32> to vector<16xi32>
          tpu.vector_store %arg23[%swap3A_1152], %swap3A_1155 {strides = array<i32>} : memref<128xi32, #tpu.memory_space<vmem>>, vector<16xi32>,
          %get3A_1156 = arith.constant 0 : i32
          %get3A_1157 = arith.constant 0 : i32
          %get3A_1158 = arith.constant 0 : i32
          %get3A_1159 = tpu.memref_slice %run_scoped3A_13[%rem3A_536, %get3A_1157, %get3A_1158] : memref<2x1x128xi32, #tpu.memory_space<vmem>> -> memref<1x1x128xi32, #tpu.memory_space<vmem>>
          %get3A_1160 = tpu.memref_squeeze %get3A_1159 : memref<1x1x128xi32, #tpu.memory_space<vmem>> -> memref<1x128xi32, #tpu.memory_space<vmem>>
          %get3A_1161 = arith.index_cast %get3A_1156 : i32 to index
          %get3A_1162 = arith.constant 112 : index
          %get3A_1163 = tpu.vector_load %get3A_1160[%get3A_1161, %get3A_1162] {strides = array<i32>} : memref<1x128xi32, #tpu.memory_space<vmem>>, vector<1x16xi32>,
          %get3A_1164 = vector.shape_cast %get3A_1163 : vector<1x16xi32> to vector<16xi32>
          %swap3A_1165 = arith.constant 112 : index
          %swap3A_1166 = tpu.vector_load %arg23[%swap3A_1165] {strides = array<i32>} : memref<128xi32, #tpu.memory_space<vmem>>, vector<16xi32>,
          %swap3A_1167 = vector.shape_cast %swap3A_1166 : vector<16xi32> to vector<16xi32>
          %swap3A_1168 = vector.shape_cast %get3A_1164 : vector<16xi32> to vector<16xi32>
          tpu.vector_store %arg23[%swap3A_1165], %swap3A_1168 {strides = array<i32>} : memref<128xi32, #tpu.memory_space<vmem>>, vector<16xi32>,
          %dma_start3A_1169 = arith.constant 0 : i32
          %dma_start3A_1170 = arith.constant 0 : i32
          %dma_start3A_1171 = tpu.memref_slice %arg2[%dma_start3A_1169, %dma_start3A_1170] : memref<99991x64xf32, #tpu.memory_space<hbm>> -> memref<99991x64xf32, #tpu.memory_space<hbm>>
          tpu.enqueue_indirect_dma source(%dma_start3A_1171 : memref<99991x64xf32, #tpu.memory_space<hbm>>) target(%arg12 : memref<128x64xf32, #tpu.memory_space<vmem>>) offsets(%arg21 : memref<128xi32, #tpu.memory_space<vmem>>) semaphore(%arg31 : memref<!tpu.dma_semaphore, #tpu.memory_space<semaphore_mem>>)
          %dma_start3A_1172 = arith.constant 0 : i32
          %dma_start3A_1173 = arith.constant 0 : i32
          %dma_start3A_1174 = tpu.memref_slice %arg3[%dma_start3A_1172, %dma_start3A_1173] : memref<100003x64xf32, #tpu.memory_space<hbm>> -> memref<100003x64xf32, #tpu.memory_space<hbm>>
          tpu.enqueue_indirect_dma source(%dma_start3A_1174 : memref<100003x64xf32, #tpu.memory_space<hbm>>) target(%arg13 : memref<128x64xf32, #tpu.memory_space<vmem>>) offsets(%arg22 : memref<128xi32, #tpu.memory_space<vmem>>) semaphore(%arg32 : memref<!tpu.dma_semaphore, #tpu.memory_space<semaphore_mem>>)
          %dma_start3A_1175 = arith.constant 0 : i32
          %dma_start3A_1176 = arith.constant 0 : i32
          %dma_start3A_1177 = tpu.memref_slice %arg4[%dma_start3A_1175, %dma_start3A_1176] : memref<100019x64xf32, #tpu.memory_space<hbm>> -> memref<100019x64xf32, #tpu.memory_space<hbm>>
          tpu.enqueue_indirect_dma source(%dma_start3A_1177 : memref<100019x64xf32, #tpu.memory_space<hbm>>) target(%arg14 : memref<128x64xf32, #tpu.memory_space<vmem>>) offsets(%arg23 : memref<128xi32, #tpu.memory_space<vmem>>) semaphore(%arg33 : memref<!tpu.dma_semaphore, #tpu.memory_space<semaphore_mem>>)
        } else {
        }
        %lt3A_558 = arith.constant 200 : i32
        %lt3A_559 = arith.cmpi slt, %get3A_540, %lt3A_558 : i32
        %eq3A_560 = arith.constant 2 : i32
        %eq3A_561 = arith.cmpi eq, %rem3A_542, %eq3A_560 : i32
        %and3A_562 = arith.andi %lt3A_559, %eq3A_561 : i1
        %convert_element_type3A_563 = arith.extui %and3A_562 : i1 to i32
        %cond3A_564 = arith.constant 0 : i32
        %cond3A_565 = arith.cmpi ne, %convert_element_type3A_563, %cond3A_564 : i32
        scf.if %cond3A_565 {
          %get3A_857 = arith.constant 0 : i32
          %get3A_858 = arith.constant 0 : i32
          %get3A_859 = arith.constant 0 : i32
          %get3A_860 = tpu.memref_slice %run_scoped3A[%rem3A_532, %get3A_858, %get3A_859] : memref<2x1x128xi32, #tpu.memory_space<vmem>> -> memref<1x1x128xi32, #tpu.memory_space<vmem>>
          %get3A_861 = tpu.memref_squeeze %get3A_860 : memref<1x1x128xi32, #tpu.memory_space<vmem>> -> memref<1x128xi32, #tpu.memory_space<vmem>>
          %get3A_862 = arith.index_cast %get3A_857 : i32 to index
          %get3A_863 = arith.constant 0 : index
          %get3A_864 = tpu.vector_load %get3A_861[%get3A_862, %get3A_863] {strides = array<i32>} : memref<1x128xi32, #tpu.memory_space<vmem>>, vector<1x16xi32>,
          %get3A_865 = vector.shape_cast %get3A_864 : vector<1x16xi32> to vector<16xi32>
          %swap3A_866 = arith.constant 0 : index
          %swap3A_867 = tpu.vector_load %arg24[%swap3A_866] {strides = array<i32>} : memref<128xi32, #tpu.memory_space<vmem>>, vector<16xi32>,
          %swap3A_868 = vector.shape_cast %swap3A_867 : vector<16xi32> to vector<16xi32>
          %swap3A_869 = vector.shape_cast %get3A_865 : vector<16xi32> to vector<16xi32>
          tpu.vector_store %arg24[%swap3A_866], %swap3A_869 {strides = array<i32>} : memref<128xi32, #tpu.memory_space<vmem>>, vector<16xi32>,
          %get3A_870 = arith.constant 0 : i32
          %get3A_871 = arith.constant 0 : i32
          %get3A_872 = arith.constant 0 : i32
          %get3A_873 = tpu.memref_slice %run_scoped3A[%rem3A_532, %get3A_871, %get3A_872] : memref<2x1x128xi32, #tpu.memory_space<vmem>> -> memref<1x1x128xi32, #tpu.memory_space<vmem>>
          %get3A_874 = tpu.memref_squeeze %get3A_873 : memref<1x1x128xi32, #tpu.memory_space<vmem>> -> memref<1x128xi32, #tpu.memory_space<vmem>>
          %get3A_875 = arith.index_cast %get3A_870 : i32 to index
          %get3A_876 = arith.constant 16 : index
          %get3A_877 = tpu.vector_load %get3A_874[%get3A_875, %get3A_876] {strides = array<i32>} : memref<1x128xi32, #tpu.memory_space<vmem>>, vector<1x16xi32>,
          %get3A_878 = vector.shape_cast %get3A_877 : vector<1x16xi32> to vector<16xi32>
          %swap3A_879 = arith.constant 16 : index
          %swap3A_880 = tpu.vector_load %arg24[%swap3A_879] {strides = array<i32>} : memref<128xi32, #tpu.memory_space<vmem>>, vector<16xi32>,
          %swap3A_881 = vector.shape_cast %swap3A_880 : vector<16xi32> to vector<16xi32>
          %swap3A_882 = vector.shape_cast %get3A_878 : vector<16xi32> to vector<16xi32>
          tpu.vector_store %arg24[%swap3A_879], %swap3A_882 {strides = array<i32>} : memref<128xi32, #tpu.memory_space<vmem>>, vector<16xi32>,
          %get3A_883 = arith.constant 0 : i32
          %get3A_884 = arith.constant 0 : i32
          %get3A_885 = arith.constant 0 : i32
          %get3A_886 = tpu.memref_slice %run_scoped3A[%rem3A_532, %get3A_884, %get3A_885] : memref<2x1x128xi32, #tpu.memory_space<vmem>> -> memref<1x1x128xi32, #tpu.memory_space<vmem>>
          %get3A_887 = tpu.memref_squeeze %get3A_886 : memref<1x1x128xi32, #tpu.memory_space<vmem>> -> memref<1x128xi32, #tpu.memory_space<vmem>>
          %get3A_888 = arith.index_cast %get3A_883 : i32 to index
          %get3A_889 = arith.constant 32 : index
          %get3A_890 = tpu.vector_load %get3A_887[%get3A_888, %get3A_889] {strides = array<i32>} : memref<1x128xi32, #tpu.memory_space<vmem>>, vector<1x16xi32>,
          %get3A_891 = vector.shape_cast %get3A_890 : vector<1x16xi32> to vector<16xi32>
          %swap3A_892 = arith.constant 32 : index
          %swap3A_893 = tpu.vector_load %arg24[%swap3A_892] {strides = array<i32>} : memref<128xi32, #tpu.memory_space<vmem>>, vector<16xi32>,
          %swap3A_894 = vector.shape_cast %swap3A_893 : vector<16xi32> to vector<16xi32>
          %swap3A_895 = vector.shape_cast %get3A_891 : vector<16xi32> to vector<16xi32>
          tpu.vector_store %arg24[%swap3A_892], %swap3A_895 {strides = array<i32>} : memref<128xi32, #tpu.memory_space<vmem>>, vector<16xi32>,
          %get3A_896 = arith.constant 0 : i32
          %get3A_897 = arith.constant 0 : i32
          %get3A_898 = arith.constant 0 : i32
          %get3A_899 = tpu.memref_slice %run_scoped3A[%rem3A_532, %get3A_897, %get3A_898] : memref<2x1x128xi32, #tpu.memory_space<vmem>> -> memref<1x1x128xi32, #tpu.memory_space<vmem>>
          %get3A_900 = tpu.memref_squeeze %get3A_899 : memref<1x1x128xi32, #tpu.memory_space<vmem>> -> memref<1x128xi32, #tpu.memory_space<vmem>>
          %get3A_901 = arith.index_cast %get3A_896 : i32 to index
          %get3A_902 = arith.constant 48 : index
          %get3A_903 = tpu.vector_load %get3A_900[%get3A_901, %get3A_902] {strides = array<i32>} : memref<1x128xi32, #tpu.memory_space<vmem>>, vector<1x16xi32>,
          %get3A_904 = vector.shape_cast %get3A_903 : vector<1x16xi32> to vector<16xi32>
          %swap3A_905 = arith.constant 48 : index
          %swap3A_906 = tpu.vector_load %arg24[%swap3A_905] {strides = array<i32>} : memref<128xi32, #tpu.memory_space<vmem>>, vector<16xi32>,
          %swap3A_907 = vector.shape_cast %swap3A_906 : vector<16xi32> to vector<16xi32>
          %swap3A_908 = vector.shape_cast %get3A_904 : vector<16xi32> to vector<16xi32>
          tpu.vector_store %arg24[%swap3A_905], %swap3A_908 {strides = array<i32>} : memref<128xi32, #tpu.memory_space<vmem>>, vector<16xi32>,
          %get3A_909 = arith.constant 0 : i32
          %get3A_910 = arith.constant 0 : i32
          %get3A_911 = arith.constant 0 : i32
          %get3A_912 = tpu.memref_slice %run_scoped3A[%rem3A_532, %get3A_910, %get3A_911] : memref<2x1x128xi32, #tpu.memory_space<vmem>> -> memref<1x1x128xi32, #tpu.memory_space<vmem>>
          %get3A_913 = tpu.memref_squeeze %get3A_912 : memref<1x1x128xi32, #tpu.memory_space<vmem>> -> memref<1x128xi32, #tpu.memory_space<vmem>>
          %get3A_914 = arith.index_cast %get3A_909 : i32 to index
          %get3A_915 = arith.constant 64 : index
          %get3A_916 = tpu.vector_load %get3A_913[%get3A_914, %get3A_915] {strides = array<i32>} : memref<1x128xi32, #tpu.memory_space<vmem>>, vector<1x16xi32>,
          %get3A_917 = vector.shape_cast %get3A_916 : vector<1x16xi32> to vector<16xi32>
          %swap3A_918 = arith.constant 64 : index
          %swap3A_919 = tpu.vector_load %arg24[%swap3A_918] {strides = array<i32>} : memref<128xi32, #tpu.memory_space<vmem>>, vector<16xi32>,
          %swap3A_920 = vector.shape_cast %swap3A_919 : vector<16xi32> to vector<16xi32>
          %swap3A_921 = vector.shape_cast %get3A_917 : vector<16xi32> to vector<16xi32>
          tpu.vector_store %arg24[%swap3A_918], %swap3A_921 {strides = array<i32>} : memref<128xi32, #tpu.memory_space<vmem>>, vector<16xi32>,
          %get3A_922 = arith.constant 0 : i32
          %get3A_923 = arith.constant 0 : i32
          %get3A_924 = arith.constant 0 : i32
          %get3A_925 = tpu.memref_slice %run_scoped3A[%rem3A_532, %get3A_923, %get3A_924] : memref<2x1x128xi32, #tpu.memory_space<vmem>> -> memref<1x1x128xi32, #tpu.memory_space<vmem>>
          %get3A_926 = tpu.memref_squeeze %get3A_925 : memref<1x1x128xi32, #tpu.memory_space<vmem>> -> memref<1x128xi32, #tpu.memory_space<vmem>>
          %get3A_927 = arith.index_cast %get3A_922 : i32 to index
          %get3A_928 = arith.constant 80 : index
          %get3A_929 = tpu.vector_load %get3A_926[%get3A_927, %get3A_928] {strides = array<i32>} : memref<1x128xi32, #tpu.memory_space<vmem>>, vector<1x16xi32>,
          %get3A_930 = vector.shape_cast %get3A_929 : vector<1x16xi32> to vector<16xi32>
          %swap3A_931 = arith.constant 80 : index
          %swap3A_932 = tpu.vector_load %arg24[%swap3A_931] {strides = array<i32>} : memref<128xi32, #tpu.memory_space<vmem>>, vector<16xi32>,
          %swap3A_933 = vector.shape_cast %swap3A_932 : vector<16xi32> to vector<16xi32>
          %swap3A_934 = vector.shape_cast %get3A_930 : vector<16xi32> to vector<16xi32>
          tpu.vector_store %arg24[%swap3A_931], %swap3A_934 {strides = array<i32>} : memref<128xi32, #tpu.memory_space<vmem>>, vector<16xi32>,
          %get3A_935 = arith.constant 0 : i32
          %get3A_936 = arith.constant 0 : i32
          %get3A_937 = arith.constant 0 : i32
          %get3A_938 = tpu.memref_slice %run_scoped3A[%rem3A_532, %get3A_936, %get3A_937] : memref<2x1x128xi32, #tpu.memory_space<vmem>> -> memref<1x1x128xi32, #tpu.memory_space<vmem>>
          %get3A_939 = tpu.memref_squeeze %get3A_938 : memref<1x1x128xi32, #tpu.memory_space<vmem>> -> memref<1x128xi32, #tpu.memory_space<vmem>>
          %get3A_940 = arith.index_cast %get3A_935 : i32 to index
          %get3A_941 = arith.constant 96 : index
          %get3A_942 = tpu.vector_load %get3A_939[%get3A_940, %get3A_941] {strides = array<i32>} : memref<1x128xi32, #tpu.memory_space<vmem>>, vector<1x16xi32>,
          %get3A_943 = vector.shape_cast %get3A_942 : vector<1x16xi32> to vector<16xi32>
          %swap3A_944 = arith.constant 96 : index
          %swap3A_945 = tpu.vector_load %arg24[%swap3A_944] {strides = array<i32>} : memref<128xi32, #tpu.memory_space<vmem>>, vector<16xi32>,
          %swap3A_946 = vector.shape_cast %swap3A_945 : vector<16xi32> to vector<16xi32>
          %swap3A_947 = vector.shape_cast %get3A_943 : vector<16xi32> to vector<16xi32>
          tpu.vector_store %arg24[%swap3A_944], %swap3A_947 {strides = array<i32>} : memref<128xi32, #tpu.memory_space<vmem>>, vector<16xi32>,
          %get3A_948 = arith.constant 0 : i32
          %get3A_949 = arith.constant 0 : i32
          %get3A_950 = arith.constant 0 : i32
          %get3A_951 = tpu.memref_slice %run_scoped3A[%rem3A_532, %get3A_949, %get3A_950] : memref<2x1x128xi32, #tpu.memory_space<vmem>> -> memref<1x1x128xi32, #tpu.memory_space<vmem>>
          %get3A_952 = tpu.memref_squeeze %get3A_951 : memref<1x1x128xi32, #tpu.memory_space<vmem>> -> memref<1x128xi32, #tpu.memory_space<vmem>>
          %get3A_953 = arith.index_cast %get3A_948 : i32 to index
          %get3A_954 = arith.constant 112 : index
          %get3A_955 = tpu.vector_load %get3A_952[%get3A_953, %get3A_954] {strides = array<i32>} : memref<1x128xi32, #tpu.memory_space<vmem>>, vector<1x16xi32>,
          %get3A_956 = vector.shape_cast %get3A_955 : vector<1x16xi32> to vector<16xi32>
          %swap3A_957 = arith.constant 112 : index
          %swap3A_958 = tpu.vector_load %arg24[%swap3A_957] {strides = array<i32>} : memref<128xi32, #tpu.memory_space<vmem>>, vector<16xi32>,
          %swap3A_959 = vector.shape_cast %swap3A_958 : vector<16xi32> to vector<16xi32>
          %swap3A_960 = vector.shape_cast %get3A_956 : vector<16xi32> to vector<16xi32>
          tpu.vector_store %arg24[%swap3A_957], %swap3A_960 {strides = array<i32>} : memref<128xi32, #tpu.memory_space<vmem>>, vector<16xi32>,
          %get3A_961 = arith.constant 0 : i32
          %get3A_962 = arith.constant 0 : i32
          %get3A_963 = arith.constant 0 : i32
          %get3A_964 = tpu.memref_slice %run_scoped3A_11[%rem3A_534, %get3A_962, %get3A_963] : memref<2x1x128xi32, #tpu.memory_space<vmem>> -> memref<1x1x128xi32, #tpu.memory_space<vmem>>
          %get3A_965 = tpu.memref_squeeze %get3A_964 : memref<1x1x128xi32, #tpu.memory_space<vmem>> -> memref<1x128xi32, #tpu.memory_space<vmem>>
          %get3A_966 = arith.index_cast %get3A_961 : i32 to index
          %get3A_967 = arith.constant 0 : index
          %get3A_968 = tpu.vector_load %get3A_965[%get3A_966, %get3A_967] {strides = array<i32>} : memref<1x128xi32, #tpu.memory_space<vmem>>, vector<1x16xi32>,
          %get3A_969 = vector.shape_cast %get3A_968 : vector<1x16xi32> to vector<16xi32>
          %swap3A_970 = arith.constant 0 : index
          %swap3A_971 = tpu.vector_load %arg25[%swap3A_970] {strides = array<i32>} : memref<128xi32, #tpu.memory_space<vmem>>, vector<16xi32>,
          %swap3A_972 = vector.shape_cast %swap3A_971 : vector<16xi32> to vector<16xi32>
          %swap3A_973 = vector.shape_cast %get3A_969 : vector<16xi32> to vector<16xi32>
          tpu.vector_store %arg25[%swap3A_970], %swap3A_973 {strides = array<i32>} : memref<128xi32, #tpu.memory_space<vmem>>, vector<16xi32>,
          %get3A_974 = arith.constant 0 : i32
          %get3A_975 = arith.constant 0 : i32
          %get3A_976 = arith.constant 0 : i32
          %get3A_977 = tpu.memref_slice %run_scoped3A_11[%rem3A_534, %get3A_975, %get3A_976] : memref<2x1x128xi32, #tpu.memory_space<vmem>> -> memref<1x1x128xi32, #tpu.memory_space<vmem>>
          %get3A_978 = tpu.memref_squeeze %get3A_977 : memref<1x1x128xi32, #tpu.memory_space<vmem>> -> memref<1x128xi32, #tpu.memory_space<vmem>>
          %get3A_979 = arith.index_cast %get3A_974 : i32 to index
          %get3A_980 = arith.constant 16 : index
          %get3A_981 = tpu.vector_load %get3A_978[%get3A_979, %get3A_980] {strides = array<i32>} : memref<1x128xi32, #tpu.memory_space<vmem>>, vector<1x16xi32>,
          %get3A_982 = vector.shape_cast %get3A_981 : vector<1x16xi32> to vector<16xi32>
          %swap3A_983 = arith.constant 16 : index
          %swap3A_984 = tpu.vector_load %arg25[%swap3A_983] {strides = array<i32>} : memref<128xi32, #tpu.memory_space<vmem>>, vector<16xi32>,
          %swap3A_985 = vector.shape_cast %swap3A_984 : vector<16xi32> to vector<16xi32>
          %swap3A_986 = vector.shape_cast %get3A_982 : vector<16xi32> to vector<16xi32>
          tpu.vector_store %arg25[%swap3A_983], %swap3A_986 {strides = array<i32>} : memref<128xi32, #tpu.memory_space<vmem>>, vector<16xi32>,
          %get3A_987 = arith.constant 0 : i32
          %get3A_988 = arith.constant 0 : i32
          %get3A_989 = arith.constant 0 : i32
          %get3A_990 = tpu.memref_slice %run_scoped3A_11[%rem3A_534, %get3A_988, %get3A_989] : memref<2x1x128xi32, #tpu.memory_space<vmem>> -> memref<1x1x128xi32, #tpu.memory_space<vmem>>
          %get3A_991 = tpu.memref_squeeze %get3A_990 : memref<1x1x128xi32, #tpu.memory_space<vmem>> -> memref<1x128xi32, #tpu.memory_space<vmem>>
          %get3A_992 = arith.index_cast %get3A_987 : i32 to index
          %get3A_993 = arith.constant 32 : index
          %get3A_994 = tpu.vector_load %get3A_991[%get3A_992, %get3A_993] {strides = array<i32>} : memref<1x128xi32, #tpu.memory_space<vmem>>, vector<1x16xi32>,
          %get3A_995 = vector.shape_cast %get3A_994 : vector<1x16xi32> to vector<16xi32>
          %swap3A_996 = arith.constant 32 : index
          %swap3A_997 = tpu.vector_load %arg25[%swap3A_996] {strides = array<i32>} : memref<128xi32, #tpu.memory_space<vmem>>, vector<16xi32>,
          %swap3A_998 = vector.shape_cast %swap3A_997 : vector<16xi32> to vector<16xi32>
          %swap3A_999 = vector.shape_cast %get3A_995 : vector<16xi32> to vector<16xi32>
          tpu.vector_store %arg25[%swap3A_996], %swap3A_999 {strides = array<i32>} : memref<128xi32, #tpu.memory_space<vmem>>, vector<16xi32>,
          %get3A_1000 = arith.constant 0 : i32
          %get3A_1001 = arith.constant 0 : i32
          %get3A_1002 = arith.constant 0 : i32
          %get3A_1003 = tpu.memref_slice %run_scoped3A_11[%rem3A_534, %get3A_1001, %get3A_1002] : memref<2x1x128xi32, #tpu.memory_space<vmem>> -> memref<1x1x128xi32, #tpu.memory_space<vmem>>
          %get3A_1004 = tpu.memref_squeeze %get3A_1003 : memref<1x1x128xi32, #tpu.memory_space<vmem>> -> memref<1x128xi32, #tpu.memory_space<vmem>>
          %get3A_1005 = arith.index_cast %get3A_1000 : i32 to index
          %get3A_1006 = arith.constant 48 : index
          %get3A_1007 = tpu.vector_load %get3A_1004[%get3A_1005, %get3A_1006] {strides = array<i32>} : memref<1x128xi32, #tpu.memory_space<vmem>>, vector<1x16xi32>,
          %get3A_1008 = vector.shape_cast %get3A_1007 : vector<1x16xi32> to vector<16xi32>
          %swap3A_1009 = arith.constant 48 : index
          %swap3A_1010 = tpu.vector_load %arg25[%swap3A_1009] {strides = array<i32>} : memref<128xi32, #tpu.memory_space<vmem>>, vector<16xi32>,
          %swap3A_1011 = vector.shape_cast %swap3A_1010 : vector<16xi32> to vector<16xi32>
          %swap3A_1012 = vector.shape_cast %get3A_1008 : vector<16xi32> to vector<16xi32>
          tpu.vector_store %arg25[%swap3A_1009], %swap3A_1012 {strides = array<i32>} : memref<128xi32, #tpu.memory_space<vmem>>, vector<16xi32>,
          %get3A_1013 = arith.constant 0 : i32
          %get3A_1014 = arith.constant 0 : i32
          %get3A_1015 = arith.constant 0 : i32
          %get3A_1016 = tpu.memref_slice %run_scoped3A_11[%rem3A_534, %get3A_1014, %get3A_1015] : memref<2x1x128xi32, #tpu.memory_space<vmem>> -> memref<1x1x128xi32, #tpu.memory_space<vmem>>
          %get3A_1017 = tpu.memref_squeeze %get3A_1016 : memref<1x1x128xi32, #tpu.memory_space<vmem>> -> memref<1x128xi32, #tpu.memory_space<vmem>>
          %get3A_1018 = arith.index_cast %get3A_1013 : i32 to index
          %get3A_1019 = arith.constant 64 : index
          %get3A_1020 = tpu.vector_load %get3A_1017[%get3A_1018, %get3A_1019] {strides = array<i32>} : memref<1x128xi32, #tpu.memory_space<vmem>>, vector<1x16xi32>,
          %get3A_1021 = vector.shape_cast %get3A_1020 : vector<1x16xi32> to vector<16xi32>
          %swap3A_1022 = arith.constant 64 : index
          %swap3A_1023 = tpu.vector_load %arg25[%swap3A_1022] {strides = array<i32>} : memref<128xi32, #tpu.memory_space<vmem>>, vector<16xi32>,
          %swap3A_1024 = vector.shape_cast %swap3A_1023 : vector<16xi32> to vector<16xi32>
          %swap3A_1025 = vector.shape_cast %get3A_1021 : vector<16xi32> to vector<16xi32>
          tpu.vector_store %arg25[%swap3A_1022], %swap3A_1025 {strides = array<i32>} : memref<128xi32, #tpu.memory_space<vmem>>, vector<16xi32>,
          %get3A_1026 = arith.constant 0 : i32
          %get3A_1027 = arith.constant 0 : i32
          %get3A_1028 = arith.constant 0 : i32
          %get3A_1029 = tpu.memref_slice %run_scoped3A_11[%rem3A_534, %get3A_1027, %get3A_1028] : memref<2x1x128xi32, #tpu.memory_space<vmem>> -> memref<1x1x128xi32, #tpu.memory_space<vmem>>
          %get3A_1030 = tpu.memref_squeeze %get3A_1029 : memref<1x1x128xi32, #tpu.memory_space<vmem>> -> memref<1x128xi32, #tpu.memory_space<vmem>>
          %get3A_1031 = arith.index_cast %get3A_1026 : i32 to index
          %get3A_1032 = arith.constant 80 : index
          %get3A_1033 = tpu.vector_load %get3A_1030[%get3A_1031, %get3A_1032] {strides = array<i32>} : memref<1x128xi32, #tpu.memory_space<vmem>>, vector<1x16xi32>,
          %get3A_1034 = vector.shape_cast %get3A_1033 : vector<1x16xi32> to vector<16xi32>
          %swap3A_1035 = arith.constant 80 : index
          %swap3A_1036 = tpu.vector_load %arg25[%swap3A_1035] {strides = array<i32>} : memref<128xi32, #tpu.memory_space<vmem>>, vector<16xi32>,
          %swap3A_1037 = vector.shape_cast %swap3A_1036 : vector<16xi32> to vector<16xi32>
          %swap3A_1038 = vector.shape_cast %get3A_1034 : vector<16xi32> to vector<16xi32>
          tpu.vector_store %arg25[%swap3A_1035], %swap3A_1038 {strides = array<i32>} : memref<128xi32, #tpu.memory_space<vmem>>, vector<16xi32>,
          %get3A_1039 = arith.constant 0 : i32
          %get3A_1040 = arith.constant 0 : i32
          %get3A_1041 = arith.constant 0 : i32
          %get3A_1042 = tpu.memref_slice %run_scoped3A_11[%rem3A_534, %get3A_1040, %get3A_1041] : memref<2x1x128xi32, #tpu.memory_space<vmem>> -> memref<1x1x128xi32, #tpu.memory_space<vmem>>
          %get3A_1043 = tpu.memref_squeeze %get3A_1042 : memref<1x1x128xi32, #tpu.memory_space<vmem>> -> memref<1x128xi32, #tpu.memory_space<vmem>>
          %get3A_1044 = arith.index_cast %get3A_1039 : i32 to index
          %get3A_1045 = arith.constant 96 : index
          %get3A_1046 = tpu.vector_load %get3A_1043[%get3A_1044, %get3A_1045] {strides = array<i32>} : memref<1x128xi32, #tpu.memory_space<vmem>>, vector<1x16xi32>,
          %get3A_1047 = vector.shape_cast %get3A_1046 : vector<1x16xi32> to vector<16xi32>
          %swap3A_1048 = arith.constant 96 : index
          %swap3A_1049 = tpu.vector_load %arg25[%swap3A_1048] {strides = array<i32>} : memref<128xi32, #tpu.memory_space<vmem>>, vector<16xi32>,
          %swap3A_1050 = vector.shape_cast %swap3A_1049 : vector<16xi32> to vector<16xi32>
          %swap3A_1051 = vector.shape_cast %get3A_1047 : vector<16xi32> to vector<16xi32>
          tpu.vector_store %arg25[%swap3A_1048], %swap3A_1051 {strides = array<i32>} : memref<128xi32, #tpu.memory_space<vmem>>, vector<16xi32>,
          %get3A_1052 = arith.constant 0 : i32
          %get3A_1053 = arith.constant 0 : i32
          %get3A_1054 = arith.constant 0 : i32
          %get3A_1055 = tpu.memref_slice %run_scoped3A_11[%rem3A_534, %get3A_1053, %get3A_1054] : memref<2x1x128xi32, #tpu.memory_space<vmem>> -> memref<1x1x128xi32, #tpu.memory_space<vmem>>
          %get3A_1056 = tpu.memref_squeeze %get3A_1055 : memref<1x1x128xi32, #tpu.memory_space<vmem>> -> memref<1x128xi32, #tpu.memory_space<vmem>>
          %get3A_1057 = arith.index_cast %get3A_1052 : i32 to index
          %get3A_1058 = arith.constant 112 : index
          %get3A_1059 = tpu.vector_load %get3A_1056[%get3A_1057, %get3A_1058] {strides = array<i32>} : memref<1x128xi32, #tpu.memory_space<vmem>>, vector<1x16xi32>,
          %get3A_1060 = vector.shape_cast %get3A_1059 : vector<1x16xi32> to vector<16xi32>
          %swap3A_1061 = arith.constant 112 : index
          %swap3A_1062 = tpu.vector_load %arg25[%swap3A_1061] {strides = array<i32>} : memref<128xi32, #tpu.memory_space<vmem>>, vector<16xi32>,
          %swap3A_1063 = vector.shape_cast %swap3A_1062 : vector<16xi32> to vector<16xi32>
          %swap3A_1064 = vector.shape_cast %get3A_1060 : vector<16xi32> to vector<16xi32>
          tpu.vector_store %arg25[%swap3A_1061], %swap3A_1064 {strides = array<i32>} : memref<128xi32, #tpu.memory_space<vmem>>, vector<16xi32>,
          %get3A_1065 = arith.constant 0 : i32
          %get3A_1066 = arith.constant 0 : i32
          %get3A_1067 = arith.constant 0 : i32
          %get3A_1068 = tpu.memref_slice %run_scoped3A_13[%rem3A_536, %get3A_1066, %get3A_1067] : memref<2x1x128xi32, #tpu.memory_space<vmem>> -> memref<1x1x128xi32, #tpu.memory_space<vmem>>
          %get3A_1069 = tpu.memref_squeeze %get3A_1068 : memref<1x1x128xi32, #tpu.memory_space<vmem>> -> memref<1x128xi32, #tpu.memory_space<vmem>>
          %get3A_1070 = arith.index_cast %get3A_1065 : i32 to index
          %get3A_1071 = arith.constant 0 : index
          %get3A_1072 = tpu.vector_load %get3A_1069[%get3A_1070, %get3A_1071] {strides = array<i32>} : memref<1x128xi32, #tpu.memory_space<vmem>>, vector<1x16xi32>,
          %get3A_1073 = vector.shape_cast %get3A_1072 : vector<1x16xi32> to vector<16xi32>
          %swap3A_1074 = arith.constant 0 : index
          %swap3A_1075 = tpu.vector_load %arg26[%swap3A_1074] {strides = array<i32>} : memref<128xi32, #tpu.memory_space<vmem>>, vector<16xi32>,
          %swap3A_1076 = vector.shape_cast %swap3A_1075 : vector<16xi32> to vector<16xi32>
          %swap3A_1077 = vector.shape_cast %get3A_1073 : vector<16xi32> to vector<16xi32>
          tpu.vector_store %arg26[%swap3A_1074], %swap3A_1077 {strides = array<i32>} : memref<128xi32, #tpu.memory_space<vmem>>, vector<16xi32>,
          %get3A_1078 = arith.constant 0 : i32
          %get3A_1079 = arith.constant 0 : i32
          %get3A_1080 = arith.constant 0 : i32
          %get3A_1081 = tpu.memref_slice %run_scoped3A_13[%rem3A_536, %get3A_1079, %get3A_1080] : memref<2x1x128xi32, #tpu.memory_space<vmem>> -> memref<1x1x128xi32, #tpu.memory_space<vmem>>
          %get3A_1082 = tpu.memref_squeeze %get3A_1081 : memref<1x1x128xi32, #tpu.memory_space<vmem>> -> memref<1x128xi32, #tpu.memory_space<vmem>>
          %get3A_1083 = arith.index_cast %get3A_1078 : i32 to index
          %get3A_1084 = arith.constant 16 : index
          %get3A_1085 = tpu.vector_load %get3A_1082[%get3A_1083, %get3A_1084] {strides = array<i32>} : memref<1x128xi32, #tpu.memory_space<vmem>>, vector<1x16xi32>,
          %get3A_1086 = vector.shape_cast %get3A_1085 : vector<1x16xi32> to vector<16xi32>
          %swap3A_1087 = arith.constant 16 : index
          %swap3A_1088 = tpu.vector_load %arg26[%swap3A_1087] {strides = array<i32>} : memref<128xi32, #tpu.memory_space<vmem>>, vector<16xi32>,
          %swap3A_1089 = vector.shape_cast %swap3A_1088 : vector<16xi32> to vector<16xi32>
          %swap3A_1090 = vector.shape_cast %get3A_1086 : vector<16xi32> to vector<16xi32>
          tpu.vector_store %arg26[%swap3A_1087], %swap3A_1090 {strides = array<i32>} : memref<128xi32, #tpu.memory_space<vmem>>, vector<16xi32>,
          %get3A_1091 = arith.constant 0 : i32
          %get3A_1092 = arith.constant 0 : i32
          %get3A_1093 = arith.constant 0 : i32
          %get3A_1094 = tpu.memref_slice %run_scoped3A_13[%rem3A_536, %get3A_1092, %get3A_1093] : memref<2x1x128xi32, #tpu.memory_space<vmem>> -> memref<1x1x128xi32, #tpu.memory_space<vmem>>
          %get3A_1095 = tpu.memref_squeeze %get3A_1094 : memref<1x1x128xi32, #tpu.memory_space<vmem>> -> memref<1x128xi32, #tpu.memory_space<vmem>>
          %get3A_1096 = arith.index_cast %get3A_1091 : i32 to index
          %get3A_1097 = arith.constant 32 : index
          %get3A_1098 = tpu.vector_load %get3A_1095[%get3A_1096, %get3A_1097] {strides = array<i32>} : memref<1x128xi32, #tpu.memory_space<vmem>>, vector<1x16xi32>,
          %get3A_1099 = vector.shape_cast %get3A_1098 : vector<1x16xi32> to vector<16xi32>
          %swap3A_1100 = arith.constant 32 : index
          %swap3A_1101 = tpu.vector_load %arg26[%swap3A_1100] {strides = array<i32>} : memref<128xi32, #tpu.memory_space<vmem>>, vector<16xi32>,
          %swap3A_1102 = vector.shape_cast %swap3A_1101 : vector<16xi32> to vector<16xi32>
          %swap3A_1103 = vector.shape_cast %get3A_1099 : vector<16xi32> to vector<16xi32>
          tpu.vector_store %arg26[%swap3A_1100], %swap3A_1103 {strides = array<i32>} : memref<128xi32, #tpu.memory_space<vmem>>, vector<16xi32>,
          %get3A_1104 = arith.constant 0 : i32
          %get3A_1105 = arith.constant 0 : i32
          %get3A_1106 = arith.constant 0 : i32
          %get3A_1107 = tpu.memref_slice %run_scoped3A_13[%rem3A_536, %get3A_1105, %get3A_1106] : memref<2x1x128xi32, #tpu.memory_space<vmem>> -> memref<1x1x128xi32, #tpu.memory_space<vmem>>
          %get3A_1108 = tpu.memref_squeeze %get3A_1107 : memref<1x1x128xi32, #tpu.memory_space<vmem>> -> memref<1x128xi32, #tpu.memory_space<vmem>>
          %get3A_1109 = arith.index_cast %get3A_1104 : i32 to index
          %get3A_1110 = arith.constant 48 : index
          %get3A_1111 = tpu.vector_load %get3A_1108[%get3A_1109, %get3A_1110] {strides = array<i32>} : memref<1x128xi32, #tpu.memory_space<vmem>>, vector<1x16xi32>,
          %get3A_1112 = vector.shape_cast %get3A_1111 : vector<1x16xi32> to vector<16xi32>
          %swap3A_1113 = arith.constant 48 : index
          %swap3A_1114 = tpu.vector_load %arg26[%swap3A_1113] {strides = array<i32>} : memref<128xi32, #tpu.memory_space<vmem>>, vector<16xi32>,
          %swap3A_1115 = vector.shape_cast %swap3A_1114 : vector<16xi32> to vector<16xi32>
          %swap3A_1116 = vector.shape_cast %get3A_1112 : vector<16xi32> to vector<16xi32>
          tpu.vector_store %arg26[%swap3A_1113], %swap3A_1116 {strides = array<i32>} : memref<128xi32, #tpu.memory_space<vmem>>, vector<16xi32>,
          %get3A_1117 = arith.constant 0 : i32
          %get3A_1118 = arith.constant 0 : i32
          %get3A_1119 = arith.constant 0 : i32
          %get3A_1120 = tpu.memref_slice %run_scoped3A_13[%rem3A_536, %get3A_1118, %get3A_1119] : memref<2x1x128xi32, #tpu.memory_space<vmem>> -> memref<1x1x128xi32, #tpu.memory_space<vmem>>
          %get3A_1121 = tpu.memref_squeeze %get3A_1120 : memref<1x1x128xi32, #tpu.memory_space<vmem>> -> memref<1x128xi32, #tpu.memory_space<vmem>>
          %get3A_1122 = arith.index_cast %get3A_1117 : i32 to index
          %get3A_1123 = arith.constant 64 : index
          %get3A_1124 = tpu.vector_load %get3A_1121[%get3A_1122, %get3A_1123] {strides = array<i32>} : memref<1x128xi32, #tpu.memory_space<vmem>>, vector<1x16xi32>,
          %get3A_1125 = vector.shape_cast %get3A_1124 : vector<1x16xi32> to vector<16xi32>
          %swap3A_1126 = arith.constant 64 : index
          %swap3A_1127 = tpu.vector_load %arg26[%swap3A_1126] {strides = array<i32>} : memref<128xi32, #tpu.memory_space<vmem>>, vector<16xi32>,
          %swap3A_1128 = vector.shape_cast %swap3A_1127 : vector<16xi32> to vector<16xi32>
          %swap3A_1129 = vector.shape_cast %get3A_1125 : vector<16xi32> to vector<16xi32>
          tpu.vector_store %arg26[%swap3A_1126], %swap3A_1129 {strides = array<i32>} : memref<128xi32, #tpu.memory_space<vmem>>, vector<16xi32>,
          %get3A_1130 = arith.constant 0 : i32
          %get3A_1131 = arith.constant 0 : i32
          %get3A_1132 = arith.constant 0 : i32
          %get3A_1133 = tpu.memref_slice %run_scoped3A_13[%rem3A_536, %get3A_1131, %get3A_1132] : memref<2x1x128xi32, #tpu.memory_space<vmem>> -> memref<1x1x128xi32, #tpu.memory_space<vmem>>
          %get3A_1134 = tpu.memref_squeeze %get3A_1133 : memref<1x1x128xi32, #tpu.memory_space<vmem>> -> memref<1x128xi32, #tpu.memory_space<vmem>>
          %get3A_1135 = arith.index_cast %get3A_1130 : i32 to index
          %get3A_1136 = arith.constant 80 : index
          %get3A_1137 = tpu.vector_load %get3A_1134[%get3A_1135, %get3A_1136] {strides = array<i32>} : memref<1x128xi32, #tpu.memory_space<vmem>>, vector<1x16xi32>,
          %get3A_1138 = vector.shape_cast %get3A_1137 : vector<1x16xi32> to vector<16xi32>
          %swap3A_1139 = arith.constant 80 : index
          %swap3A_1140 = tpu.vector_load %arg26[%swap3A_1139] {strides = array<i32>} : memref<128xi32, #tpu.memory_space<vmem>>, vector<16xi32>,
          %swap3A_1141 = vector.shape_cast %swap3A_1140 : vector<16xi32> to vector<16xi32>
          %swap3A_1142 = vector.shape_cast %get3A_1138 : vector<16xi32> to vector<16xi32>
          tpu.vector_store %arg26[%swap3A_1139], %swap3A_1142 {strides = array<i32>} : memref<128xi32, #tpu.memory_space<vmem>>, vector<16xi32>,
          %get3A_1143 = arith.constant 0 : i32
          %get3A_1144 = arith.constant 0 : i32
          %get3A_1145 = arith.constant 0 : i32
          %get3A_1146 = tpu.memref_slice %run_scoped3A_13[%rem3A_536, %get3A_1144, %get3A_1145] : memref<2x1x128xi32, #tpu.memory_space<vmem>> -> memref<1x1x128xi32, #tpu.memory_space<vmem>>
          %get3A_1147 = tpu.memref_squeeze %get3A_1146 : memref<1x1x128xi32, #tpu.memory_space<vmem>> -> memref<1x128xi32, #tpu.memory_space<vmem>>
          %get3A_1148 = arith.index_cast %get3A_1143 : i32 to index
          %get3A_1149 = arith.constant 96 : index
          %get3A_1150 = tpu.vector_load %get3A_1147[%get3A_1148, %get3A_1149] {strides = array<i32>} : memref<1x128xi32, #tpu.memory_space<vmem>>, vector<1x16xi32>,
          %get3A_1151 = vector.shape_cast %get3A_1150 : vector<1x16xi32> to vector<16xi32>
          %swap3A_1152 = arith.constant 96 : index
          %swap3A_1153 = tpu.vector_load %arg26[%swap3A_1152] {strides = array<i32>} : memref<128xi32, #tpu.memory_space<vmem>>, vector<16xi32>,
          %swap3A_1154 = vector.shape_cast %swap3A_1153 : vector<16xi32> to vector<16xi32>
          %swap3A_1155 = vector.shape_cast %get3A_1151 : vector<16xi32> to vector<16xi32>
          tpu.vector_store %arg26[%swap3A_1152], %swap3A_1155 {strides = array<i32>} : memref<128xi32, #tpu.memory_space<vmem>>, vector<16xi32>,
          %get3A_1156 = arith.constant 0 : i32
          %get3A_1157 = arith.constant 0 : i32
          %get3A_1158 = arith.constant 0 : i32
          %get3A_1159 = tpu.memref_slice %run_scoped3A_13[%rem3A_536, %get3A_1157, %get3A_1158] : memref<2x1x128xi32, #tpu.memory_space<vmem>> -> memref<1x1x128xi32, #tpu.memory_space<vmem>>
          %get3A_1160 = tpu.memref_squeeze %get3A_1159 : memref<1x1x128xi32, #tpu.memory_space<vmem>> -> memref<1x128xi32, #tpu.memory_space<vmem>>
          %get3A_1161 = arith.index_cast %get3A_1156 : i32 to index
          %get3A_1162 = arith.constant 112 : index
          %get3A_1163 = tpu.vector_load %get3A_1160[%get3A_1161, %get3A_1162] {strides = array<i32>} : memref<1x128xi32, #tpu.memory_space<vmem>>, vector<1x16xi32>,
          %get3A_1164 = vector.shape_cast %get3A_1163 : vector<1x16xi32> to vector<16xi32>
          %swap3A_1165 = arith.constant 112 : index
          %swap3A_1166 = tpu.vector_load %arg26[%swap3A_1165] {strides = array<i32>} : memref<128xi32, #tpu.memory_space<vmem>>, vector<16xi32>,
          %swap3A_1167 = vector.shape_cast %swap3A_1166 : vector<16xi32> to vector<16xi32>
          %swap3A_1168 = vector.shape_cast %get3A_1164 : vector<16xi32> to vector<16xi32>
          tpu.vector_store %arg26[%swap3A_1165], %swap3A_1168 {strides = array<i32>} : memref<128xi32, #tpu.memory_space<vmem>>, vector<16xi32>,
          %dma_start3A_1169 = arith.constant 0 : i32
          %dma_start3A_1170 = arith.constant 0 : i32
          %dma_start3A_1171 = tpu.memref_slice %arg2[%dma_start3A_1169, %dma_start3A_1170] : memref<99991x64xf32, #tpu.memory_space<hbm>> -> memref<99991x64xf32, #tpu.memory_space<hbm>>
          tpu.enqueue_indirect_dma source(%dma_start3A_1171 : memref<99991x64xf32, #tpu.memory_space<hbm>>) target(%arg15 : memref<128x64xf32, #tpu.memory_space<vmem>>) offsets(%arg24 : memref<128xi32, #tpu.memory_space<vmem>>) semaphore(%arg34 : memref<!tpu.dma_semaphore, #tpu.memory_space<semaphore_mem>>)
          %dma_start3A_1172 = arith.constant 0 : i32
          %dma_start3A_1173 = arith.constant 0 : i32
          %dma_start3A_1174 = tpu.memref_slice %arg3[%dma_start3A_1172, %dma_start3A_1173] : memref<100003x64xf32, #tpu.memory_space<hbm>> -> memref<100003x64xf32, #tpu.memory_space<hbm>>
          tpu.enqueue_indirect_dma source(%dma_start3A_1174 : memref<100003x64xf32, #tpu.memory_space<hbm>>) target(%arg16 : memref<128x64xf32, #tpu.memory_space<vmem>>) offsets(%arg25 : memref<128xi32, #tpu.memory_space<vmem>>) semaphore(%arg35 : memref<!tpu.dma_semaphore, #tpu.memory_space<semaphore_mem>>)
          %dma_start3A_1175 = arith.constant 0 : i32
          %dma_start3A_1176 = arith.constant 0 : i32
          %dma_start3A_1177 = tpu.memref_slice %arg4[%dma_start3A_1175, %dma_start3A_1176] : memref<100019x64xf32, #tpu.memory_space<hbm>> -> memref<100019x64xf32, #tpu.memory_space<hbm>>
          tpu.enqueue_indirect_dma source(%dma_start3A_1177 : memref<100019x64xf32, #tpu.memory_space<hbm>>) target(%arg17 : memref<128x64xf32, #tpu.memory_space<vmem>>) offsets(%arg26 : memref<128xi32, #tpu.memory_space<vmem>>) semaphore(%arg36 : memref<!tpu.dma_semaphore, #tpu.memory_space<semaphore_mem>>)
        } else {
        }
        %gt3A = arith.constant 1 : i32
        %gt3A_566 = arith.cmpi sgt, %get3A_540, %gt3A : i32
        %eq3A_567 = arith.constant 2 : i32
        %eq3A_568 = arith.cmpi eq, %rem3A_542, %eq3A_567 : i32
        %and3A_569 = arith.andi %gt3A_566, %eq3A_568 : i1
        %convert_element_type3A_570 = arith.extui %and3A_569 : i1 to i32
        %cond3A_571 = arith.constant 0 : i32
        %cond3A_572 = arith.cmpi ne, %convert_element_type3A_570, %cond3A_571 : i32
        scf.if %cond3A_572 {
          %dma_wait3A_857 = arith.constant 0 : i32
          %dma_wait3A_858 = arith.constant 0 : i32
          %dma_wait3A_859 = tpu.memref_slice %arg2[%dma_wait3A_857, %dma_wait3A_858] : memref<99991x64xf32, #tpu.memory_space<hbm>> -> memref<128x64xf32, #tpu.memory_space<hbm>>
          %dma_wait3A_860 = arith.constant 0 : i32
          %dma_wait3A_861 = arith.constant 0 : i32
          %dma_wait3A_862 = tpu.memref_slice %arg2[%dma_wait3A_860, %dma_wait3A_861] : memref<99991x64xf32, #tpu.memory_space<hbm>> -> memref<128x64xf32, #tpu.memory_space<hbm>>
          tpu.wait_dma2 semaphore(%arg28 : memref<!tpu.dma_semaphore, #tpu.memory_space<semaphore_mem>>) src(%dma_wait3A_862 : memref<128x64xf32, #tpu.memory_space<hbm>>) dst(%arg9 : memref<128x64xf32, #tpu.memory_space<vmem>>)
          %dma_wait3A_863 = arith.constant 0 : i32
          %dma_wait3A_864 = arith.constant 0 : i32
          %dma_wait3A_865 = tpu.memref_slice %arg3[%dma_wait3A_863, %dma_wait3A_864] : memref<100003x64xf32, #tpu.memory_space<hbm>> -> memref<128x64xf32, #tpu.memory_space<hbm>>
          %dma_wait3A_866 = arith.constant 0 : i32
          %dma_wait3A_867 = arith.constant 0 : i32
          %dma_wait3A_868 = tpu.memref_slice %arg3[%dma_wait3A_866, %dma_wait3A_867] : memref<100003x64xf32, #tpu.memory_space<hbm>> -> memref<128x64xf32, #tpu.memory_space<hbm>>
          tpu.wait_dma2 semaphore(%arg29 : memref<!tpu.dma_semaphore, #tpu.memory_space<semaphore_mem>>) src(%dma_wait3A_868 : memref<128x64xf32, #tpu.memory_space<hbm>>) dst(%arg10 : memref<128x64xf32, #tpu.memory_space<vmem>>)
          %dma_wait3A_869 = arith.constant 0 : i32
          %dma_wait3A_870 = arith.constant 0 : i32
          %dma_wait3A_871 = tpu.memref_slice %arg4[%dma_wait3A_869, %dma_wait3A_870] : memref<100019x64xf32, #tpu.memory_space<hbm>> -> memref<128x64xf32, #tpu.memory_space<hbm>>
          %dma_wait3A_872 = arith.constant 0 : i32
          %dma_wait3A_873 = arith.constant 0 : i32
          %dma_wait3A_874 = tpu.memref_slice %arg4[%dma_wait3A_872, %dma_wait3A_873] : memref<100019x64xf32, #tpu.memory_space<hbm>> -> memref<128x64xf32, #tpu.memory_space<hbm>>
          tpu.wait_dma2 semaphore(%arg30 : memref<!tpu.dma_semaphore, #tpu.memory_space<semaphore_mem>>) src(%dma_wait3A_874 : memref<128x64xf32, #tpu.memory_space<hbm>>) dst(%arg11 : memref<128x64xf32, #tpu.memory_space<vmem>>)
          %scan3A_875 = arith.constant 0 : i32
          %scan3A_876 = arith.constant 64 : i32
          %scan3A_877 = arith.addi %scan3A_875, %scan3A_876 : i32
          %scan3A_878 = arith.constant 1 : i32
          scf.for %scan3A_880 = %scan3A_875 to %scan3A_877 step %scan3A_878  : i32 {
            %mul3A_881 = arith.constant 1 : i32
            %mul3A_882 = arith.muli %scan3A_880, %mul3A_881 : i32
            %add3A_883 = arith.constant 0 : i32
            %add3A_884 = arith.addi %add3A_883, %mul3A_882 : i32
            %mul3A_885 = arith.constant 2 : i32
            %mul3A_886 = arith.muli %mul3A_885, %add3A_884 : i32
            %add3A_887 = arith.constant 0 : i32
            %add3A_888 = arith.addi %mul3A_886, %add3A_887 : i32
            %get3A_889 = arith.index_cast %add3A_888 : i32 to index
            %get3A_890 = arith.constant 0 : index
            %get3A_891 = tpu.vector_load %arg9[%get3A_889, %get3A_890] {strides = array<i32>} : memref<128x64xf32, #tpu.memory_space<vmem>>, vector<1x16xf32>,
            %get3A_892 = vector.shape_cast %get3A_891 : vector<1x16xf32> to vector<16xf32>
            %get3A_893 = arith.index_cast %add3A_888 : i32 to index
            %get3A_894 = arith.constant 0 : index
            %get3A_895 = tpu.vector_load %arg10[%get3A_893, %get3A_894] {strides = array<i32>} : memref<128x64xf32, #tpu.memory_space<vmem>>, vector<1x16xf32>,
            %get3A_896 = vector.shape_cast %get3A_895 : vector<1x16xf32> to vector<16xf32>
            %add3A_897 = arith.addf %get3A_892, %get3A_896 : vector<16xf32>
            %get3A_898 = arith.index_cast %add3A_888 : i32 to index
            %get3A_899 = arith.constant 0 : index
            %get3A_900 = tpu.vector_load %arg11[%get3A_898, %get3A_899] {strides = array<i32>} : memref<128x64xf32, #tpu.memory_space<vmem>>, vector<1x16xf32>,
            %get3A_901 = vector.shape_cast %get3A_900 : vector<1x16xf32> to vector<16xf32>
            %add3A_902 = arith.addf %add3A_897, %get3A_901 : vector<16xf32>
            %swap3A_903 = arith.constant 0 : i32
            %swap3A_904 = arith.constant 0 : i32
            %swap3A_905 = tpu.memref_slice %run_scoped3A_15[%rem3A_538, %swap3A_903, %swap3A_904] : memref<2x64x128xf32, #tpu.memory_space<vmem>> -> memref<1x64x128xf32, #tpu.memory_space<vmem>>
            %swap3A_906 = tpu.memref_squeeze %swap3A_905 : memref<1x64x128xf32, #tpu.memory_space<vmem>> -> memref<64x128xf32, #tpu.memory_space<vmem>>
            %swap3A_907 = arith.index_cast %add3A_884 : i32 to index
            %swap3A_908 = arith.constant 0 : index
            %swap3A_909 = tpu.vector_load %swap3A_906[%swap3A_907, %swap3A_908] {strides = array<i32>} : memref<64x128xf32, #tpu.memory_space<vmem>>, vector<1x16xf32>,
            %swap3A_910 = vector.shape_cast %swap3A_909 : vector<1x16xf32> to vector<16xf32>
            %swap3A_911 = vector.shape_cast %add3A_902 : vector<16xf32> to vector<1x16xf32>
            tpu.vector_store %swap3A_906[%swap3A_907, %swap3A_908], %swap3A_911 {strides = array<i32>} : memref<64x128xf32, #tpu.memory_space<vmem>>, vector<1x16xf32>,
            %get3A_912 = arith.index_cast %add3A_888 : i32 to index
            %get3A_913 = arith.constant 16 : index
            %get3A_914 = tpu.vector_load %arg9[%get3A_912, %get3A_913] {strides = array<i32>} : memref<128x64xf32, #tpu.memory_space<vmem>>, vector<1x16xf32>,
            %get3A_915 = vector.shape_cast %get3A_914 : vector<1x16xf32> to vector<16xf32>
            %get3A_916 = arith.index_cast %add3A_888 : i32 to index
            %get3A_917 = arith.constant 16 : index
            %get3A_918 = tpu.vector_load %arg10[%get3A_916, %get3A_917] {strides = array<i32>} : memref<128x64xf32, #tpu.memory_space<vmem>>, vector<1x16xf32>,
            %get3A_919 = vector.shape_cast %get3A_918 : vector<1x16xf32> to vector<16xf32>
            %add3A_920 = arith.addf %get3A_915, %get3A_919 : vector<16xf32>
            %get3A_921 = arith.index_cast %add3A_888 : i32 to index
            %get3A_922 = arith.constant 16 : index
            %get3A_923 = tpu.vector_load %arg11[%get3A_921, %get3A_922] {strides = array<i32>} : memref<128x64xf32, #tpu.memory_space<vmem>>, vector<1x16xf32>,
            %get3A_924 = vector.shape_cast %get3A_923 : vector<1x16xf32> to vector<16xf32>
            %add3A_925 = arith.addf %add3A_920, %get3A_924 : vector<16xf32>
            %swap3A_926 = arith.constant 0 : i32
            %swap3A_927 = arith.constant 0 : i32
            %swap3A_928 = tpu.memref_slice %run_scoped3A_15[%rem3A_538, %swap3A_926, %swap3A_927] : memref<2x64x128xf32, #tpu.memory_space<vmem>> -> memref<1x64x128xf32, #tpu.memory_space<vmem>>
            %swap3A_929 = tpu.memref_squeeze %swap3A_928 : memref<1x64x128xf32, #tpu.memory_space<vmem>> -> memref<64x128xf32, #tpu.memory_space<vmem>>
            %swap3A_930 = arith.index_cast %add3A_884 : i32 to index
            %swap3A_931 = arith.constant 16 : index
            %swap3A_932 = tpu.vector_load %swap3A_929[%swap3A_930, %swap3A_931] {strides = array<i32>} : memref<64x128xf32, #tpu.memory_space<vmem>>, vector<1x16xf32>,
            %swap3A_933 = vector.shape_cast %swap3A_932 : vector<1x16xf32> to vector<16xf32>
            %swap3A_934 = vector.shape_cast %add3A_925 : vector<16xf32> to vector<1x16xf32>
            tpu.vector_store %swap3A_929[%swap3A_930, %swap3A_931], %swap3A_934 {strides = array<i32>} : memref<64x128xf32, #tpu.memory_space<vmem>>, vector<1x16xf32>,
            %get3A_935 = arith.index_cast %add3A_888 : i32 to index
            %get3A_936 = arith.constant 32 : index
            %get3A_937 = tpu.vector_load %arg9[%get3A_935, %get3A_936] {strides = array<i32>} : memref<128x64xf32, #tpu.memory_space<vmem>>, vector<1x16xf32>,
            %get3A_938 = vector.shape_cast %get3A_937 : vector<1x16xf32> to vector<16xf32>
            %get3A_939 = arith.index_cast %add3A_888 : i32 to index
            %get3A_940 = arith.constant 32 : index
            %get3A_941 = tpu.vector_load %arg10[%get3A_939, %get3A_940] {strides = array<i32>} : memref<128x64xf32, #tpu.memory_space<vmem>>, vector<1x16xf32>,
            %get3A_942 = vector.shape_cast %get3A_941 : vector<1x16xf32> to vector<16xf32>
            %add3A_943 = arith.addf %get3A_938, %get3A_942 : vector<16xf32>
            %get3A_944 = arith.index_cast %add3A_888 : i32 to index
            %get3A_945 = arith.constant 32 : index
            %get3A_946 = tpu.vector_load %arg11[%get3A_944, %get3A_945] {strides = array<i32>} : memref<128x64xf32, #tpu.memory_space<vmem>>, vector<1x16xf32>,
            %get3A_947 = vector.shape_cast %get3A_946 : vector<1x16xf32> to vector<16xf32>
            %add3A_948 = arith.addf %add3A_943, %get3A_947 : vector<16xf32>
            %swap3A_949 = arith.constant 0 : i32
            %swap3A_950 = arith.constant 0 : i32
            %swap3A_951 = tpu.memref_slice %run_scoped3A_15[%rem3A_538, %swap3A_949, %swap3A_950] : memref<2x64x128xf32, #tpu.memory_space<vmem>> -> memref<1x64x128xf32, #tpu.memory_space<vmem>>
            %swap3A_952 = tpu.memref_squeeze %swap3A_951 : memref<1x64x128xf32, #tpu.memory_space<vmem>> -> memref<64x128xf32, #tpu.memory_space<vmem>>
            %swap3A_953 = arith.index_cast %add3A_884 : i32 to index
            %swap3A_954 = arith.constant 32 : index
            %swap3A_955 = tpu.vector_load %swap3A_952[%swap3A_953, %swap3A_954] {strides = array<i32>} : memref<64x128xf32, #tpu.memory_space<vmem>>, vector<1x16xf32>,
            %swap3A_956 = vector.shape_cast %swap3A_955 : vector<1x16xf32> to vector<16xf32>
            %swap3A_957 = vector.shape_cast %add3A_948 : vector<16xf32> to vector<1x16xf32>
            tpu.vector_store %swap3A_952[%swap3A_953, %swap3A_954], %swap3A_957 {strides = array<i32>} : memref<64x128xf32, #tpu.memory_space<vmem>>, vector<1x16xf32>,
            %get3A_958 = arith.index_cast %add3A_888 : i32 to index
            %get3A_959 = arith.constant 48 : index
            %get3A_960 = tpu.vector_load %arg9[%get3A_958, %get3A_959] {strides = array<i32>} : memref<128x64xf32, #tpu.memory_space<vmem>>, vector<1x16xf32>,
            %get3A_961 = vector.shape_cast %get3A_960 : vector<1x16xf32> to vector<16xf32>
            %get3A_962 = arith.index_cast %add3A_888 : i32 to index
            %get3A_963 = arith.constant 48 : index
            %get3A_964 = tpu.vector_load %arg10[%get3A_962, %get3A_963] {strides = array<i32>} : memref<128x64xf32, #tpu.memory_space<vmem>>, vector<1x16xf32>,
            %get3A_965 = vector.shape_cast %get3A_964 : vector<1x16xf32> to vector<16xf32>
            %add3A_966 = arith.addf %get3A_961, %get3A_965 : vector<16xf32>
            %get3A_967 = arith.index_cast %add3A_888 : i32 to index
            %get3A_968 = arith.constant 48 : index
            %get3A_969 = tpu.vector_load %arg11[%get3A_967, %get3A_968] {strides = array<i32>} : memref<128x64xf32, #tpu.memory_space<vmem>>, vector<1x16xf32>,
            %get3A_970 = vector.shape_cast %get3A_969 : vector<1x16xf32> to vector<16xf32>
            %add3A_971 = arith.addf %add3A_966, %get3A_970 : vector<16xf32>
            %swap3A_972 = arith.constant 0 : i32
            %swap3A_973 = arith.constant 0 : i32
            %swap3A_974 = tpu.memref_slice %run_scoped3A_15[%rem3A_538, %swap3A_972, %swap3A_973] : memref<2x64x128xf32, #tpu.memory_space<vmem>> -> memref<1x64x128xf32, #tpu.memory_space<vmem>>
            %swap3A_975 = tpu.memref_squeeze %swap3A_974 : memref<1x64x128xf32, #tpu.memory_space<vmem>> -> memref<64x128xf32, #tpu.memory_space<vmem>>
            %swap3A_976 = arith.index_cast %add3A_884 : i32 to index
            %swap3A_977 = arith.constant 48 : index
            %swap3A_978 = tpu.vector_load %swap3A_975[%swap3A_976, %swap3A_977] {strides = array<i32>} : memref<64x128xf32, #tpu.memory_space<vmem>>, vector<1x16xf32>,
            %swap3A_979 = vector.shape_cast %swap3A_978 : vector<1x16xf32> to vector<16xf32>
            %swap3A_980 = vector.shape_cast %add3A_971 : vector<16xf32> to vector<1x16xf32>
            tpu.vector_store %swap3A_975[%swap3A_976, %swap3A_977], %swap3A_980 {strides = array<i32>} : memref<64x128xf32, #tpu.memory_space<vmem>>, vector<1x16xf32>,
            %mul3A_981 = arith.constant 2 : i32
            %mul3A_982 = arith.muli %mul3A_981, %add3A_884 : i32
            %add3A_983 = arith.constant 1 : i32
            %add3A_984 = arith.addi %mul3A_982, %add3A_983 : i32
            %get3A_985 = arith.index_cast %add3A_984 : i32 to index
            %get3A_986 = arith.constant 0 : index
            %get3A_987 = tpu.vector_load %arg9[%get3A_985, %get3A_986] {strides = array<i32>} : memref<128x64xf32, #tpu.memory_space<vmem>>, vector<1x16xf32>,
            %get3A_988 = vector.shape_cast %get3A_987 : vector<1x16xf32> to vector<16xf32>
            %get3A_989 = arith.index_cast %add3A_984 : i32 to index
            %get3A_990 = arith.constant 0 : index
            %get3A_991 = tpu.vector_load %arg10[%get3A_989, %get3A_990] {strides = array<i32>} : memref<128x64xf32, #tpu.memory_space<vmem>>, vector<1x16xf32>,
            %get3A_992 = vector.shape_cast %get3A_991 : vector<1x16xf32> to vector<16xf32>
            %add3A_993 = arith.addf %get3A_988, %get3A_992 : vector<16xf32>
            %get3A_994 = arith.index_cast %add3A_984 : i32 to index
            %get3A_995 = arith.constant 0 : index
            %get3A_996 = tpu.vector_load %arg11[%get3A_994, %get3A_995] {strides = array<i32>} : memref<128x64xf32, #tpu.memory_space<vmem>>, vector<1x16xf32>,
            %get3A_997 = vector.shape_cast %get3A_996 : vector<1x16xf32> to vector<16xf32>
            %add3A_998 = arith.addf %add3A_993, %get3A_997 : vector<16xf32>
            %swap3A_999 = arith.constant 0 : i32
            %swap3A_1000 = arith.constant 0 : i32
            %swap3A_1001 = tpu.memref_slice %run_scoped3A_15[%rem3A_538, %swap3A_999, %swap3A_1000] : memref<2x64x128xf32, #tpu.memory_space<vmem>> -> memref<1x64x128xf32, #tpu.memory_space<vmem>>
            %swap3A_1002 = tpu.memref_squeeze %swap3A_1001 : memref<1x64x128xf32, #tpu.memory_space<vmem>> -> memref<64x128xf32, #tpu.memory_space<vmem>>
            %swap3A_1003 = arith.index_cast %add3A_884 : i32 to index
            %swap3A_1004 = arith.constant 64 : index
            %swap3A_1005 = tpu.vector_load %swap3A_1002[%swap3A_1003, %swap3A_1004] {strides = array<i32>} : memref<64x128xf32, #tpu.memory_space<vmem>>, vector<1x16xf32>,
            %swap3A_1006 = vector.shape_cast %swap3A_1005 : vector<1x16xf32> to vector<16xf32>
            %swap3A_1007 = vector.shape_cast %add3A_998 : vector<16xf32> to vector<1x16xf32>
            tpu.vector_store %swap3A_1002[%swap3A_1003, %swap3A_1004], %swap3A_1007 {strides = array<i32>} : memref<64x128xf32, #tpu.memory_space<vmem>>, vector<1x16xf32>,
            %get3A_1008 = arith.index_cast %add3A_984 : i32 to index
            %get3A_1009 = arith.constant 16 : index
            %get3A_1010 = tpu.vector_load %arg9[%get3A_1008, %get3A_1009] {strides = array<i32>} : memref<128x64xf32, #tpu.memory_space<vmem>>, vector<1x16xf32>,
            %get3A_1011 = vector.shape_cast %get3A_1010 : vector<1x16xf32> to vector<16xf32>
            %get3A_1012 = arith.index_cast %add3A_984 : i32 to index
            %get3A_1013 = arith.constant 16 : index
            %get3A_1014 = tpu.vector_load %arg10[%get3A_1012, %get3A_1013] {strides = array<i32>} : memref<128x64xf32, #tpu.memory_space<vmem>>, vector<1x16xf32>,
            %get3A_1015 = vector.shape_cast %get3A_1014 : vector<1x16xf32> to vector<16xf32>
            %add3A_1016 = arith.addf %get3A_1011, %get3A_1015 : vector<16xf32>
            %get3A_1017 = arith.index_cast %add3A_984 : i32 to index
            %get3A_1018 = arith.constant 16 : index
            %get3A_1019 = tpu.vector_load %arg11[%get3A_1017, %get3A_1018] {strides = array<i32>} : memref<128x64xf32, #tpu.memory_space<vmem>>, vector<1x16xf32>,
            %get3A_1020 = vector.shape_cast %get3A_1019 : vector<1x16xf32> to vector<16xf32>
            %add3A_1021 = arith.addf %add3A_1016, %get3A_1020 : vector<16xf32>
            %swap3A_1022 = arith.constant 0 : i32
            %swap3A_1023 = arith.constant 0 : i32
            %swap3A_1024 = tpu.memref_slice %run_scoped3A_15[%rem3A_538, %swap3A_1022, %swap3A_1023] : memref<2x64x128xf32, #tpu.memory_space<vmem>> -> memref<1x64x128xf32, #tpu.memory_space<vmem>>
            %swap3A_1025 = tpu.memref_squeeze %swap3A_1024 : memref<1x64x128xf32, #tpu.memory_space<vmem>> -> memref<64x128xf32, #tpu.memory_space<vmem>>
            %swap3A_1026 = arith.index_cast %add3A_884 : i32 to index
            %swap3A_1027 = arith.constant 80 : index
            %swap3A_1028 = tpu.vector_load %swap3A_1025[%swap3A_1026, %swap3A_1027] {strides = array<i32>} : memref<64x128xf32, #tpu.memory_space<vmem>>, vector<1x16xf32>,
            %swap3A_1029 = vector.shape_cast %swap3A_1028 : vector<1x16xf32> to vector<16xf32>
            %swap3A_1030 = vector.shape_cast %add3A_1021 : vector<16xf32> to vector<1x16xf32>
            tpu.vector_store %swap3A_1025[%swap3A_1026, %swap3A_1027], %swap3A_1030 {strides = array<i32>} : memref<64x128xf32, #tpu.memory_space<vmem>>, vector<1x16xf32>,
            %get3A_1031 = arith.index_cast %add3A_984 : i32 to index
            %get3A_1032 = arith.constant 32 : index
            %get3A_1033 = tpu.vector_load %arg9[%get3A_1031, %get3A_1032] {strides = array<i32>} : memref<128x64xf32, #tpu.memory_space<vmem>>, vector<1x16xf32>,
            %get3A_1034 = vector.shape_cast %get3A_1033 : vector<1x16xf32> to vector<16xf32>
            %get3A_1035 = arith.index_cast %add3A_984 : i32 to index
            %get3A_1036 = arith.constant 32 : index
            %get3A_1037 = tpu.vector_load %arg10[%get3A_1035, %get3A_1036] {strides = array<i32>} : memref<128x64xf32, #tpu.memory_space<vmem>>, vector<1x16xf32>,
            %get3A_1038 = vector.shape_cast %get3A_1037 : vector<1x16xf32> to vector<16xf32>
            %add3A_1039 = arith.addf %get3A_1034, %get3A_1038 : vector<16xf32>
            %get3A_1040 = arith.index_cast %add3A_984 : i32 to index
            %get3A_1041 = arith.constant 32 : index
            %get3A_1042 = tpu.vector_load %arg11[%get3A_1040, %get3A_1041] {strides = array<i32>} : memref<128x64xf32, #tpu.memory_space<vmem>>, vector<1x16xf32>,
            %get3A_1043 = vector.shape_cast %get3A_1042 : vector<1x16xf32> to vector<16xf32>
            %add3A_1044 = arith.addf %add3A_1039, %get3A_1043 : vector<16xf32>
            %swap3A_1045 = arith.constant 0 : i32
            %swap3A_1046 = arith.constant 0 : i32
            %swap3A_1047 = tpu.memref_slice %run_scoped3A_15[%rem3A_538, %swap3A_1045, %swap3A_1046] : memref<2x64x128xf32, #tpu.memory_space<vmem>> -> memref<1x64x128xf32, #tpu.memory_space<vmem>>
            %swap3A_1048 = tpu.memref_squeeze %swap3A_1047 : memref<1x64x128xf32, #tpu.memory_space<vmem>> -> memref<64x128xf32, #tpu.memory_space<vmem>>
            %swap3A_1049 = arith.index_cast %add3A_884 : i32 to index
            %swap3A_1050 = arith.constant 96 : index
            %swap3A_1051 = tpu.vector_load %swap3A_1048[%swap3A_1049, %swap3A_1050] {strides = array<i32>} : memref<64x128xf32, #tpu.memory_space<vmem>>, vector<1x16xf32>,
            %swap3A_1052 = vector.shape_cast %swap3A_1051 : vector<1x16xf32> to vector<16xf32>
            %swap3A_1053 = vector.shape_cast %add3A_1044 : vector<16xf32> to vector<1x16xf32>
            tpu.vector_store %swap3A_1048[%swap3A_1049, %swap3A_1050], %swap3A_1053 {strides = array<i32>} : memref<64x128xf32, #tpu.memory_space<vmem>>, vector<1x16xf32>,
            %get3A_1054 = arith.index_cast %add3A_984 : i32 to index
            %get3A_1055 = arith.constant 48 : index
            %get3A_1056 = tpu.vector_load %arg9[%get3A_1054, %get3A_1055] {strides = array<i32>} : memref<128x64xf32, #tpu.memory_space<vmem>>, vector<1x16xf32>,
            %get3A_1057 = vector.shape_cast %get3A_1056 : vector<1x16xf32> to vector<16xf32>
            %get3A_1058 = arith.index_cast %add3A_984 : i32 to index
            %get3A_1059 = arith.constant 48 : index
            %get3A_1060 = tpu.vector_load %arg10[%get3A_1058, %get3A_1059] {strides = array<i32>} : memref<128x64xf32, #tpu.memory_space<vmem>>, vector<1x16xf32>,
            %get3A_1061 = vector.shape_cast %get3A_1060 : vector<1x16xf32> to vector<16xf32>
            %add3A_1062 = arith.addf %get3A_1057, %get3A_1061 : vector<16xf32>
            %get3A_1063 = arith.index_cast %add3A_984 : i32 to index
            %get3A_1064 = arith.constant 48 : index
            %get3A_1065 = tpu.vector_load %arg11[%get3A_1063, %get3A_1064] {strides = array<i32>} : memref<128x64xf32, #tpu.memory_space<vmem>>, vector<1x16xf32>,
            %get3A_1066 = vector.shape_cast %get3A_1065 : vector<1x16xf32> to vector<16xf32>
            %add3A_1067 = arith.addf %add3A_1062, %get3A_1066 : vector<16xf32>
            %swap3A_1068 = arith.constant 0 : i32
            %swap3A_1069 = arith.constant 0 : i32
            %swap3A_1070 = tpu.memref_slice %run_scoped3A_15[%rem3A_538, %swap3A_1068, %swap3A_1069] : memref<2x64x128xf32, #tpu.memory_space<vmem>> -> memref<1x64x128xf32, #tpu.memory_space<vmem>>
            %swap3A_1071 = tpu.memref_squeeze %swap3A_1070 : memref<1x64x128xf32, #tpu.memory_space<vmem>> -> memref<64x128xf32, #tpu.memory_space<vmem>>
            %swap3A_1072 = arith.index_cast %add3A_884 : i32 to index
            %swap3A_1073 = arith.constant 112 : index
            %swap3A_1074 = tpu.vector_load %swap3A_1071[%swap3A_1072, %swap3A_1073] {strides = array<i32>} : memref<64x128xf32, #tpu.memory_space<vmem>>, vector<1x16xf32>,
            %swap3A_1075 = vector.shape_cast %swap3A_1074 : vector<1x16xf32> to vector<16xf32>
            %swap3A_1076 = vector.shape_cast %add3A_1067 : vector<16xf32> to vector<1x16xf32>
            tpu.vector_store %swap3A_1071[%swap3A_1072, %swap3A_1073], %swap3A_1076 {strides = array<i32>} : memref<64x128xf32, #tpu.memory_space<vmem>>, vector<1x16xf32>,
          }
          %scan3A_879 = arith.constant 64 : i32
        } else {
        }
        %gt3A_573 = arith.constant 1 : i32
        %gt3A_574 = arith.cmpi sgt, %get3A_540, %gt3A_573 : i32
        %eq3A_575 = arith.constant 0 : i32
        %eq3A_576 = arith.cmpi eq, %rem3A_542, %eq3A_575 : i32
        %and3A_577 = arith.andi %gt3A_574, %eq3A_576 : i1
        %convert_element_type3A_578 = arith.extui %and3A_577 : i1 to i32
        %cond3A_579 = arith.constant 0 : i32
        %cond3A_580 = arith.cmpi ne, %convert_element_type3A_578, %cond3A_579 : i32
        scf.if %cond3A_580 {
          %dma_wait3A_857 = arith.constant 0 : i32
          %dma_wait3A_858 = arith.constant 0 : i32
          %dma_wait3A_859 = tpu.memref_slice %arg2[%dma_wait3A_857, %dma_wait3A_858] : memref<99991x64xf32, #tpu.memory_space<hbm>> -> memref<128x64xf32, #tpu.memory_space<hbm>>
          %dma_wait3A_860 = arith.constant 0 : i32
          %dma_wait3A_861 = arith.constant 0 : i32
          %dma_wait3A_862 = tpu.memref_slice %arg2[%dma_wait3A_860, %dma_wait3A_861] : memref<99991x64xf32, #tpu.memory_space<hbm>> -> memref<128x64xf32, #tpu.memory_space<hbm>>
          tpu.wait_dma2 semaphore(%arg31 : memref<!tpu.dma_semaphore, #tpu.memory_space<semaphore_mem>>) src(%dma_wait3A_862 : memref<128x64xf32, #tpu.memory_space<hbm>>) dst(%arg12 : memref<128x64xf32, #tpu.memory_space<vmem>>)
          %dma_wait3A_863 = arith.constant 0 : i32
          %dma_wait3A_864 = arith.constant 0 : i32
          %dma_wait3A_865 = tpu.memref_slice %arg3[%dma_wait3A_863, %dma_wait3A_864] : memref<100003x64xf32, #tpu.memory_space<hbm>> -> memref<128x64xf32, #tpu.memory_space<hbm>>
          %dma_wait3A_866 = arith.constant 0 : i32
          %dma_wait3A_867 = arith.constant 0 : i32
          %dma_wait3A_868 = tpu.memref_slice %arg3[%dma_wait3A_866, %dma_wait3A_867] : memref<100003x64xf32, #tpu.memory_space<hbm>> -> memref<128x64xf32, #tpu.memory_space<hbm>>
          tpu.wait_dma2 semaphore(%arg32 : memref<!tpu.dma_semaphore, #tpu.memory_space<semaphore_mem>>) src(%dma_wait3A_868 : memref<128x64xf32, #tpu.memory_space<hbm>>) dst(%arg13 : memref<128x64xf32, #tpu.memory_space<vmem>>)
          %dma_wait3A_869 = arith.constant 0 : i32
          %dma_wait3A_870 = arith.constant 0 : i32
          %dma_wait3A_871 = tpu.memref_slice %arg4[%dma_wait3A_869, %dma_wait3A_870] : memref<100019x64xf32, #tpu.memory_space<hbm>> -> memref<128x64xf32, #tpu.memory_space<hbm>>
          %dma_wait3A_872 = arith.constant 0 : i32
          %dma_wait3A_873 = arith.constant 0 : i32
          %dma_wait3A_874 = tpu.memref_slice %arg4[%dma_wait3A_872, %dma_wait3A_873] : memref<100019x64xf32, #tpu.memory_space<hbm>> -> memref<128x64xf32, #tpu.memory_space<hbm>>
          tpu.wait_dma2 semaphore(%arg33 : memref<!tpu.dma_semaphore, #tpu.memory_space<semaphore_mem>>) src(%dma_wait3A_874 : memref<128x64xf32, #tpu.memory_space<hbm>>) dst(%arg14 : memref<128x64xf32, #tpu.memory_space<vmem>>)
          %scan3A_875 = arith.constant 0 : i32
          %scan3A_876 = arith.constant 64 : i32
          %scan3A_877 = arith.addi %scan3A_875, %scan3A_876 : i32
          %scan3A_878 = arith.constant 1 : i32
          scf.for %scan3A_880 = %scan3A_875 to %scan3A_877 step %scan3A_878  : i32 {
            %mul3A_881 = arith.constant 1 : i32
            %mul3A_882 = arith.muli %scan3A_880, %mul3A_881 : i32
            %add3A_883 = arith.constant 0 : i32
            %add3A_884 = arith.addi %add3A_883, %mul3A_882 : i32
            %mul3A_885 = arith.constant 2 : i32
            %mul3A_886 = arith.muli %mul3A_885, %add3A_884 : i32
            %add3A_887 = arith.constant 0 : i32
            %add3A_888 = arith.addi %mul3A_886, %add3A_887 : i32
            %get3A_889 = arith.index_cast %add3A_888 : i32 to index
            %get3A_890 = arith.constant 0 : index
            %get3A_891 = tpu.vector_load %arg12[%get3A_889, %get3A_890] {strides = array<i32>} : memref<128x64xf32, #tpu.memory_space<vmem>>, vector<1x16xf32>,
            %get3A_892 = vector.shape_cast %get3A_891 : vector<1x16xf32> to vector<16xf32>
            %get3A_893 = arith.index_cast %add3A_888 : i32 to index
            %get3A_894 = arith.constant 0 : index
            %get3A_895 = tpu.vector_load %arg13[%get3A_893, %get3A_894] {strides = array<i32>} : memref<128x64xf32, #tpu.memory_space<vmem>>, vector<1x16xf32>,
            %get3A_896 = vector.shape_cast %get3A_895 : vector<1x16xf32> to vector<16xf32>
            %add3A_897 = arith.addf %get3A_892, %get3A_896 : vector<16xf32>
            %get3A_898 = arith.index_cast %add3A_888 : i32 to index
            %get3A_899 = arith.constant 0 : index
            %get3A_900 = tpu.vector_load %arg14[%get3A_898, %get3A_899] {strides = array<i32>} : memref<128x64xf32, #tpu.memory_space<vmem>>, vector<1x16xf32>,
            %get3A_901 = vector.shape_cast %get3A_900 : vector<1x16xf32> to vector<16xf32>
            %add3A_902 = arith.addf %add3A_897, %get3A_901 : vector<16xf32>
            %swap3A_903 = arith.constant 0 : i32
            %swap3A_904 = arith.constant 0 : i32
            %swap3A_905 = tpu.memref_slice %run_scoped3A_15[%rem3A_538, %swap3A_903, %swap3A_904] : memref<2x64x128xf32, #tpu.memory_space<vmem>> -> memref<1x64x128xf32, #tpu.memory_space<vmem>>
            %swap3A_906 = tpu.memref_squeeze %swap3A_905 : memref<1x64x128xf32, #tpu.memory_space<vmem>> -> memref<64x128xf32, #tpu.memory_space<vmem>>
            %swap3A_907 = arith.index_cast %add3A_884 : i32 to index
            %swap3A_908 = arith.constant 0 : index
            %swap3A_909 = tpu.vector_load %swap3A_906[%swap3A_907, %swap3A_908] {strides = array<i32>} : memref<64x128xf32, #tpu.memory_space<vmem>>, vector<1x16xf32>,
            %swap3A_910 = vector.shape_cast %swap3A_909 : vector<1x16xf32> to vector<16xf32>
            %swap3A_911 = vector.shape_cast %add3A_902 : vector<16xf32> to vector<1x16xf32>
            tpu.vector_store %swap3A_906[%swap3A_907, %swap3A_908], %swap3A_911 {strides = array<i32>} : memref<64x128xf32, #tpu.memory_space<vmem>>, vector<1x16xf32>,
            %get3A_912 = arith.index_cast %add3A_888 : i32 to index
            %get3A_913 = arith.constant 16 : index
            %get3A_914 = tpu.vector_load %arg12[%get3A_912, %get3A_913] {strides = array<i32>} : memref<128x64xf32, #tpu.memory_space<vmem>>, vector<1x16xf32>,
            %get3A_915 = vector.shape_cast %get3A_914 : vector<1x16xf32> to vector<16xf32>
            %get3A_916 = arith.index_cast %add3A_888 : i32 to index
            %get3A_917 = arith.constant 16 : index
            %get3A_918 = tpu.vector_load %arg13[%get3A_916, %get3A_917] {strides = array<i32>} : memref<128x64xf32, #tpu.memory_space<vmem>>, vector<1x16xf32>,
            %get3A_919 = vector.shape_cast %get3A_918 : vector<1x16xf32> to vector<16xf32>
            %add3A_920 = arith.addf %get3A_915, %get3A_919 : vector<16xf32>
            %get3A_921 = arith.index_cast %add3A_888 : i32 to index
            %get3A_922 = arith.constant 16 : index
            %get3A_923 = tpu.vector_load %arg14[%get3A_921, %get3A_922] {strides = array<i32>} : memref<128x64xf32, #tpu.memory_space<vmem>>, vector<1x16xf32>,
            %get3A_924 = vector.shape_cast %get3A_923 : vector<1x16xf32> to vector<16xf32>
            %add3A_925 = arith.addf %add3A_920, %get3A_924 : vector<16xf32>
            %swap3A_926 = arith.constant 0 : i32
            %swap3A_927 = arith.constant 0 : i32
            %swap3A_928 = tpu.memref_slice %run_scoped3A_15[%rem3A_538, %swap3A_926, %swap3A_927] : memref<2x64x128xf32, #tpu.memory_space<vmem>> -> memref<1x64x128xf32, #tpu.memory_space<vmem>>
            %swap3A_929 = tpu.memref_squeeze %swap3A_928 : memref<1x64x128xf32, #tpu.memory_space<vmem>> -> memref<64x128xf32, #tpu.memory_space<vmem>>
            %swap3A_930 = arith.index_cast %add3A_884 : i32 to index
            %swap3A_931 = arith.constant 16 : index
            %swap3A_932 = tpu.vector_load %swap3A_929[%swap3A_930, %swap3A_931] {strides = array<i32>} : memref<64x128xf32, #tpu.memory_space<vmem>>, vector<1x16xf32>,
            %swap3A_933 = vector.shape_cast %swap3A_932 : vector<1x16xf32> to vector<16xf32>
            %swap3A_934 = vector.shape_cast %add3A_925 : vector<16xf32> to vector<1x16xf32>
            tpu.vector_store %swap3A_929[%swap3A_930, %swap3A_931], %swap3A_934 {strides = array<i32>} : memref<64x128xf32, #tpu.memory_space<vmem>>, vector<1x16xf32>,
            %get3A_935 = arith.index_cast %add3A_888 : i32 to index
            %get3A_936 = arith.constant 32 : index
            %get3A_937 = tpu.vector_load %arg12[%get3A_935, %get3A_936] {strides = array<i32>} : memref<128x64xf32, #tpu.memory_space<vmem>>, vector<1x16xf32>,
            %get3A_938 = vector.shape_cast %get3A_937 : vector<1x16xf32> to vector<16xf32>
            %get3A_939 = arith.index_cast %add3A_888 : i32 to index
            %get3A_940 = arith.constant 32 : index
            %get3A_941 = tpu.vector_load %arg13[%get3A_939, %get3A_940] {strides = array<i32>} : memref<128x64xf32, #tpu.memory_space<vmem>>, vector<1x16xf32>,
            %get3A_942 = vector.shape_cast %get3A_941 : vector<1x16xf32> to vector<16xf32>
            %add3A_943 = arith.addf %get3A_938, %get3A_942 : vector<16xf32>
            %get3A_944 = arith.index_cast %add3A_888 : i32 to index
            %get3A_945 = arith.constant 32 : index
            %get3A_946 = tpu.vector_load %arg14[%get3A_944, %get3A_945] {strides = array<i32>} : memref<128x64xf32, #tpu.memory_space<vmem>>, vector<1x16xf32>,
            %get3A_947 = vector.shape_cast %get3A_946 : vector<1x16xf32> to vector<16xf32>
            %add3A_948 = arith.addf %add3A_943, %get3A_947 : vector<16xf32>
            %swap3A_949 = arith.constant 0 : i32
            %swap3A_950 = arith.constant 0 : i32
            %swap3A_951 = tpu.memref_slice %run_scoped3A_15[%rem3A_538, %swap3A_949, %swap3A_950] : memref<2x64x128xf32, #tpu.memory_space<vmem>> -> memref<1x64x128xf32, #tpu.memory_space<vmem>>
            %swap3A_952 = tpu.memref_squeeze %swap3A_951 : memref<1x64x128xf32, #tpu.memory_space<vmem>> -> memref<64x128xf32, #tpu.memory_space<vmem>>
            %swap3A_953 = arith.index_cast %add3A_884 : i32 to index
            %swap3A_954 = arith.constant 32 : index
            %swap3A_955 = tpu.vector_load %swap3A_952[%swap3A_953, %swap3A_954] {strides = array<i32>} : memref<64x128xf32, #tpu.memory_space<vmem>>, vector<1x16xf32>,
            %swap3A_956 = vector.shape_cast %swap3A_955 : vector<1x16xf32> to vector<16xf32>
            %swap3A_957 = vector.shape_cast %add3A_948 : vector<16xf32> to vector<1x16xf32>
            tpu.vector_store %swap3A_952[%swap3A_953, %swap3A_954], %swap3A_957 {strides = array<i32>} : memref<64x128xf32, #tpu.memory_space<vmem>>, vector<1x16xf32>,
            %get3A_958 = arith.index_cast %add3A_888 : i32 to index
            %get3A_959 = arith.constant 48 : index
            %get3A_960 = tpu.vector_load %arg12[%get3A_958, %get3A_959] {strides = array<i32>} : memref<128x64xf32, #tpu.memory_space<vmem>>, vector<1x16xf32>,
            %get3A_961 = vector.shape_cast %get3A_960 : vector<1x16xf32> to vector<16xf32>
            %get3A_962 = arith.index_cast %add3A_888 : i32 to index
            %get3A_963 = arith.constant 48 : index
            %get3A_964 = tpu.vector_load %arg13[%get3A_962, %get3A_963] {strides = array<i32>} : memref<128x64xf32, #tpu.memory_space<vmem>>, vector<1x16xf32>,
            %get3A_965 = vector.shape_cast %get3A_964 : vector<1x16xf32> to vector<16xf32>
            %add3A_966 = arith.addf %get3A_961, %get3A_965 : vector<16xf32>
            %get3A_967 = arith.index_cast %add3A_888 : i32 to index
            %get3A_968 = arith.constant 48 : index
            %get3A_969 = tpu.vector_load %arg14[%get3A_967, %get3A_968] {strides = array<i32>} : memref<128x64xf32, #tpu.memory_space<vmem>>, vector<1x16xf32>,
            %get3A_970 = vector.shape_cast %get3A_969 : vector<1x16xf32> to vector<16xf32>
            %add3A_971 = arith.addf %add3A_966, %get3A_970 : vector<16xf32>
            %swap3A_972 = arith.constant 0 : i32
            %swap3A_973 = arith.constant 0 : i32
            %swap3A_974 = tpu.memref_slice %run_scoped3A_15[%rem3A_538, %swap3A_972, %swap3A_973] : memref<2x64x128xf32, #tpu.memory_space<vmem>> -> memref<1x64x128xf32, #tpu.memory_space<vmem>>
            %swap3A_975 = tpu.memref_squeeze %swap3A_974 : memref<1x64x128xf32, #tpu.memory_space<vmem>> -> memref<64x128xf32, #tpu.memory_space<vmem>>
            %swap3A_976 = arith.index_cast %add3A_884 : i32 to index
            %swap3A_977 = arith.constant 48 : index
            %swap3A_978 = tpu.vector_load %swap3A_975[%swap3A_976, %swap3A_977] {strides = array<i32>} : memref<64x128xf32, #tpu.memory_space<vmem>>, vector<1x16xf32>,
            %swap3A_979 = vector.shape_cast %swap3A_978 : vector<1x16xf32> to vector<16xf32>
            %swap3A_980 = vector.shape_cast %add3A_971 : vector<16xf32> to vector<1x16xf32>
            tpu.vector_store %swap3A_975[%swap3A_976, %swap3A_977], %swap3A_980 {strides = array<i32>} : memref<64x128xf32, #tpu.memory_space<vmem>>, vector<1x16xf32>,
            %mul3A_981 = arith.constant 2 : i32
            %mul3A_982 = arith.muli %mul3A_981, %add3A_884 : i32
            %add3A_983 = arith.constant 1 : i32
            %add3A_984 = arith.addi %mul3A_982, %add3A_983 : i32
            %get3A_985 = arith.index_cast %add3A_984 : i32 to index
            %get3A_986 = arith.constant 0 : index
            %get3A_987 = tpu.vector_load %arg12[%get3A_985, %get3A_986] {strides = array<i32>} : memref<128x64xf32, #tpu.memory_space<vmem>>, vector<1x16xf32>,
            %get3A_988 = vector.shape_cast %get3A_987 : vector<1x16xf32> to vector<16xf32>
            %get3A_989 = arith.index_cast %add3A_984 : i32 to index
            %get3A_990 = arith.constant 0 : index
            %get3A_991 = tpu.vector_load %arg13[%get3A_989, %get3A_990] {strides = array<i32>} : memref<128x64xf32, #tpu.memory_space<vmem>>, vector<1x16xf32>,
            %get3A_992 = vector.shape_cast %get3A_991 : vector<1x16xf32> to vector<16xf32>
            %add3A_993 = arith.addf %get3A_988, %get3A_992 : vector<16xf32>
            %get3A_994 = arith.index_cast %add3A_984 : i32 to index
            %get3A_995 = arith.constant 0 : index
            %get3A_996 = tpu.vector_load %arg14[%get3A_994, %get3A_995] {strides = array<i32>} : memref<128x64xf32, #tpu.memory_space<vmem>>, vector<1x16xf32>,
            %get3A_997 = vector.shape_cast %get3A_996 : vector<1x16xf32> to vector<16xf32>
            %add3A_998 = arith.addf %add3A_993, %get3A_997 : vector<16xf32>
            %swap3A_999 = arith.constant 0 : i32
            %swap3A_1000 = arith.constant 0 : i32
            %swap3A_1001 = tpu.memref_slice %run_scoped3A_15[%rem3A_538, %swap3A_999, %swap3A_1000] : memref<2x64x128xf32, #tpu.memory_space<vmem>> -> memref<1x64x128xf32, #tpu.memory_space<vmem>>
            %swap3A_1002 = tpu.memref_squeeze %swap3A_1001 : memref<1x64x128xf32, #tpu.memory_space<vmem>> -> memref<64x128xf32, #tpu.memory_space<vmem>>
            %swap3A_1003 = arith.index_cast %add3A_884 : i32 to index
            %swap3A_1004 = arith.constant 64 : index
            %swap3A_1005 = tpu.vector_load %swap3A_1002[%swap3A_1003, %swap3A_1004] {strides = array<i32>} : memref<64x128xf32, #tpu.memory_space<vmem>>, vector<1x16xf32>,
            %swap3A_1006 = vector.shape_cast %swap3A_1005 : vector<1x16xf32> to vector<16xf32>
            %swap3A_1007 = vector.shape_cast %add3A_998 : vector<16xf32> to vector<1x16xf32>
            tpu.vector_store %swap3A_1002[%swap3A_1003, %swap3A_1004], %swap3A_1007 {strides = array<i32>} : memref<64x128xf32, #tpu.memory_space<vmem>>, vector<1x16xf32>,
            %get3A_1008 = arith.index_cast %add3A_984 : i32 to index
            %get3A_1009 = arith.constant 16 : index
            %get3A_1010 = tpu.vector_load %arg12[%get3A_1008, %get3A_1009] {strides = array<i32>} : memref<128x64xf32, #tpu.memory_space<vmem>>, vector<1x16xf32>,
            %get3A_1011 = vector.shape_cast %get3A_1010 : vector<1x16xf32> to vector<16xf32>
            %get3A_1012 = arith.index_cast %add3A_984 : i32 to index
            %get3A_1013 = arith.constant 16 : index
            %get3A_1014 = tpu.vector_load %arg13[%get3A_1012, %get3A_1013] {strides = array<i32>} : memref<128x64xf32, #tpu.memory_space<vmem>>, vector<1x16xf32>,
            %get3A_1015 = vector.shape_cast %get3A_1014 : vector<1x16xf32> to vector<16xf32>
            %add3A_1016 = arith.addf %get3A_1011, %get3A_1015 : vector<16xf32>
            %get3A_1017 = arith.index_cast %add3A_984 : i32 to index
            %get3A_1018 = arith.constant 16 : index
            %get3A_1019 = tpu.vector_load %arg14[%get3A_1017, %get3A_1018] {strides = array<i32>} : memref<128x64xf32, #tpu.memory_space<vmem>>, vector<1x16xf32>,
            %get3A_1020 = vector.shape_cast %get3A_1019 : vector<1x16xf32> to vector<16xf32>
            %add3A_1021 = arith.addf %add3A_1016, %get3A_1020 : vector<16xf32>
            %swap3A_1022 = arith.constant 0 : i32
            %swap3A_1023 = arith.constant 0 : i32
            %swap3A_1024 = tpu.memref_slice %run_scoped3A_15[%rem3A_538, %swap3A_1022, %swap3A_1023] : memref<2x64x128xf32, #tpu.memory_space<vmem>> -> memref<1x64x128xf32, #tpu.memory_space<vmem>>
            %swap3A_1025 = tpu.memref_squeeze %swap3A_1024 : memref<1x64x128xf32, #tpu.memory_space<vmem>> -> memref<64x128xf32, #tpu.memory_space<vmem>>
            %swap3A_1026 = arith.index_cast %add3A_884 : i32 to index
            %swap3A_1027 = arith.constant 80 : index
            %swap3A_1028 = tpu.vector_load %swap3A_1025[%swap3A_1026, %swap3A_1027] {strides = array<i32>} : memref<64x128xf32, #tpu.memory_space<vmem>>, vector<1x16xf32>,
            %swap3A_1029 = vector.shape_cast %swap3A_1028 : vector<1x16xf32> to vector<16xf32>
            %swap3A_1030 = vector.shape_cast %add3A_1021 : vector<16xf32> to vector<1x16xf32>
            tpu.vector_store %swap3A_1025[%swap3A_1026, %swap3A_1027], %swap3A_1030 {strides = array<i32>} : memref<64x128xf32, #tpu.memory_space<vmem>>, vector<1x16xf32>,
            %get3A_1031 = arith.index_cast %add3A_984 : i32 to index
            %get3A_1032 = arith.constant 32 : index
            %get3A_1033 = tpu.vector_load %arg12[%get3A_1031, %get3A_1032] {strides = array<i32>} : memref<128x64xf32, #tpu.memory_space<vmem>>, vector<1x16xf32>,
            %get3A_1034 = vector.shape_cast %get3A_1033 : vector<1x16xf32> to vector<16xf32>
            %get3A_1035 = arith.index_cast %add3A_984 : i32 to index
            %get3A_1036 = arith.constant 32 : index
            %get3A_1037 = tpu.vector_load %arg13[%get3A_1035, %get3A_1036] {strides = array<i32>} : memref<128x64xf32, #tpu.memory_space<vmem>>, vector<1x16xf32>,
            %get3A_1038 = vector.shape_cast %get3A_1037 : vector<1x16xf32> to vector<16xf32>
            %add3A_1039 = arith.addf %get3A_1034, %get3A_1038 : vector<16xf32>
            %get3A_1040 = arith.index_cast %add3A_984 : i32 to index
            %get3A_1041 = arith.constant 32 : index
            %get3A_1042 = tpu.vector_load %arg14[%get3A_1040, %get3A_1041] {strides = array<i32>} : memref<128x64xf32, #tpu.memory_space<vmem>>, vector<1x16xf32>,
            %get3A_1043 = vector.shape_cast %get3A_1042 : vector<1x16xf32> to vector<16xf32>
            %add3A_1044 = arith.addf %add3A_1039, %get3A_1043 : vector<16xf32>
            %swap3A_1045 = arith.constant 0 : i32
            %swap3A_1046 = arith.constant 0 : i32
            %swap3A_1047 = tpu.memref_slice %run_scoped3A_15[%rem3A_538, %swap3A_1045, %swap3A_1046] : memref<2x64x128xf32, #tpu.memory_space<vmem>> -> memref<1x64x128xf32, #tpu.memory_space<vmem>>
            %swap3A_1048 = tpu.memref_squeeze %swap3A_1047 : memref<1x64x128xf32, #tpu.memory_space<vmem>> -> memref<64x128xf32, #tpu.memory_space<vmem>>
            %swap3A_1049 = arith.index_cast %add3A_884 : i32 to index
            %swap3A_1050 = arith.constant 96 : index
            %swap3A_1051 = tpu.vector_load %swap3A_1048[%swap3A_1049, %swap3A_1050] {strides = array<i32>} : memref<64x128xf32, #tpu.memory_space<vmem>>, vector<1x16xf32>,
            %swap3A_1052 = vector.shape_cast %swap3A_1051 : vector<1x16xf32> to vector<16xf32>
            %swap3A_1053 = vector.shape_cast %add3A_1044 : vector<16xf32> to vector<1x16xf32>
            tpu.vector_store %swap3A_1048[%swap3A_1049, %swap3A_1050], %swap3A_1053 {strides = array<i32>} : memref<64x128xf32, #tpu.memory_space<vmem>>, vector<1x16xf32>,
            %get3A_1054 = arith.index_cast %add3A_984 : i32 to index
            %get3A_1055 = arith.constant 48 : index
            %get3A_1056 = tpu.vector_load %arg12[%get3A_1054, %get3A_1055] {strides = array<i32>} : memref<128x64xf32, #tpu.memory_space<vmem>>, vector<1x16xf32>,
            %get3A_1057 = vector.shape_cast %get3A_1056 : vector<1x16xf32> to vector<16xf32>
            %get3A_1058 = arith.index_cast %add3A_984 : i32 to index
            %get3A_1059 = arith.constant 48 : index
            %get3A_1060 = tpu.vector_load %arg13[%get3A_1058, %get3A_1059] {strides = array<i32>} : memref<128x64xf32, #tpu.memory_space<vmem>>, vector<1x16xf32>,
            %get3A_1061 = vector.shape_cast %get3A_1060 : vector<1x16xf32> to vector<16xf32>
            %add3A_1062 = arith.addf %get3A_1057, %get3A_1061 : vector<16xf32>
            %get3A_1063 = arith.index_cast %add3A_984 : i32 to index
            %get3A_1064 = arith.constant 48 : index
            %get3A_1065 = tpu.vector_load %arg14[%get3A_1063, %get3A_1064] {strides = array<i32>} : memref<128x64xf32, #tpu.memory_space<vmem>>, vector<1x16xf32>,
            %get3A_1066 = vector.shape_cast %get3A_1065 : vector<1x16xf32> to vector<16xf32>
            %add3A_1067 = arith.addf %add3A_1062, %get3A_1066 : vector<16xf32>
            %swap3A_1068 = arith.constant 0 : i32
            %swap3A_1069 = arith.constant 0 : i32
            %swap3A_1070 = tpu.memref_slice %run_scoped3A_15[%rem3A_538, %swap3A_1068, %swap3A_1069] : memref<2x64x128xf32, #tpu.memory_space<vmem>> -> memref<1x64x128xf32, #tpu.memory_space<vmem>>
            %swap3A_1071 = tpu.memref_squeeze %swap3A_1070 : memref<1x64x128xf32, #tpu.memory_space<vmem>> -> memref<64x128xf32, #tpu.memory_space<vmem>>
            %swap3A_1072 = arith.index_cast %add3A_884 : i32 to index
            %swap3A_1073 = arith.constant 112 : index
            %swap3A_1074 = tpu.vector_load %swap3A_1071[%swap3A_1072, %swap3A_1073] {strides = array<i32>} : memref<64x128xf32, #tpu.memory_space<vmem>>, vector<1x16xf32>,
            %swap3A_1075 = vector.shape_cast %swap3A_1074 : vector<1x16xf32> to vector<16xf32>
            %swap3A_1076 = vector.shape_cast %add3A_1067 : vector<16xf32> to vector<1x16xf32>
            tpu.vector_store %swap3A_1071[%swap3A_1072, %swap3A_1073], %swap3A_1076 {strides = array<i32>} : memref<64x128xf32, #tpu.memory_space<vmem>>, vector<1x16xf32>,
          }
          %scan3A_879 = arith.constant 64 : i32
        } else {
        }
        %gt3A_581 = arith.constant 1 : i32
        %gt3A_582 = arith.cmpi sgt, %get3A_540, %gt3A_581 : i32
        %eq3A_583 = arith.constant 1 : i32
        %eq3A_584 = arith.cmpi eq, %rem3A_542, %eq3A_583 : i32
        %and3A_585 = arith.andi %gt3A_582, %eq3A_584 : i1
        %convert_element_type3A_586 = arith.extui %and3A_585 : i1 to i32
        %cond3A_587 = arith.constant 0 : i32
        %cond3A_588 = arith.cmpi ne, %convert_element_type3A_586, %cond3A_587 : i32
        scf.if %cond3A_588 {
          %dma_wait3A_857 = arith.constant 0 : i32
          %dma_wait3A_858 = arith.constant 0 : i32
          %dma_wait3A_859 = tpu.memref_slice %arg2[%dma_wait3A_857, %dma_wait3A_858] : memref<99991x64xf32, #tpu.memory_space<hbm>> -> memref<128x64xf32, #tpu.memory_space<hbm>>
          %dma_wait3A_860 = arith.constant 0 : i32
          %dma_wait3A_861 = arith.constant 0 : i32
          %dma_wait3A_862 = tpu.memref_slice %arg2[%dma_wait3A_860, %dma_wait3A_861] : memref<99991x64xf32, #tpu.memory_space<hbm>> -> memref<128x64xf32, #tpu.memory_space<hbm>>
          tpu.wait_dma2 semaphore(%arg34 : memref<!tpu.dma_semaphore, #tpu.memory_space<semaphore_mem>>) src(%dma_wait3A_862 : memref<128x64xf32, #tpu.memory_space<hbm>>) dst(%arg15 : memref<128x64xf32, #tpu.memory_space<vmem>>)
          %dma_wait3A_863 = arith.constant 0 : i32
          %dma_wait3A_864 = arith.constant 0 : i32
          %dma_wait3A_865 = tpu.memref_slice %arg3[%dma_wait3A_863, %dma_wait3A_864] : memref<100003x64xf32, #tpu.memory_space<hbm>> -> memref<128x64xf32, #tpu.memory_space<hbm>>
          %dma_wait3A_866 = arith.constant 0 : i32
          %dma_wait3A_867 = arith.constant 0 : i32
          %dma_wait3A_868 = tpu.memref_slice %arg3[%dma_wait3A_866, %dma_wait3A_867] : memref<100003x64xf32, #tpu.memory_space<hbm>> -> memref<128x64xf32, #tpu.memory_space<hbm>>
          tpu.wait_dma2 semaphore(%arg35 : memref<!tpu.dma_semaphore, #tpu.memory_space<semaphore_mem>>) src(%dma_wait3A_868 : memref<128x64xf32, #tpu.memory_space<hbm>>) dst(%arg16 : memref<128x64xf32, #tpu.memory_space<vmem>>)
          %dma_wait3A_869 = arith.constant 0 : i32
          %dma_wait3A_870 = arith.constant 0 : i32
          %dma_wait3A_871 = tpu.memref_slice %arg4[%dma_wait3A_869, %dma_wait3A_870] : memref<100019x64xf32, #tpu.memory_space<hbm>> -> memref<128x64xf32, #tpu.memory_space<hbm>>
          %dma_wait3A_872 = arith.constant 0 : i32
          %dma_wait3A_873 = arith.constant 0 : i32
          %dma_wait3A_874 = tpu.memref_slice %arg4[%dma_wait3A_872, %dma_wait3A_873] : memref<100019x64xf32, #tpu.memory_space<hbm>> -> memref<128x64xf32, #tpu.memory_space<hbm>>
          tpu.wait_dma2 semaphore(%arg36 : memref<!tpu.dma_semaphore, #tpu.memory_space<semaphore_mem>>) src(%dma_wait3A_874 : memref<128x64xf32, #tpu.memory_space<hbm>>) dst(%arg17 : memref<128x64xf32, #tpu.memory_space<vmem>>)
          %scan3A_875 = arith.constant 0 : i32
          %scan3A_876 = arith.constant 64 : i32
          %scan3A_877 = arith.addi %scan3A_875, %scan3A_876 : i32
          %scan3A_878 = arith.constant 1 : i32
          scf.for %scan3A_880 = %scan3A_875 to %scan3A_877 step %scan3A_878  : i32 {
            %mul3A_881 = arith.constant 1 : i32
            %mul3A_882 = arith.muli %scan3A_880, %mul3A_881 : i32
            %add3A_883 = arith.constant 0 : i32
            %add3A_884 = arith.addi %add3A_883, %mul3A_882 : i32
            %mul3A_885 = arith.constant 2 : i32
            %mul3A_886 = arith.muli %mul3A_885, %add3A_884 : i32
            %add3A_887 = arith.constant 0 : i32
            %add3A_888 = arith.addi %mul3A_886, %add3A_887 : i32
            %get3A_889 = arith.index_cast %add3A_888 : i32 to index
            %get3A_890 = arith.constant 0 : index
            %get3A_891 = tpu.vector_load %arg15[%get3A_889, %get3A_890] {strides = array<i32>} : memref<128x64xf32, #tpu.memory_space<vmem>>, vector<1x16xf32>,
            %get3A_892 = vector.shape_cast %get3A_891 : vector<1x16xf32> to vector<16xf32>
            %get3A_893 = arith.index_cast %add3A_888 : i32 to index
            %get3A_894 = arith.constant 0 : index
            %get3A_895 = tpu.vector_load %arg16[%get3A_893, %get3A_894] {strides = array<i32>} : memref<128x64xf32, #tpu.memory_space<vmem>>, vector<1x16xf32>,
            %get3A_896 = vector.shape_cast %get3A_895 : vector<1x16xf32> to vector<16xf32>
            %add3A_897 = arith.addf %get3A_892, %get3A_896 : vector<16xf32>
            %get3A_898 = arith.index_cast %add3A_888 : i32 to index
            %get3A_899 = arith.constant 0 : index
            %get3A_900 = tpu.vector_load %arg17[%get3A_898, %get3A_899] {strides = array<i32>} : memref<128x64xf32, #tpu.memory_space<vmem>>, vector<1x16xf32>,
            %get3A_901 = vector.shape_cast %get3A_900 : vector<1x16xf32> to vector<16xf32>
            %add3A_902 = arith.addf %add3A_897, %get3A_901 : vector<16xf32>
            %swap3A_903 = arith.constant 0 : i32
            %swap3A_904 = arith.constant 0 : i32
            %swap3A_905 = tpu.memref_slice %run_scoped3A_15[%rem3A_538, %swap3A_903, %swap3A_904] : memref<2x64x128xf32, #tpu.memory_space<vmem>> -> memref<1x64x128xf32, #tpu.memory_space<vmem>>
            %swap3A_906 = tpu.memref_squeeze %swap3A_905 : memref<1x64x128xf32, #tpu.memory_space<vmem>> -> memref<64x128xf32, #tpu.memory_space<vmem>>
            %swap3A_907 = arith.index_cast %add3A_884 : i32 to index
            %swap3A_908 = arith.constant 0 : index
            %swap3A_909 = tpu.vector_load %swap3A_906[%swap3A_907, %swap3A_908] {strides = array<i32>} : memref<64x128xf32, #tpu.memory_space<vmem>>, vector<1x16xf32>,
            %swap3A_910 = vector.shape_cast %swap3A_909 : vector<1x16xf32> to vector<16xf32>
            %swap3A_911 = vector.shape_cast %add3A_902 : vector<16xf32> to vector<1x16xf32>
            tpu.vector_store %swap3A_906[%swap3A_907, %swap3A_908], %swap3A_911 {strides = array<i32>} : memref<64x128xf32, #tpu.memory_space<vmem>>, vector<1x16xf32>,
            %get3A_912 = arith.index_cast %add3A_888 : i32 to index
            %get3A_913 = arith.constant 16 : index
            %get3A_914 = tpu.vector_load %arg15[%get3A_912, %get3A_913] {strides = array<i32>} : memref<128x64xf32, #tpu.memory_space<vmem>>, vector<1x16xf32>,
            %get3A_915 = vector.shape_cast %get3A_914 : vector<1x16xf32> to vector<16xf32>
            %get3A_916 = arith.index_cast %add3A_888 : i32 to index
            %get3A_917 = arith.constant 16 : index
            %get3A_918 = tpu.vector_load %arg16[%get3A_916, %get3A_917] {strides = array<i32>} : memref<128x64xf32, #tpu.memory_space<vmem>>, vector<1x16xf32>,
            %get3A_919 = vector.shape_cast %get3A_918 : vector<1x16xf32> to vector<16xf32>
            %add3A_920 = arith.addf %get3A_915, %get3A_919 : vector<16xf32>
            %get3A_921 = arith.index_cast %add3A_888 : i32 to index
            %get3A_922 = arith.constant 16 : index
            %get3A_923 = tpu.vector_load %arg17[%get3A_921, %get3A_922] {strides = array<i32>} : memref<128x64xf32, #tpu.memory_space<vmem>>, vector<1x16xf32>,
            %get3A_924 = vector.shape_cast %get3A_923 : vector<1x16xf32> to vector<16xf32>
            %add3A_925 = arith.addf %add3A_920, %get3A_924 : vector<16xf32>
            %swap3A_926 = arith.constant 0 : i32
            %swap3A_927 = arith.constant 0 : i32
            %swap3A_928 = tpu.memref_slice %run_scoped3A_15[%rem3A_538, %swap3A_926, %swap3A_927] : memref<2x64x128xf32, #tpu.memory_space<vmem>> -> memref<1x64x128xf32, #tpu.memory_space<vmem>>
            %swap3A_929 = tpu.memref_squeeze %swap3A_928 : memref<1x64x128xf32, #tpu.memory_space<vmem>> -> memref<64x128xf32, #tpu.memory_space<vmem>>
            %swap3A_930 = arith.index_cast %add3A_884 : i32 to index
            %swap3A_931 = arith.constant 16 : index
            %swap3A_932 = tpu.vector_load %swap3A_929[%swap3A_930, %swap3A_931] {strides = array<i32>} : memref<64x128xf32, #tpu.memory_space<vmem>>, vector<1x16xf32>,
            %swap3A_933 = vector.shape_cast %swap3A_932 : vector<1x16xf32> to vector<16xf32>
            %swap3A_934 = vector.shape_cast %add3A_925 : vector<16xf32> to vector<1x16xf32>
            tpu.vector_store %swap3A_929[%swap3A_930, %swap3A_931], %swap3A_934 {strides = array<i32>} : memref<64x128xf32, #tpu.memory_space<vmem>>, vector<1x16xf32>,
            %get3A_935 = arith.index_cast %add3A_888 : i32 to index
            %get3A_936 = arith.constant 32 : index
            %get3A_937 = tpu.vector_load %arg15[%get3A_935, %get3A_936] {strides = array<i32>} : memref<128x64xf32, #tpu.memory_space<vmem>>, vector<1x16xf32>,
            %get3A_938 = vector.shape_cast %get3A_937 : vector<1x16xf32> to vector<16xf32>
            %get3A_939 = arith.index_cast %add3A_888 : i32 to index
            %get3A_940 = arith.constant 32 : index
            %get3A_941 = tpu.vector_load %arg16[%get3A_939, %get3A_940] {strides = array<i32>} : memref<128x64xf32, #tpu.memory_space<vmem>>, vector<1x16xf32>,
            %get3A_942 = vector.shape_cast %get3A_941 : vector<1x16xf32> to vector<16xf32>
            %add3A_943 = arith.addf %get3A_938, %get3A_942 : vector<16xf32>
            %get3A_944 = arith.index_cast %add3A_888 : i32 to index
            %get3A_945 = arith.constant 32 : index
            %get3A_946 = tpu.vector_load %arg17[%get3A_944, %get3A_945] {strides = array<i32>} : memref<128x64xf32, #tpu.memory_space<vmem>>, vector<1x16xf32>,
            %get3A_947 = vector.shape_cast %get3A_946 : vector<1x16xf32> to vector<16xf32>
            %add3A_948 = arith.addf %add3A_943, %get3A_947 : vector<16xf32>
            %swap3A_949 = arith.constant 0 : i32
            %swap3A_950 = arith.constant 0 : i32
            %swap3A_951 = tpu.memref_slice %run_scoped3A_15[%rem3A_538, %swap3A_949, %swap3A_950] : memref<2x64x128xf32, #tpu.memory_space<vmem>> -> memref<1x64x128xf32, #tpu.memory_space<vmem>>
            %swap3A_952 = tpu.memref_squeeze %swap3A_951 : memref<1x64x128xf32, #tpu.memory_space<vmem>> -> memref<64x128xf32, #tpu.memory_space<vmem>>
            %swap3A_953 = arith.index_cast %add3A_884 : i32 to index
            %swap3A_954 = arith.constant 32 : index
            %swap3A_955 = tpu.vector_load %swap3A_952[%swap3A_953, %swap3A_954] {strides = array<i32>} : memref<64x128xf32, #tpu.memory_space<vmem>>, vector<1x16xf32>,
            %swap3A_956 = vector.shape_cast %swap3A_955 : vector<1x16xf32> to vector<16xf32>
            %swap3A_957 = vector.shape_cast %add3A_948 : vector<16xf32> to vector<1x16xf32>
            tpu.vector_store %swap3A_952[%swap3A_953, %swap3A_954], %swap3A_957 {strides = array<i32>} : memref<64x128xf32, #tpu.memory_space<vmem>>, vector<1x16xf32>,
            %get3A_958 = arith.index_cast %add3A_888 : i32 to index
            %get3A_959 = arith.constant 48 : index
            %get3A_960 = tpu.vector_load %arg15[%get3A_958, %get3A_959] {strides = array<i32>} : memref<128x64xf32, #tpu.memory_space<vmem>>, vector<1x16xf32>,
            %get3A_961 = vector.shape_cast %get3A_960 : vector<1x16xf32> to vector<16xf32>
            %get3A_962 = arith.index_cast %add3A_888 : i32 to index
            %get3A_963 = arith.constant 48 : index
            %get3A_964 = tpu.vector_load %arg16[%get3A_962, %get3A_963] {strides = array<i32>} : memref<128x64xf32, #tpu.memory_space<vmem>>, vector<1x16xf32>,
            %get3A_965 = vector.shape_cast %get3A_964 : vector<1x16xf32> to vector<16xf32>
            %add3A_966 = arith.addf %get3A_961, %get3A_965 : vector<16xf32>
            %get3A_967 = arith.index_cast %add3A_888 : i32 to index
            %get3A_968 = arith.constant 48 : index
            %get3A_969 = tpu.vector_load %arg17[%get3A_967, %get3A_968] {strides = array<i32>} : memref<128x64xf32, #tpu.memory_space<vmem>>, vector<1x16xf32>,
            %get3A_970 = vector.shape_cast %get3A_969 : vector<1x16xf32> to vector<16xf32>
            %add3A_971 = arith.addf %add3A_966, %get3A_970 : vector<16xf32>
            %swap3A_972 = arith.constant 0 : i32
            %swap3A_973 = arith.constant 0 : i32
            %swap3A_974 = tpu.memref_slice %run_scoped3A_15[%rem3A_538, %swap3A_972, %swap3A_973] : memref<2x64x128xf32, #tpu.memory_space<vmem>> -> memref<1x64x128xf32, #tpu.memory_space<vmem>>
            %swap3A_975 = tpu.memref_squeeze %swap3A_974 : memref<1x64x128xf32, #tpu.memory_space<vmem>> -> memref<64x128xf32, #tpu.memory_space<vmem>>
            %swap3A_976 = arith.index_cast %add3A_884 : i32 to index
            %swap3A_977 = arith.constant 48 : index
            %swap3A_978 = tpu.vector_load %swap3A_975[%swap3A_976, %swap3A_977] {strides = array<i32>} : memref<64x128xf32, #tpu.memory_space<vmem>>, vector<1x16xf32>,
            %swap3A_979 = vector.shape_cast %swap3A_978 : vector<1x16xf32> to vector<16xf32>
            %swap3A_980 = vector.shape_cast %add3A_971 : vector<16xf32> to vector<1x16xf32>
            tpu.vector_store %swap3A_975[%swap3A_976, %swap3A_977], %swap3A_980 {strides = array<i32>} : memref<64x128xf32, #tpu.memory_space<vmem>>, vector<1x16xf32>,
            %mul3A_981 = arith.constant 2 : i32
            %mul3A_982 = arith.muli %mul3A_981, %add3A_884 : i32
            %add3A_983 = arith.constant 1 : i32
            %add3A_984 = arith.addi %mul3A_982, %add3A_983 : i32
            %get3A_985 = arith.index_cast %add3A_984 : i32 to index
            %get3A_986 = arith.constant 0 : index
            %get3A_987 = tpu.vector_load %arg15[%get3A_985, %get3A_986] {strides = array<i32>} : memref<128x64xf32, #tpu.memory_space<vmem>>, vector<1x16xf32>,
            %get3A_988 = vector.shape_cast %get3A_987 : vector<1x16xf32> to vector<16xf32>
            %get3A_989 = arith.index_cast %add3A_984 : i32 to index
            %get3A_990 = arith.constant 0 : index
            %get3A_991 = tpu.vector_load %arg16[%get3A_989, %get3A_990] {strides = array<i32>} : memref<128x64xf32, #tpu.memory_space<vmem>>, vector<1x16xf32>,
            %get3A_992 = vector.shape_cast %get3A_991 : vector<1x16xf32> to vector<16xf32>
            %add3A_993 = arith.addf %get3A_988, %get3A_992 : vector<16xf32>
            %get3A_994 = arith.index_cast %add3A_984 : i32 to index
            %get3A_995 = arith.constant 0 : index
            %get3A_996 = tpu.vector_load %arg17[%get3A_994, %get3A_995] {strides = array<i32>} : memref<128x64xf32, #tpu.memory_space<vmem>>, vector<1x16xf32>,
            %get3A_997 = vector.shape_cast %get3A_996 : vector<1x16xf32> to vector<16xf32>
            %add3A_998 = arith.addf %add3A_993, %get3A_997 : vector<16xf32>
            %swap3A_999 = arith.constant 0 : i32
            %swap3A_1000 = arith.constant 0 : i32
            %swap3A_1001 = tpu.memref_slice %run_scoped3A_15[%rem3A_538, %swap3A_999, %swap3A_1000] : memref<2x64x128xf32, #tpu.memory_space<vmem>> -> memref<1x64x128xf32, #tpu.memory_space<vmem>>
            %swap3A_1002 = tpu.memref_squeeze %swap3A_1001 : memref<1x64x128xf32, #tpu.memory_space<vmem>> -> memref<64x128xf32, #tpu.memory_space<vmem>>
            %swap3A_1003 = arith.index_cast %add3A_884 : i32 to index
            %swap3A_1004 = arith.constant 64 : index
            %swap3A_1005 = tpu.vector_load %swap3A_1002[%swap3A_1003, %swap3A_1004] {strides = array<i32>} : memref<64x128xf32, #tpu.memory_space<vmem>>, vector<1x16xf32>,
            %swap3A_1006 = vector.shape_cast %swap3A_1005 : vector<1x16xf32> to vector<16xf32>
            %swap3A_1007 = vector.shape_cast %add3A_998 : vector<16xf32> to vector<1x16xf32>
            tpu.vector_store %swap3A_1002[%swap3A_1003, %swap3A_1004], %swap3A_1007 {strides = array<i32>} : memref<64x128xf32, #tpu.memory_space<vmem>>, vector<1x16xf32>,
            %get3A_1008 = arith.index_cast %add3A_984 : i32 to index
            %get3A_1009 = arith.constant 16 : index
            %get3A_1010 = tpu.vector_load %arg15[%get3A_1008, %get3A_1009] {strides = array<i32>} : memref<128x64xf32, #tpu.memory_space<vmem>>, vector<1x16xf32>,
            %get3A_1011 = vector.shape_cast %get3A_1010 : vector<1x16xf32> to vector<16xf32>
            %get3A_1012 = arith.index_cast %add3A_984 : i32 to index
            %get3A_1013 = arith.constant 16 : index
            %get3A_1014 = tpu.vector_load %arg16[%get3A_1012, %get3A_1013] {strides = array<i32>} : memref<128x64xf32, #tpu.memory_space<vmem>>, vector<1x16xf32>,
            %get3A_1015 = vector.shape_cast %get3A_1014 : vector<1x16xf32> to vector<16xf32>
            %add3A_1016 = arith.addf %get3A_1011, %get3A_1015 : vector<16xf32>
            %get3A_1017 = arith.index_cast %add3A_984 : i32 to index
            %get3A_1018 = arith.constant 16 : index
            %get3A_1019 = tpu.vector_load %arg17[%get3A_1017, %get3A_1018] {strides = array<i32>} : memref<128x64xf32, #tpu.memory_space<vmem>>, vector<1x16xf32>,
            %get3A_1020 = vector.shape_cast %get3A_1019 : vector<1x16xf32> to vector<16xf32>
            %add3A_1021 = arith.addf %add3A_1016, %get3A_1020 : vector<16xf32>
            %swap3A_1022 = arith.constant 0 : i32
            %swap3A_1023 = arith.constant 0 : i32
            %swap3A_1024 = tpu.memref_slice %run_scoped3A_15[%rem3A_538, %swap3A_1022, %swap3A_1023] : memref<2x64x128xf32, #tpu.memory_space<vmem>> -> memref<1x64x128xf32, #tpu.memory_space<vmem>>
            %swap3A_1025 = tpu.memref_squeeze %swap3A_1024 : memref<1x64x128xf32, #tpu.memory_space<vmem>> -> memref<64x128xf32, #tpu.memory_space<vmem>>
            %swap3A_1026 = arith.index_cast %add3A_884 : i32 to index
            %swap3A_1027 = arith.constant 80 : index
            %swap3A_1028 = tpu.vector_load %swap3A_1025[%swap3A_1026, %swap3A_1027] {strides = array<i32>} : memref<64x128xf32, #tpu.memory_space<vmem>>, vector<1x16xf32>,
            %swap3A_1029 = vector.shape_cast %swap3A_1028 : vector<1x16xf32> to vector<16xf32>
            %swap3A_1030 = vector.shape_cast %add3A_1021 : vector<16xf32> to vector<1x16xf32>
            tpu.vector_store %swap3A_1025[%swap3A_1026, %swap3A_1027], %swap3A_1030 {strides = array<i32>} : memref<64x128xf32, #tpu.memory_space<vmem>>, vector<1x16xf32>,
            %get3A_1031 = arith.index_cast %add3A_984 : i32 to index
            %get3A_1032 = arith.constant 32 : index
            %get3A_1033 = tpu.vector_load %arg15[%get3A_1031, %get3A_1032] {strides = array<i32>} : memref<128x64xf32, #tpu.memory_space<vmem>>, vector<1x16xf32>,
            %get3A_1034 = vector.shape_cast %get3A_1033 : vector<1x16xf32> to vector<16xf32>
            %get3A_1035 = arith.index_cast %add3A_984 : i32 to index
            %get3A_1036 = arith.constant 32 : index
            %get3A_1037 = tpu.vector_load %arg16[%get3A_1035, %get3A_1036] {strides = array<i32>} : memref<128x64xf32, #tpu.memory_space<vmem>>, vector<1x16xf32>,
            %get3A_1038 = vector.shape_cast %get3A_1037 : vector<1x16xf32> to vector<16xf32>
            %add3A_1039 = arith.addf %get3A_1034, %get3A_1038 : vector<16xf32>
            %get3A_1040 = arith.index_cast %add3A_984 : i32 to index
            %get3A_1041 = arith.constant 32 : index
            %get3A_1042 = tpu.vector_load %arg17[%get3A_1040, %get3A_1041] {strides = array<i32>} : memref<128x64xf32, #tpu.memory_space<vmem>>, vector<1x16xf32>,
            %get3A_1043 = vector.shape_cast %get3A_1042 : vector<1x16xf32> to vector<16xf32>
            %add3A_1044 = arith.addf %add3A_1039, %get3A_1043 : vector<16xf32>
            %swap3A_1045 = arith.constant 0 : i32
            %swap3A_1046 = arith.constant 0 : i32
            %swap3A_1047 = tpu.memref_slice %run_scoped3A_15[%rem3A_538, %swap3A_1045, %swap3A_1046] : memref<2x64x128xf32, #tpu.memory_space<vmem>> -> memref<1x64x128xf32, #tpu.memory_space<vmem>>
            %swap3A_1048 = tpu.memref_squeeze %swap3A_1047 : memref<1x64x128xf32, #tpu.memory_space<vmem>> -> memref<64x128xf32, #tpu.memory_space<vmem>>
            %swap3A_1049 = arith.index_cast %add3A_884 : i32 to index
            %swap3A_1050 = arith.constant 96 : index
            %swap3A_1051 = tpu.vector_load %swap3A_1048[%swap3A_1049, %swap3A_1050] {strides = array<i32>} : memref<64x128xf32, #tpu.memory_space<vmem>>, vector<1x16xf32>,
            %swap3A_1052 = vector.shape_cast %swap3A_1051 : vector<1x16xf32> to vector<16xf32>
            %swap3A_1053 = vector.shape_cast %add3A_1044 : vector<16xf32> to vector<1x16xf32>
            tpu.vector_store %swap3A_1048[%swap3A_1049, %swap3A_1050], %swap3A_1053 {strides = array<i32>} : memref<64x128xf32, #tpu.memory_space<vmem>>, vector<1x16xf32>,
            %get3A_1054 = arith.index_cast %add3A_984 : i32 to index
            %get3A_1055 = arith.constant 48 : index
            %get3A_1056 = tpu.vector_load %arg15[%get3A_1054, %get3A_1055] {strides = array<i32>} : memref<128x64xf32, #tpu.memory_space<vmem>>, vector<1x16xf32>,
            %get3A_1057 = vector.shape_cast %get3A_1056 : vector<1x16xf32> to vector<16xf32>
            %get3A_1058 = arith.index_cast %add3A_984 : i32 to index
            %get3A_1059 = arith.constant 48 : index
            %get3A_1060 = tpu.vector_load %arg16[%get3A_1058, %get3A_1059] {strides = array<i32>} : memref<128x64xf32, #tpu.memory_space<vmem>>, vector<1x16xf32>,
            %get3A_1061 = vector.shape_cast %get3A_1060 : vector<1x16xf32> to vector<16xf32>
            %add3A_1062 = arith.addf %get3A_1057, %get3A_1061 : vector<16xf32>
            %get3A_1063 = arith.index_cast %add3A_984 : i32 to index
            %get3A_1064 = arith.constant 48 : index
            %get3A_1065 = tpu.vector_load %arg17[%get3A_1063, %get3A_1064] {strides = array<i32>} : memref<128x64xf32, #tpu.memory_space<vmem>>, vector<1x16xf32>,
            %get3A_1066 = vector.shape_cast %get3A_1065 : vector<1x16xf32> to vector<16xf32>
            %add3A_1067 = arith.addf %add3A_1062, %get3A_1066 : vector<16xf32>
            %swap3A_1068 = arith.constant 0 : i32
            %swap3A_1069 = arith.constant 0 : i32
            %swap3A_1070 = tpu.memref_slice %run_scoped3A_15[%rem3A_538, %swap3A_1068, %swap3A_1069] : memref<2x64x128xf32, #tpu.memory_space<vmem>> -> memref<1x64x128xf32, #tpu.memory_space<vmem>>
            %swap3A_1071 = tpu.memref_squeeze %swap3A_1070 : memref<1x64x128xf32, #tpu.memory_space<vmem>> -> memref<64x128xf32, #tpu.memory_space<vmem>>
            %swap3A_1072 = arith.index_cast %add3A_884 : i32 to index
            %swap3A_1073 = arith.constant 112 : index
            %swap3A_1074 = tpu.vector_load %swap3A_1071[%swap3A_1072, %swap3A_1073] {strides = array<i32>} : memref<64x128xf32, #tpu.memory_space<vmem>>, vector<1x16xf32>,
            %swap3A_1075 = vector.shape_cast %swap3A_1074 : vector<1x16xf32> to vector<16xf32>
            %swap3A_1076 = vector.shape_cast %add3A_1067 : vector<16xf32> to vector<1x16xf32>
            tpu.vector_store %swap3A_1071[%swap3A_1072, %swap3A_1073], %swap3A_1076 {strides = array<i32>} : memref<64x128xf32, #tpu.memory_space<vmem>>, vector<1x16xf32>,
          }
          %scan3A_879 = arith.constant 64 : i32
        } else {
        }
        %add3A_589 = arith.constant 1 : i32
        %add3A_590 = arith.addi %get3A_540, %add3A_589 : i32
        %swap3A_591 = arith.constant 0 : i32
        %swap3A_592 = arith.index_cast %swap3A_591 : i32 to index
        %swap3A_593 = memref.load %arg27[%swap3A_592] : memref<1xi32, #tpu.memory_space<smem>>
        memref.store %add3A_590, %arg27[%swap3A_592] : memref<1xi32, #tpu.memory_space<smem>>
        "tpu.trace_stop"() : () -> ()
        %mul3A_594 = arith.constant 200 : i32
        %mul3A_595 = arith.muli %add3A_290, %mul3A_594 : i32
        %min3A_596 = arith.constant 199 : i32
        %min3A_597 = arith.minsi %add3A_292, %min3A_596 : i32
        %add3A_598 = arith.addi %mul3A_595, %min3A_597 : i32
        %mul3A_599 = arith.constant 200 : i32
        %mul3A_600 = arith.muli %add3A_328, %mul3A_599 : i32
        %min3A_601 = arith.constant 199 : i32
        %min3A_602 = arith.minsi %add3A_330, %min3A_601 : i32
        %add3A_603 = arith.addi %mul3A_600, %min3A_602 : i32
        %ne3A_604 = arith.cmpi ne, %add3A_598, %add3A_603 : i32
        %or3A_605 = arith.constant false
        %or3A_606 = arith.ori %or3A_605, %ne3A_604 : i1
        %or3A_607 = arith.constant false
        %or3A_608 = arith.ori %or3A_606, %or3A_607 : i1
        %or3A_609 = arith.ori %or3A_608, %eq3A_288 : i1
        %convert_element_type3A_610 = arith.extui %or3A_609 : i1 to i32
        %cond3A_611 = arith.constant 0 : i32
        %cond3A_612 = arith.cmpi ne, %convert_element_type3A_610, %cond3A_611 : i32
        scf.if %cond3A_612 {
        } else {
        }
        %and3A_613 = arith.constant false
        %and3A_614 = arith.andi %or3A_609, %and3A_613 : i1
        %mul3A_615 = arith.constant 200 : i32
        %mul3A_616 = arith.muli %add3A_290, %mul3A_615 : i32
        %min3A_617 = arith.constant 199 : i32
        %min3A_618 = arith.minsi %add3A_292, %min3A_617 : i32
        %add3A_619 = arith.addi %mul3A_616, %min3A_618 : i32
        %mul3A_620 = arith.constant 200 : i32
        %mul3A_621 = arith.muli %add3A_328, %mul3A_620 : i32
        %min3A_622 = arith.constant 199 : i32
        %min3A_623 = arith.minsi %add3A_330, %min3A_622 : i32
        %add3A_624 = arith.addi %mul3A_621, %min3A_623 : i32
        %ne3A_625 = arith.cmpi ne, %add3A_619, %add3A_624 : i32
        %or3A_626 = arith.constant false
        %or3A_627 = arith.ori %or3A_626, %ne3A_625 : i1
        %or3A_628 = arith.constant false
        %or3A_629 = arith.ori %or3A_627, %or3A_628 : i1
        %or3A_630 = arith.ori %or3A_629, %eq3A_288 : i1
        %convert_element_type3A_631 = arith.extui %or3A_630 : i1 to i32
        %cond3A_632 = arith.constant 0 : i32
        %cond3A_633 = arith.cmpi ne, %convert_element_type3A_631, %cond3A_632 : i32
        scf.if %cond3A_633 {
        } else {
        }
        %and3A_634 = arith.constant false
        %and3A_635 = arith.andi %or3A_630, %and3A_634 : i1
        %mul3A_636 = arith.constant 200 : i32
        %mul3A_637 = arith.muli %add3A_290, %mul3A_636 : i32
        %min3A_638 = arith.constant 199 : i32
        %min3A_639 = arith.minsi %add3A_292, %min3A_638 : i32
        %add3A_640 = arith.addi %mul3A_637, %min3A_639 : i32
        %mul3A_641 = arith.constant 200 : i32
        %mul3A_642 = arith.muli %add3A_328, %mul3A_641 : i32
        %min3A_643 = arith.constant 199 : i32
        %min3A_644 = arith.minsi %add3A_330, %min3A_643 : i32
        %add3A_645 = arith.addi %mul3A_642, %min3A_644 : i32
        %ne3A_646 = arith.cmpi ne, %add3A_640, %add3A_645 : i32
        %or3A_647 = arith.constant false
        %or3A_648 = arith.ori %or3A_647, %ne3A_646 : i1
        %or3A_649 = arith.constant false
        %or3A_650 = arith.ori %or3A_648, %or3A_649 : i1
        %or3A_651 = arith.ori %or3A_650, %eq3A_288 : i1
        %convert_element_type3A_652 = arith.extui %or3A_651 : i1 to i32
        %cond3A_653 = arith.constant 0 : i32
        %cond3A_654 = arith.cmpi ne, %convert_element_type3A_652, %cond3A_653 : i32
        scf.if %cond3A_654 {
        } else {
        }
        %and3A_655 = arith.constant false
        %and3A_656 = arith.andi %or3A_651, %and3A_655 : i1
        %mul3A_657 = arith.constant 200 : i32
        %mul3A_658 = arith.muli %add3A_290, %mul3A_657 : i32
        %sub3A_659 = arith.constant 2 : i32
        %sub3A_660 = arith.subi %add3A_292, %sub3A_659 : i32
        %max3A_661 = arith.constant 0 : i32
        %max3A_662 = arith.maxsi %sub3A_660, %max3A_661 : i32
        %add3A_663 = arith.addi %mul3A_658, %max3A_662 : i32
        %mul3A_664 = arith.constant 200 : i32
        %mul3A_665 = arith.muli %add3A_328, %mul3A_664 : i32
        %sub3A_666 = arith.constant 2 : i32
        %sub3A_667 = arith.subi %add3A_330, %sub3A_666 : i32
        %max3A_668 = arith.constant 0 : i32
        %max3A_669 = arith.maxsi %sub3A_667, %max3A_668 : i32
        %add3A_670 = arith.addi %mul3A_665, %max3A_669 : i32
        %ne3A_671 = arith.cmpi ne, %add3A_663, %add3A_670 : i32
        %or3A_672 = arith.constant false
        %or3A_673 = arith.ori %or3A_672, %ne3A_671 : i1
        %or3A_674 = arith.constant false
        %or3A_675 = arith.ori %or3A_673, %or3A_674 : i1
        %or3A_676 = arith.ori %or3A_675, %eq3A_288 : i1
        %convert_element_type3A_677 = arith.extui %or3A_676 : i1 to i32
        %cond3A_678 = arith.constant 0 : i32
        %cond3A_679 = arith.cmpi ne, %convert_element_type3A_677, %cond3A_678 : i32
        scf.if %cond3A_679 {
          "tpu.trace_start"() <{level = 10 : i32, message = "ep_copy_out"}> : () -> ()
          %rem3A_857 = arith.constant 2 : i32
          %rem3A_858 = arith.remui %scan3A_281, %rem3A_857 : i32
          %mul3A_859 = arith.constant 200 : i32
          %mul3A_860 = arith.muli %add3A_290, %mul3A_859 : i32
          %sub3A_861 = arith.constant 2 : i32
          %sub3A_862 = arith.subi %add3A_292, %sub3A_861 : i32
          %max3A_863 = arith.constant 0 : i32
          %max3A_864 = arith.maxsi %sub3A_862, %max3A_863 : i32
          %add3A_865 = arith.addi %mul3A_860, %max3A_864 : i32
          %mul3A_866 = arith.constant 64 : i32
          %mul3A_867 = arith.muli %mul3A_866, %add3A_865 : i32
          %dma_start3A_868 = arith.constant 0 : i32
          %dma_start3A_869 = arith.constant 0 : i32
          %dma_start3A_870 = tpu.memref_slice %run_scoped3A_15[%rem3A_858, %dma_start3A_868, %dma_start3A_869] : memref<2x64x128xf32, #tpu.memory_space<vmem>> -> memref<1x64x128xf32, #tpu.memory_space<vmem>>
          %dma_start3A_871 = tpu.memref_squeeze %dma_start3A_870 : memref<1x64x128xf32, #tpu.memory_space<vmem>> -> memref<64x128xf32, #tpu.memory_space<vmem>>
          %dma_start3A_872 = arith.constant 0 : i32
          %dma_start3A_873 = tpu.memref_slice %arg8[%mul3A_867, %dma_start3A_872] : memref<409600x128xf32, #tpu.memory_space<hbm>> -> memref<64x128xf32, #tpu.memory_space<hbm>>
          %dma_start3A_874 = tpu.memref_slice %run_scoped3A_16[%rem3A_858] : memref<2x!tpu.dma_semaphore, #tpu.memory_space<semaphore_mem>> -> memref<1x!tpu.dma_semaphore, #tpu.memory_space<semaphore_mem>>
          %dma_start3A_875 = tpu.memref_squeeze %dma_start3A_874 : memref<1x!tpu.dma_semaphore, #tpu.memory_space<semaphore_mem>> -> memref<!tpu.dma_semaphore, #tpu.memory_space<semaphore_mem>>
          %dma_start3A_876 = arith.constant 0 : i32
          %dma_start3A_877 = tpu.memref_slice %arg8[%mul3A_867, %dma_start3A_876] : memref<409600x128xf32, #tpu.memory_space<hbm>> -> memref<64x128xf32, #tpu.memory_space<hbm>>
          %dma_start3A_878 = arith.constant 0 : i32
          %dma_start3A_879 = arith.constant 0 : i32
          %dma_start3A_880 = tpu.memref_slice %run_scoped3A_15[%rem3A_858, %dma_start3A_878, %dma_start3A_879] : memref<2x64x128xf32, #tpu.memory_space<vmem>> -> memref<1x64x128xf32, #tpu.memory_space<vmem>>
          %dma_start3A_881 = tpu.memref_squeeze %dma_start3A_880 : memref<1x64x128xf32, #tpu.memory_space<vmem>> -> memref<64x128xf32, #tpu.memory_space<vmem>>
          tpu.enqueue_dma source(%dma_start3A_881 : memref<64x128xf32, #tpu.memory_space<vmem>>) target(%dma_start3A_877 : memref<64x128xf32, #tpu.memory_space<hbm>>) target_semaphore(%dma_start3A_875 : memref<!tpu.dma_semaphore, #tpu.memory_space<semaphore_mem>>)
          "tpu.trace_stop"() : () -> ()
        } else {
        }
        %and3A_680 = arith.constant true
        %and3A_681 = arith.andi %or3A_676, %and3A_680 : i1
        %add3A_682 = arith.constant 1 : i32
        %add3A_683 = arith.addi %scan3A_281, %add3A_682 : i32
        %select_n3A_684 = arith.select %and3A_681, %add3A_683, %scan3A_281 : i32
        %mul3A_685 = arith.constant 200 : i32
        %mul3A_686 = arith.muli %add3A_290, %mul3A_685 : i32
        %min3A_687 = arith.constant 199 : i32
        %min3A_688 = arith.minsi %add3A_292, %min3A_687 : i32
        %add3A_689 = arith.addi %mul3A_686, %min3A_688 : i32
        %mul3A_690 = arith.constant 200 : i32
        %mul3A_691 = arith.muli %add3A_309, %mul3A_690 : i32
        %min3A_692 = arith.constant 199 : i32
        %min3A_693 = arith.minsi %add3A_311, %min3A_692 : i32
        %add3A_694 = arith.addi %mul3A_691, %min3A_693 : i32
        %ne3A_695 = arith.cmpi ne, %add3A_689, %add3A_694 : i32
        %or3A_696 = arith.constant false
        %or3A_697 = arith.ori %or3A_696, %ne3A_695 : i1
        %or3A_698 = arith.constant false
        %or3A_699 = arith.ori %or3A_697, %or3A_698 : i1
        %not3A_700 = arith.constant true
        %not3A_701 = arith.xori %eq3A_286, %not3A_700 : i1
        %and3A_702 = arith.andi %or3A_699, %not3A_701 : i1
        %convert_element_type3A_703 = arith.extui %and3A_702 : i1 to i32
        %cond3A_704 = arith.constant 0 : i32
        %cond3A_705 = arith.cmpi ne, %convert_element_type3A_703, %cond3A_704 : i32
        scf.if %cond3A_705 {
        } else {
        }
        %and3A_706 = arith.constant false
        %and3A_707 = arith.andi %and3A_702, %and3A_706 : i1
        %mul3A_708 = arith.constant 200 : i32
        %mul3A_709 = arith.muli %add3A_290, %mul3A_708 : i32
        %min3A_710 = arith.constant 199 : i32
        %min3A_711 = arith.minsi %add3A_292, %min3A_710 : i32
        %add3A_712 = arith.addi %mul3A_709, %min3A_711 : i32
        %mul3A_713 = arith.constant 200 : i32
        %mul3A_714 = arith.muli %add3A_309, %mul3A_713 : i32
        %min3A_715 = arith.constant 199 : i32
        %min3A_716 = arith.minsi %add3A_311, %min3A_715 : i32
        %add3A_717 = arith.addi %mul3A_714, %min3A_716 : i32
        %ne3A_718 = arith.cmpi ne, %add3A_712, %add3A_717 : i32
        %or3A_719 = arith.constant false
        %or3A_720 = arith.ori %or3A_719, %ne3A_718 : i1
        %or3A_721 = arith.constant false
        %or3A_722 = arith.ori %or3A_720, %or3A_721 : i1
        %not3A_723 = arith.constant true
        %not3A_724 = arith.xori %eq3A_286, %not3A_723 : i1
        %and3A_725 = arith.andi %or3A_722, %not3A_724 : i1
        %convert_element_type3A_726 = arith.extui %and3A_725 : i1 to i32
        %cond3A_727 = arith.constant 0 : i32
        %cond3A_728 = arith.cmpi ne, %convert_element_type3A_726, %cond3A_727 : i32
        scf.if %cond3A_728 {
        } else {
        }
        %and3A_729 = arith.constant false
        %and3A_730 = arith.andi %and3A_725, %and3A_729 : i1
        %mul3A_731 = arith.constant 200 : i32
        %mul3A_732 = arith.muli %add3A_290, %mul3A_731 : i32
        %min3A_733 = arith.constant 199 : i32
        %min3A_734 = arith.minsi %add3A_292, %min3A_733 : i32
        %add3A_735 = arith.addi %mul3A_732, %min3A_734 : i32
        %mul3A_736 = arith.constant 200 : i32
        %mul3A_737 = arith.muli %add3A_309, %mul3A_736 : i32
        %min3A_738 = arith.constant 199 : i32
        %min3A_739 = arith.minsi %add3A_311, %min3A_738 : i32
        %add3A_740 = arith.addi %mul3A_737, %min3A_739 : i32
        %ne3A_741 = arith.cmpi ne, %add3A_735, %add3A_740 : i32
        %or3A_742 = arith.constant false
        %or3A_743 = arith.ori %or3A_742, %ne3A_741 : i1
        %or3A_744 = arith.constant false
        %or3A_745 = arith.ori %or3A_743, %or3A_744 : i1
        %not3A_746 = arith.constant true
        %not3A_747 = arith.xori %eq3A_286, %not3A_746 : i1
        %and3A_748 = arith.andi %or3A_745, %not3A_747 : i1
        %convert_element_type3A_749 = arith.extui %and3A_748 : i1 to i32
        %cond3A_750 = arith.constant 0 : i32
        %cond3A_751 = arith.cmpi ne, %convert_element_type3A_749, %cond3A_750 : i32
        scf.if %cond3A_751 {
        } else {
        }
        %and3A_752 = arith.constant false
        %and3A_753 = arith.andi %and3A_748, %and3A_752 : i1
        %mul3A_754 = arith.constant 200 : i32
        %mul3A_755 = arith.muli %add3A_290, %mul3A_754 : i32
        %sub3A_756 = arith.constant 2 : i32
        %sub3A_757 = arith.subi %add3A_292, %sub3A_756 : i32
        %max3A_758 = arith.constant 0 : i32
        %max3A_759 = arith.maxsi %sub3A_757, %max3A_758 : i32
        %add3A_760 = arith.addi %mul3A_755, %max3A_759 : i32
        %mul3A_761 = arith.constant 200 : i32
        %mul3A_762 = arith.muli %add3A_309, %mul3A_761 : i32
        %sub3A_763 = arith.constant 2 : i32
        %sub3A_764 = arith.subi %add3A_311, %sub3A_763 : i32
        %max3A_765 = arith.constant 0 : i32
        %max3A_766 = arith.maxsi %sub3A_764, %max3A_765 : i32
        %add3A_767 = arith.addi %mul3A_762, %max3A_766 : i32
        %ne3A_768 = arith.cmpi ne, %add3A_760, %add3A_767 : i32
        %or3A_769 = arith.constant false
        %or3A_770 = arith.ori %or3A_769, %ne3A_768 : i1
        %or3A_771 = arith.constant false
        %or3A_772 = arith.ori %or3A_770, %or3A_771 : i1
        %not3A_773 = arith.constant true
        %not3A_774 = arith.xori %eq3A_286, %not3A_773 : i1
        %and3A_775 = arith.andi %or3A_772, %not3A_774 : i1
        %convert_element_type3A_776 = arith.extui %and3A_775 : i1 to i32
        %cond3A_777 = arith.constant 0 : i32
        %cond3A_778 = arith.cmpi ne, %convert_element_type3A_776, %cond3A_777 : i32
        scf.if %cond3A_778 {
          "tpu.trace_start"() <{level = 10 : i32, message = "ep_wait_out"}> : () -> ()
          %rem3A_857 = arith.constant 2 : i32
          %rem3A_858 = arith.remui %scan3A_282, %rem3A_857 : i32
          %mul3A_859 = arith.constant 200 : i32
          %mul3A_860 = arith.muli %add3A_309, %mul3A_859 : i32
          %sub3A_861 = arith.constant 2 : i32
          %sub3A_862 = arith.subi %add3A_311, %sub3A_861 : i32
          %max3A_863 = arith.constant 0 : i32
          %max3A_864 = arith.maxsi %sub3A_862, %max3A_863 : i32
          %add3A_865 = arith.addi %mul3A_860, %max3A_864 : i32
          %mul3A_866 = arith.constant 64 : i32
          %mul3A_867 = arith.muli %mul3A_866, %add3A_865 : i32
          %dma_wait3A_868 = arith.constant 0 : i32
          %dma_wait3A_869 = arith.constant 0 : i32
          %dma_wait3A_870 = tpu.memref_slice %run_scoped3A_15[%rem3A_858, %dma_wait3A_868, %dma_wait3A_869] : memref<2x64x128xf32, #tpu.memory_space<vmem>> -> memref<1x64x128xf32, #tpu.memory_space<vmem>>
          %dma_wait3A_871 = tpu.memref_squeeze %dma_wait3A_870 : memref<1x64x128xf32, #tpu.memory_space<vmem>> -> memref<64x128xf32, #tpu.memory_space<vmem>>
          %dma_wait3A_872 = arith.constant 0 : i32
          %dma_wait3A_873 = tpu.memref_slice %arg8[%mul3A_867, %dma_wait3A_872] : memref<409600x128xf32, #tpu.memory_space<hbm>> -> memref<64x128xf32, #tpu.memory_space<hbm>>
          %dma_wait3A_874 = tpu.memref_slice %run_scoped3A_16[%rem3A_858] : memref<2x!tpu.dma_semaphore, #tpu.memory_space<semaphore_mem>> -> memref<1x!tpu.dma_semaphore, #tpu.memory_space<semaphore_mem>>
          %dma_wait3A_875 = tpu.memref_squeeze %dma_wait3A_874 : memref<1x!tpu.dma_semaphore, #tpu.memory_space<semaphore_mem>> -> memref<!tpu.dma_semaphore, #tpu.memory_space<semaphore_mem>>
          %dma_wait3A_876 = arith.constant 0 : i32
          %dma_wait3A_877 = tpu.memref_slice %arg8[%mul3A_867, %dma_wait3A_876] : memref<409600x128xf32, #tpu.memory_space<hbm>> -> memref<64x128xf32, #tpu.memory_space<hbm>>
          %dma_wait3A_878 = arith.constant 0 : i32
          %dma_wait3A_879 = arith.constant 0 : i32
          %dma_wait3A_880 = tpu.memref_slice %run_scoped3A_15[%rem3A_858, %dma_wait3A_878, %dma_wait3A_879] : memref<2x64x128xf32, #tpu.memory_space<vmem>> -> memref<1x64x128xf32, #tpu.memory_space<vmem>>
          %dma_wait3A_881 = tpu.memref_squeeze %dma_wait3A_880 : memref<1x64x128xf32, #tpu.memory_space<vmem>> -> memref<64x128xf32, #tpu.memory_space<vmem>>
          tpu.wait_dma2 semaphore(%dma_wait3A_875 : memref<!tpu.dma_semaphore, #tpu.memory_space<semaphore_mem>>) src(%dma_wait3A_881 : memref<64x128xf32, #tpu.memory_space<vmem>>) dst(%dma_wait3A_877 : memref<64x128xf32, #tpu.memory_space<hbm>>)
          "tpu.trace_stop"() : () -> ()
        } else {
        }
        %and3A_779 = arith.constant true
        %and3A_780 = arith.andi %and3A_775, %and3A_779 : i1
        %add3A_781 = arith.constant 1 : i32
        %add3A_782 = arith.addi %scan3A_282, %add3A_781 : i32
        %select_n3A_783 = arith.select %and3A_780, %add3A_782, %scan3A_282 : i32
        %mul3A_784 = arith.constant 200 : i32
        %mul3A_785 = arith.muli %add3A_290, %mul3A_784 : i32
        %min3A_786 = arith.constant 199 : i32
        %min3A_787 = arith.minsi %add3A_292, %min3A_786 : i32
        %add3A_788 = arith.addi %mul3A_785, %min3A_787 : i32
        %mul3A_789 = arith.constant 200 : i32
        %mul3A_790 = arith.muli %add3A_328, %mul3A_789 : i32
        %min3A_791 = arith.constant 199 : i32
        %min3A_792 = arith.minsi %add3A_330, %min3A_791 : i32
        %add3A_793 = arith.addi %mul3A_790, %min3A_792 : i32
        %ne3A_794 = arith.cmpi ne, %add3A_788, %add3A_793 : i32
        %or3A_795 = arith.constant false
        %or3A_796 = arith.ori %or3A_795, %ne3A_794 : i1
        %or3A_797 = arith.constant false
        %or3A_798 = arith.ori %or3A_796, %or3A_797 : i1
        %or3A_799 = arith.ori %or3A_798, %eq3A_288 : i1
        %add3A_800 = arith.constant 1 : i32
        %add3A_801 = arith.addi %scan3A_276, %add3A_800 : i32
        %select_n3A_802 = arith.select %or3A_799, %add3A_801, %scan3A_276 : i32
        %mul3A_803 = arith.constant 200 : i32
        %mul3A_804 = arith.muli %add3A_290, %mul3A_803 : i32
        %min3A_805 = arith.constant 199 : i32
        %min3A_806 = arith.minsi %add3A_292, %min3A_805 : i32
        %add3A_807 = arith.addi %mul3A_804, %min3A_806 : i32
        %mul3A_808 = arith.constant 200 : i32
        %mul3A_809 = arith.muli %add3A_328, %mul3A_808 : i32
        %min3A_810 = arith.constant 199 : i32
        %min3A_811 = arith.minsi %add3A_330, %min3A_810 : i32
        %add3A_812 = arith.addi %mul3A_809, %min3A_811 : i32
        %ne3A_813 = arith.cmpi ne, %add3A_807, %add3A_812 : i32
        %or3A_814 = arith.constant false
        %or3A_815 = arith.ori %or3A_814, %ne3A_813 : i1
        %or3A_816 = arith.constant false
        %or3A_817 = arith.ori %or3A_815, %or3A_816 : i1
        %or3A_818 = arith.ori %or3A_817, %eq3A_288 : i1
        %add3A_819 = arith.constant 1 : i32
        %add3A_820 = arith.addi %scan3A_278, %add3A_819 : i32
        %select_n3A_821 = arith.select %or3A_818, %add3A_820, %scan3A_278 : i32
        %mul3A_822 = arith.constant 200 : i32
        %mul3A_823 = arith.muli %add3A_290, %mul3A_822 : i32
        %min3A_824 = arith.constant 199 : i32
        %min3A_825 = arith.minsi %add3A_292, %min3A_824 : i32
        %add3A_826 = arith.addi %mul3A_823, %min3A_825 : i32
        %mul3A_827 = arith.constant 200 : i32
        %mul3A_828 = arith.muli %add3A_328, %mul3A_827 : i32
        %min3A_829 = arith.constant 199 : i32
        %min3A_830 = arith.minsi %add3A_330, %min3A_829 : i32
        %add3A_831 = arith.addi %mul3A_828, %min3A_830 : i32
        %ne3A_832 = arith.cmpi ne, %add3A_826, %add3A_831 : i32
        %or3A_833 = arith.constant false
        %or3A_834 = arith.ori %or3A_833, %ne3A_832 : i1
        %or3A_835 = arith.constant false
        %or3A_836 = arith.ori %or3A_834, %or3A_835 : i1
        %or3A_837 = arith.ori %or3A_836, %eq3A_288 : i1
        %add3A_838 = arith.constant 1 : i32
        %add3A_839 = arith.addi %scan3A_280, %add3A_838 : i32
        %select_n3A_840 = arith.select %or3A_837, %add3A_839, %scan3A_280 : i32
        %add3A_841 = arith.constant 1 : i32
        %add3A_842 = arith.addi %scan3A_284, %add3A_841 : i32
        %select_n3A_843 = arith.constant true
        %select_n3A_844 = arith.select %select_n3A_843, %add3A_842, %scan3A_284 : i32
        %eq3A_845 = arith.constant 202 : i32
        %eq3A_846 = arith.cmpi eq, %select_n3A_844, %eq3A_845 : i32
        %select_n3A_847 = arith.constant 0 : i32
        %select_n3A_848 = arith.select %eq3A_846, %select_n3A_847, %select_n3A_844 : i32
        %select_n3A_849 = arith.constant 0 : i32
        %select_n3A_850 = arith.constant 1 : i32
        %select_n3A_851 = arith.select %eq3A_846, %select_n3A_850, %select_n3A_849 : i32
        %eq3A_852 = arith.constant 1 : i32
        %eq3A_853 = arith.cmpi eq, %select_n3A_851, %eq3A_852 : i32
        %select_n3A_854 = arith.constant 0 : i32
        %select_n3A_855 = arith.select %eq3A_853, %select_n3A_854, %select_n3A_851 : i32
        %scan3A_856 = arith.constant 0 : i32
        scf.yield %select_n3A_370, %select_n3A_802, %select_n3A_398, %select_n3A_821, %select_n3A_426, %select_n3A_840, %select_n3A_684, %select_n3A_783, %scan3A_856, %select_n3A_848 : i32, i32, i32, i32, i32, i32, i32, i32, i32, i32
      }
      %scan3A_175 = arith.constant 202 : i32
      %sub3A = arith.constant 1 : i32
      %sub3A_176 = arith.subi %scan3A_174#9, %sub3A : i32
      %select_n3A_177 = arith.constant true
      %select_n3A_178 = arith.select %select_n3A_177, %sub3A_176, %scan3A_174#9 : i32
      %eq3A_179 = arith.constant -1 : i32
      %eq3A_180 = arith.cmpi eq, %select_n3A_178, %eq3A_179 : i32
      %select_n3A_181 = arith.constant 201 : i32
      %select_n3A_182 = arith.select %eq3A_180, %select_n3A_181, %select_n3A_178 : i32
      %sub3A_183 = arith.constant 1 : i32
      %sub3A_184 = arith.subi %scan3A_174#8, %sub3A_183 : i32
      %select_n3A_185 = arith.select %eq3A_180, %sub3A_184, %scan3A_174#8 : i32
      %eq3A_186 = arith.constant -1 : i32
      %eq3A_187 = arith.cmpi eq, %select_n3A_185, %eq3A_186 : i32
      %select_n3A_188 = arith.constant 0 : i32
      %select_n3A_189 = arith.select %eq3A_187, %select_n3A_188, %select_n3A_185 : i32
      %add3A_190 = arith.constant 0 : i32
      %add3A_191 = arith.addi %add3A_190, %mul3A_9 : i32
      %add3A_192 = arith.constant 0 : i32
      %add3A_193 = arith.addi %select_n3A_182, %add3A_192 : i32
      %sub3A_194 = arith.constant 1 : i32
      %sub3A_195 = arith.subi %select_n3A_182, %sub3A_194 : i32
      %select_n3A_196 = arith.constant true
      %select_n3A_197 = arith.select %select_n3A_196, %sub3A_195, %select_n3A_182 : i32
      %eq3A_198 = arith.constant -1 : i32
      %eq3A_199 = arith.cmpi eq, %select_n3A_197, %eq3A_198 : i32
      %select_n3A_200 = arith.constant 201 : i32
      %select_n3A_201 = arith.select %eq3A_199, %select_n3A_200, %select_n3A_197 : i32
      %select_n3A_202 = arith.constant 0 : i32
      %select_n3A_203 = arith.constant -1 : i32
      %select_n3A_204 = arith.select %eq3A_199, %select_n3A_203, %select_n3A_202 : i32
      %eq3A_205 = arith.constant -1 : i32
      %eq3A_206 = arith.cmpi eq, %select_n3A_204, %eq3A_205 : i32
      %select_n3A_207 = arith.constant 0 : i32
      %select_n3A_208 = arith.select %eq3A_206, %select_n3A_207, %select_n3A_204 : i32
      %add3A_209 = arith.constant 0 : i32
      %add3A_210 = arith.addi %add3A_209, %mul3A_9 : i32
      %add3A_211 = arith.constant 0 : i32
      %add3A_212 = arith.addi %select_n3A_201, %add3A_211 : i32
      %add3A_213 = arith.constant 1 : i32
      %add3A_214 = arith.addi %select_n3A_182, %add3A_213 : i32
      %select_n3A_215 = arith.constant true
      %select_n3A_216 = arith.select %select_n3A_215, %add3A_214, %select_n3A_182 : i32
      %eq3A_217 = arith.constant 202 : i32
      %eq3A_218 = arith.cmpi eq, %select_n3A_216, %eq3A_217 : i32
      %select_n3A_219 = arith.constant 0 : i32
      %select_n3A_220 = arith.select %eq3A_218, %select_n3A_219, %select_n3A_216 : i32
      %select_n3A_221 = arith.constant 0 : i32
      %select_n3A_222 = arith.constant 1 : i32
      %select_n3A_223 = arith.select %eq3A_218, %select_n3A_222, %select_n3A_221 : i32
      %eq3A_224 = arith.constant 1 : i32
      %eq3A_225 = arith.cmpi eq, %select_n3A_223, %eq3A_224 : i32
      %select_n3A_226 = arith.constant 0 : i32
      %select_n3A_227 = arith.select %eq3A_225, %select_n3A_226, %select_n3A_223 : i32
      %add3A_228 = arith.constant 0 : i32
      %add3A_229 = arith.addi %add3A_228, %mul3A_9 : i32
      %add3A_230 = arith.constant 0 : i32
      %add3A_231 = arith.addi %select_n3A_220, %add3A_230 : i32
      %add3A_232 = arith.constant 1 : i32
      %add3A_233 = arith.addi %select_n3A_220, %add3A_232 : i32
      %select_n3A_234 = arith.constant true
      %select_n3A_235 = arith.select %select_n3A_234, %add3A_233, %select_n3A_220 : i32
      %eq3A_236 = arith.constant 202 : i32
      %eq3A_237 = arith.cmpi eq, %select_n3A_235, %eq3A_236 : i32
      %select_n3A_238 = arith.constant 0 : i32
      %select_n3A_239 = arith.select %eq3A_237, %select_n3A_238, %select_n3A_235 : i32
      %select_n3A_240 = arith.constant 0 : i32
      %select_n3A_241 = arith.constant 1 : i32
      %select_n3A_242 = arith.select %eq3A_237, %select_n3A_241, %select_n3A_240 : i32
      %eq3A_243 = arith.constant 1 : i32
      %eq3A_244 = arith.cmpi eq, %select_n3A_242, %eq3A_243 : i32
      %select_n3A_245 = arith.constant 0 : i32
      %select_n3A_246 = arith.select %eq3A_244, %select_n3A_245, %select_n3A_242 : i32
      %add3A_247 = arith.constant 0 : i32
      %add3A_248 = arith.addi %add3A_247, %mul3A_9 : i32
      %add3A_249 = arith.constant 0 : i32
      %add3A_250 = arith.addi %select_n3A_239, %add3A_249 : i32
      "tpu.trace_start"() <{level = 10 : i32, message = "ep_finalize"}> : () -> ()
      %rem3A_251 = arith.constant 2 : i32
      %rem3A_252 = arith.remui %scan3A_174#7, %rem3A_251 : i32
      %mul3A_253 = arith.constant 200 : i32
      %mul3A_254 = arith.muli %add3A_191, %mul3A_253 : i32
      %sub3A_255 = arith.constant 2 : i32
      %sub3A_256 = arith.subi %add3A_193, %sub3A_255 : i32
      %max3A = arith.constant 0 : i32
      %max3A_257 = arith.maxsi %sub3A_256, %max3A : i32
      %add3A_258 = arith.addi %mul3A_254, %max3A_257 : i32
      %mul3A_259 = arith.constant 64 : i32
      %mul3A_260 = arith.muli %mul3A_259, %add3A_258 : i32
      %dma_wait3A = arith.constant 0 : i32
      %dma_wait3A_261 = arith.constant 0 : i32
      %dma_wait3A_262 = tpu.memref_slice %run_scoped3A_15[%rem3A_252, %dma_wait3A, %dma_wait3A_261] : memref<2x64x128xf32, #tpu.memory_space<vmem>> -> memref<1x64x128xf32, #tpu.memory_space<vmem>>
      %dma_wait3A_263 = tpu.memref_squeeze %dma_wait3A_262 : memref<1x64x128xf32, #tpu.memory_space<vmem>> -> memref<64x128xf32, #tpu.memory_space<vmem>>
      %dma_wait3A_264 = arith.constant 0 : i32
      %dma_wait3A_265 = tpu.memref_slice %arg8[%mul3A_260, %dma_wait3A_264] : memref<409600x128xf32, #tpu.memory_space<hbm>> -> memref<64x128xf32, #tpu.memory_space<hbm>>
      %dma_wait3A_266 = tpu.memref_slice %run_scoped3A_16[%rem3A_252] : memref<2x!tpu.dma_semaphore, #tpu.memory_space<semaphore_mem>> -> memref<1x!tpu.dma_semaphore, #tpu.memory_space<semaphore_mem>>
      %dma_wait3A_267 = tpu.memref_squeeze %dma_wait3A_266 : memref<1x!tpu.dma_semaphore, #tpu.memory_space<semaphore_mem>> -> memref<!tpu.dma_semaphore, #tpu.memory_space<semaphore_mem>>
      %dma_wait3A_268 = arith.constant 0 : i32
      %dma_wait3A_269 = tpu.memref_slice %arg8[%mul3A_260, %dma_wait3A_268] : memref<409600x128xf32, #tpu.memory_space<hbm>> -> memref<64x128xf32, #tpu.memory_space<hbm>>
      %dma_wait3A_270 = arith.constant 0 : i32
      %dma_wait3A_271 = arith.constant 0 : i32
      %dma_wait3A_272 = tpu.memref_slice %run_scoped3A_15[%rem3A_252, %dma_wait3A_270, %dma_wait3A_271] : memref<2x64x128xf32, #tpu.memory_space<vmem>> -> memref<1x64x128xf32, #tpu.memory_space<vmem>>
      %dma_wait3A_273 = tpu.memref_squeeze %dma_wait3A_272 : memref<1x64x128xf32, #tpu.memory_space<vmem>> -> memref<64x128xf32, #tpu.memory_space<vmem>>
      tpu.wait_dma2 semaphore(%dma_wait3A_267 : memref<!tpu.dma_semaphore, #tpu.memory_space<semaphore_mem>>) src(%dma_wait3A_273 : memref<64x128xf32, #tpu.memory_space<vmem>>) dst(%dma_wait3A_269 : memref<64x128xf32, #tpu.memory_space<hbm>>)
      "tpu.trace_stop"() : () -> ()
      tpu.yield
    }) : () -> ()
    return
  }
}

module attributes {stable_mosaic.version = 14 : i64} {
  func.func @_mod_body(%arg0: i32, %arg1: memref<512x200xi32, #tpu.memory_space<vmem>>, %arg2: memref<512x1xi32, #tpu.memory_space<vmem>>, %arg3: memref<512x200xi32, #tpu.memory_space<vmem>>, %arg4: memref<512x200xi32, #tpu.memory_space<vmem>>, %arg5: memref<512x200xi32, #tpu.memory_space<vmem>>) attributes {dimension_semantics = [#tpu.dimension_semantics<arbitrary>], iteration_bounds = array<i64: 8>, scalar_prefetch = 0 : i64, scratch_operands = 0 : i64, tpu.core_type = #tpu.core_type<tc>, window_params = [{transform_indices = @transform_0, window_bounds = array<i64: 512, 200>}, {transform_indices = @transform_1, window_bounds = array<i64: 512, 1>}, {transform_indices = @transform_2, window_bounds = array<i64: 512, 200>}, {transform_indices = @transform_3, window_bounds = array<i64: 512, 200>}, {transform_indices = @transform_4, window_bounds = array<i64: 512, 200>}]} {
    %get3A = arith.constant 0 : index
    %get3A_0 = arith.constant 0 : index
    %get3A_1 = vector.load %arg1[%get3A, %get3A_0] : memref<512x200xi32, #tpu.memory_space<vmem>>, vector<512x200xi32>
    %get3A_2 = arith.constant 0 : index
    %get3A_3 = arith.constant 0 : index
    %get3A_4 = vector.load %arg2[%get3A_2, %get3A_3] : memref<512x1xi32, #tpu.memory_space<vmem>>, vector<512x1xi32>
    %add3A = vector.broadcast %get3A_4 : vector<512x1xi32> to vector<512x200xi32>
    %add3A_5 = arith.addi %get3A_1, %add3A : vector<512x200xi32>
    %jit3A = arith.constant 99991 : i32
    %eq3A = arith.constant 0 : i32
    %eq3A_6 = arith.cmpi eq, %jit3A, %eq3A : i32
    %jit3A_7 = arith.constant 1 : i32
    %select_n3A = arith.select %eq3A_6, %jit3A_7, %jit3A : i32
    %rem3A = vector.broadcast %select_n3A : i32 to vector<512x200xi32>
    %rem3A_8 = arith.remsi %add3A_5, %rem3A : vector<512x200xi32>
    %ne3A = arith.constant 0 : i32
    %ne3A_9 = vector.broadcast %ne3A : i32 to vector<512x200xi32>
    %ne3A_10 = arith.cmpi ne, %rem3A_8, %ne3A_9 : vector<512x200xi32>
    %lt3A = arith.constant 0 : i32
    %lt3A_11 = vector.broadcast %lt3A : i32 to vector<512x200xi32>
    %lt3A_12 = arith.cmpi slt, %rem3A_8, %lt3A_11 : vector<512x200xi32>
    %lt3A_13 = arith.constant 0 : i32
    %lt3A_14 = arith.cmpi slt, %select_n3A, %lt3A_13 : i32
    %ne3A_15 = vector.broadcast %lt3A_14 : i1 to vector<512x200xi1>
    %ne3A_16 = vector.broadcast %ne3A_15 : vector<512x200xi1> to vector<512x200xi1>
    %ne3A_17 = arith.xori %lt3A_12, %ne3A_16 : vector<512x200xi1>
    %and3A = arith.andi %ne3A_17, %ne3A_10 : vector<512x200xi1>
    %add3A_18 = vector.broadcast %select_n3A : i32 to vector<512x200xi32>
    %add3A_19 = arith.addi %rem3A_8, %add3A_18 : vector<512x200xi32>
    %select_n3A_20 = arith.select %and3A, %add3A_19, %rem3A_8 : vector<512x200xi1>, vector<512x200xi32>
    %swap3A = arith.constant 0 : index
    %swap3A_21 = arith.constant 0 : index
    %swap3A_22 = vector.load %arg3[%swap3A, %swap3A_21] : memref<512x200xi32, #tpu.memory_space<vmem>>, vector<512x200xi32>
    tpu.vector_store %arg3[%swap3A, %swap3A_21], %select_n3A_20 {strides = array<i32>} : memref<512x200xi32, #tpu.memory_space<vmem>>, vector<512x200xi32>,
    %jit3A_23 = arith.constant 100003 : i32
    %eq3A_24 = arith.constant 0 : i32
    %eq3A_25 = arith.cmpi eq, %jit3A_23, %eq3A_24 : i32
    %jit3A_26 = arith.constant 1 : i32
    %select_n3A_27 = arith.select %eq3A_25, %jit3A_26, %jit3A_23 : i32
    %rem3A_28 = vector.broadcast %select_n3A_27 : i32 to vector<512x200xi32>
    %rem3A_29 = arith.remsi %add3A_5, %rem3A_28 : vector<512x200xi32>
    %ne3A_30 = arith.constant 0 : i32
    %ne3A_31 = vector.broadcast %ne3A_30 : i32 to vector<512x200xi32>
    %ne3A_32 = arith.cmpi ne, %rem3A_29, %ne3A_31 : vector<512x200xi32>
    %lt3A_33 = arith.constant 0 : i32
    %lt3A_34 = vector.broadcast %lt3A_33 : i32 to vector<512x200xi32>
    %lt3A_35 = arith.cmpi slt, %rem3A_29, %lt3A_34 : vector<512x200xi32>
    %lt3A_36 = arith.constant 0 : i32
    %lt3A_37 = arith.cmpi slt, %select_n3A_27, %lt3A_36 : i32
    %ne3A_38 = vector.broadcast %lt3A_37 : i1 to vector<512x200xi1>
    %ne3A_39 = vector.broadcast %ne3A_38 : vector<512x200xi1> to vector<512x200xi1>
    %ne3A_40 = arith.xori %lt3A_35, %ne3A_39 : vector<512x200xi1>
    %and3A_41 = arith.andi %ne3A_40, %ne3A_32 : vector<512x200xi1>
    %add3A_42 = vector.broadcast %select_n3A_27 : i32 to vector<512x200xi32>
    %add3A_43 = arith.addi %rem3A_29, %add3A_42 : vector<512x200xi32>
    %select_n3A_44 = arith.select %and3A_41, %add3A_43, %rem3A_29 : vector<512x200xi1>, vector<512x200xi32>
    %swap3A_45 = arith.constant 0 : index
    %swap3A_46 = arith.constant 0 : index
    %swap3A_47 = vector.load %arg4[%swap3A_45, %swap3A_46] : memref<512x200xi32, #tpu.memory_space<vmem>>, vector<512x200xi32>
    tpu.vector_store %arg4[%swap3A_45, %swap3A_46], %select_n3A_44 {strides = array<i32>} : memref<512x200xi32, #tpu.memory_space<vmem>>, vector<512x200xi32>,
    %jit3A_48 = arith.constant 100019 : i32
    %eq3A_49 = arith.constant 0 : i32
    %eq3A_50 = arith.cmpi eq, %jit3A_48, %eq3A_49 : i32
    %jit3A_51 = arith.constant 1 : i32
    %select_n3A_52 = arith.select %eq3A_50, %jit3A_51, %jit3A_48 : i32
    %rem3A_53 = vector.broadcast %select_n3A_52 : i32 to vector<512x200xi32>
    %rem3A_54 = arith.remsi %add3A_5, %rem3A_53 : vector<512x200xi32>
    %ne3A_55 = arith.constant 0 : i32
    %ne3A_56 = vector.broadcast %ne3A_55 : i32 to vector<512x200xi32>
    %ne3A_57 = arith.cmpi ne, %rem3A_54, %ne3A_56 : vector<512x200xi32>
    %lt3A_58 = arith.constant 0 : i32
    %lt3A_59 = vector.broadcast %lt3A_58 : i32 to vector<512x200xi32>
    %lt3A_60 = arith.cmpi slt, %rem3A_54, %lt3A_59 : vector<512x200xi32>
    %lt3A_61 = arith.constant 0 : i32
    %lt3A_62 = arith.cmpi slt, %select_n3A_52, %lt3A_61 : i32
    %ne3A_63 = vector.broadcast %lt3A_62 : i1 to vector<512x200xi1>
    %ne3A_64 = vector.broadcast %ne3A_63 : vector<512x200xi1> to vector<512x200xi1>
    %ne3A_65 = arith.xori %lt3A_60, %ne3A_64 : vector<512x200xi1>
    %and3A_66 = arith.andi %ne3A_65, %ne3A_57 : vector<512x200xi1>
    %add3A_67 = vector.broadcast %select_n3A_52 : i32 to vector<512x200xi32>
    %add3A_68 = arith.addi %rem3A_54, %add3A_67 : vector<512x200xi32>
    %select_n3A_69 = arith.select %and3A_66, %add3A_68, %rem3A_54 : vector<512x200xi1>, vector<512x200xi32>
    %swap3A_70 = arith.constant 0 : index
    %swap3A_71 = arith.constant 0 : index
    %swap3A_72 = vector.load %arg5[%swap3A_70, %swap3A_71] : memref<512x200xi32, #tpu.memory_space<vmem>>, vector<512x200xi32>
    tpu.vector_store %arg5[%swap3A_70, %swap3A_71], %select_n3A_69 {strides = array<i32>} : memref<512x200xi32, #tpu.memory_space<vmem>>, vector<512x200xi32>,
    return
  }
  func.func @transform_0(%arg0: i32) -> (i32, i32) {
    %c0_i32 = arith.constant 0 : i32
    %c0_i32_0 = arith.constant 0 : i32
    return %arg0, %c0_i32 : i32, i32
  }
  func.func @transform_1(%arg0: i32) -> (i32, i32) {
    %c0_i32 = arith.constant 0 : i32
    %c0_i32_0 = arith.constant 0 : i32
    return %arg0, %c0_i32 : i32, i32
  }
  func.func @transform_2(%arg0: i32) -> (i32, i32) {
    %c0_i32 = arith.constant 0 : i32
    %c0_i32_0 = arith.constant 0 : i32
    return %arg0, %c0_i32 : i32, i32
  }
  func.func @transform_3(%arg0: i32) -> (i32, i32) {
    %c0_i32 = arith.constant 0 : i32
    %c0_i32_0 = arith.constant 0 : i32
    return %arg0, %c0_i32 : i32, i32
  }
  func.func @transform_4(%arg0: i32) -> (i32, i32) {
    %c0_i32 = arith.constant 0 : i32
    %c0_i32_0 = arith.constant 0 : i32
    return %arg0, %c0_i32 : i32, i32
  }
}

</mosaic_0001>

<sc_bundles>
// kernel: kernel.4.cloned.1.call-start
scs
__scs_entry_jumppad:
0x0: {  	(pc) =	sbr.rel $0x88, $3  }
0x1: {  	(tag) =	ssettag $0x0;
	lr =	simm.s32 $0x1  }
0x2: {  	[smem:$0x3F9A] =	sst lr;
	_ =	strace $0xD0000000  }
0x3: {  	_ = 	snop  }
0x4: {  	_ = 	snop  }
0x5: {  	_ = 	snop  }
0x6: {  	_ = 	snop  }
0x7: {  	_ = 	snop  }
__scs_overlays_trampoline_lowered:
0x8: {  	[smem:$0x3FA9] =	sst s0  }
0x9: {  	[smem:$0x3FAA] =	sst s1  }
0xa: {  	[smem:$0x3FAB] =	sst s2  }
0xb: {  	[smem:$0x3FAC] =	sst s3  }
0xc: {  	[smem:$0x3FAD] =	sst s4  }
0xd: {  	[smem:$0x3FAE] =	sst s5  }
0xe: {  	[smem:$0x3FAF] =	sst s6  }
0xf: {  	[smem:$0x3FB0] =	sst s7  }
0x10: {  	[smem:$0x3FB1] =	sst s8  }
0x11: {  	[smem:$0x3FB2] =	sst s9;
	s0 =	simm.s32 @!p0 $0x0  }
0x12: {  	s1 =	sld [smem:$0x3F98];
	s0 =	simm.s32 @p0 $0x1  }
0x13: {  	[smem:$0x3FB3] =	sst s0;
	s0 =	simm.s32 @!p1 $0x0  }
0x14: {  	s2 =	sld [smem:$0x3F97];
	s0 =	simm.s32 @p1 $0x1  }
0x15: {  	[smem:$0x3FB4] =	sst s0;
	s0 =	simm.s32 @!p2 $0x0  }
0x16: {  	s3 =	sld [smem:$0x3FDB];
	s0 =	simm.s32 @p2 $0x1  }
0x17: {  	s4 =	simm.s32 $0x1BF5;
	[smem:$0x3FB6] =	sst s0  }
0x18: {  	s0 =	sld [smem:$0x3F99];
	_ =	swait.ge [sflag:s4], $0x0  }
0x19: {  	s7 =	sld [smem:$0x3F9A]  }
0x1a: {  	s8 =	sadd.s32 $0xFFFFE003, lr  }
0x1b: {  	s9 =	sadd.s32 $0xFFFFFEF7, lr;
	s5 =	simm.s32 $0xFFFFFFFF;
	p2 =	slt.u32 s8, $0xFFFFF086  }
0x1c: {  	p1 =	slt.u32 s9, $0xF7A;
	s5 =	simm.s32 @!p2 $0x0  }
0x1d: {  	s5 =	simm.s32 @p1 $0x1;
	p0 =	seq.s32 s7, s2  }
0x1e: {  	s7 =	smul.u32 @!p0 $0xF7A, s2;
	p2 =	seq.s32 @!p0 s5, $0x0  }
0x1f: {  	s9 =	smul.u32 $0xF7A, s1;
	s8 =	simm.s32 @!p0 $0x1BF5;
	p2 =	por !p2, p0  }
0x20: {  	[sflag:s8] =	ssyncset.s32 @!p0 $0xFFFFF086;
	s6 =	sadd.s32 @!p0 s3, s7;
	s7 =	simm.s32 @!p0 $0x108  }
0x21: {  	s3 =	sadd.s32 s3, s9;
	s6 =	sadd.s32 @!p0 $0x88, s6;
	s7 =	simm.s32 @p2 $0x1082  }
0x22: {  	[simem:s7], [sflag:s8] =	dma.local @!p0 [hbm:s6], $0xF7A  }
0x23: {  	s9 =	sor.u32 $0xD0000000, s2;
	s6 =	simm.s32 $0x108;
	_ =	swait.ge @!p0 [sflag:s8], $0x0  }
0x24: {  	s3 =	sadd.s32 $0x88, s3;
	s6 =	simm.s32 @!p1 $0x1082;
	[sflag:s4] =	ssyncset.s32 $0xFFFFF086  }
0x25: {  	[simem:s6], [sflag:s4] =	dma.local [hbm:s3], $0xF7A  }
0x26: {  	[smem:$0x3F9A] =	sst s1;
	(tag) =	ssettag s2;
	_ =	strace s9  }
0x27: {  	s1 =	sld [smem:$0x3FAA]  }
0x28: {  	s2 =	sld [smem:$0x3FAB]  }
0x29: {  	s4 =	sld [smem:$0x3FAD]  }
0x2a: {  	p0 =	seq.s32 s5, $0x0;
	s5 =	sld [smem:$0x3FAE]  }
0x2b: {  	s6 =	sld [smem:$0x3FAF]  }
0x2c: {  	s7 =	sld [smem:$0x3FB0]  }
0x2d: {  	s3 =	simm.s32 $0x108;
	s8 =	sld [smem:$0x3FB1]  }
0x2e: {  	s3 =	simm.s32 @!p0 $0x1082;
	s9 =	sld [smem:$0x3FB2]  }
0x2f: {  	lr =	sadd.s32 s0, s3;
	s0 =	sld [smem:$0x3FA9]  }
0x30: {  	s3 =	sld [smem:$0x3FAC]  }
0x31: {  	[smem:$0x3FB5] =	sst s10  }
0x32: {  	s10 =	sld [smem:$0x3FB3];
	_ =	sdelay $0x3  }
0x33: {  	p0 =	seq.s32 s10, $0x1;
	s10 =	sld [smem:$0x3FB5];
	_ =	sdelay $0x3  }
0x34: {  	[smem:$0x3FB5] =	sst s10  }
0x35: {  	s10 =	sld [smem:$0x3FB4];
	_ =	sdelay $0x3  }
0x36: {  	p1 =	seq.s32 s10, $0x1;
	s10 =	sld [smem:$0x3FB5];
	_ =	sdelay $0x3  }
0x37: {  	[smem:$0x3FB5] =	sst s10  }
0x38: {  	s10 =	sld [smem:$0x3FB6]  }
0x39: {  	_ = 	snop;
	(pc) =	sbr.ind lr, $3  }
0x3a: {  	_ = 	snop  }
0x3b: {  	_ = 	snop  }
0x3c: {  	p2 =	seq.s32 s10, $0x1;
	s10 =	sld [smem:$0x3FB5]  }
0x3d: {  	_ =	shalt  }
0x3e: {  	_ =	shalt  }
0x3f: {  	_ =	shalt  }
0x40: {  	_ =	shalt  }
0x41: {  	_ =	shalt  }
0x42: {  	_ =	shalt  }
0x43: {  	_ =	shalt  }
0x44: {  	_ =	shalt  }
0x45: {  	_ =	shalt  }
0x46: {  	_ =	shalt  }
0x47: {  	_ =	shalt  }
0x48: {  	_ =	shalt  }
0x49: {  	_ =	shalt  }
0x4a: {  	_ =	shalt  }
0x4b: {  	_ =	shalt  }
0x4c: {  	_ =	shalt  }
0x4d: {  	_ =	shalt  }
0x4e: {  	_ =	shalt  }
0x4f: {  	_ =	shalt  }
0x50: {  	_ =	shalt  }
0x51: {  	_ =	shalt  }
0x52: {  	_ =	shalt  }
0x53: {  	_ =	shalt  }
0x54: {  	_ =	shalt  }
0x55: {  	_ =	shalt  }
0x56: {  	_ =	shalt  }
0x57: {  	_ =	shalt  }
0x58: {  	_ =	shalt  }
0x59: {  	_ =	shalt  }
0x5a: {  	_ =	shalt  }
0x5b: {  	_ =	shalt  }
0x5c: {  	_ =	shalt  }
0x5d: {  	_ =	shalt  }
0x5e: {  	_ =	shalt  }
0x5f: {  	_ =	shalt  }
0x60: {  	_ =	shalt  }
0x61: {  	_ =	shalt  }
0x62: {  	_ =	shalt  }
0x63: {  	_ =	shalt  }
0x64: {  	_ =	shalt  }
0x65: {  	_ =	shalt  }
0x66: {  	_ =	shalt  }
0x67: {  	_ =	shalt  }
0x68: {  	_ =	shalt  }
0x69: {  	_ =	shalt  }
0x6a: {  	_ =	shalt  }
0x6b: {  	_ =	shalt  }
0x6c: {  	_ =	shalt  }
0x6d: {  	_ =	shalt  }
0x6e: {  	_ =	shalt  }
0x6f: {  	_ =	shalt  }
0x70: {  	_ =	shalt  }
0x71: {  	_ =	shalt  }
0x72: {  	_ =	shalt  }
0x73: {  	_ =	shalt  }
0x74: {  	_ =	shalt  }
0x75: {  	_ =	shalt  }
0x76: {  	_ =	shalt  }
0x77: {  	_ =	shalt  }
0x78: {  	_ =	shalt  }
0x79: {  	_ =	shalt  }
0x7a: {  	_ =	shalt  }
0x7b: {  	_ =	shalt  }
0x7c: {  	_ =	shalt  }
0x7d: {  	_ =	shalt  }
0x7e: {  	_ =	shalt  }
0x7f: {  	_ =	shalt  }
0x80: {  	_ =	shalt  }
0x81: {  	_ =	shalt  }
0x82: {  	_ =	shalt  }
0x83: {  	_ =	shalt  }
0x84: {  	_ =	shalt  }
0x85: {  	_ =	shalt  }
0x86: {  	_ =	shalt  }
0x87: {  	_ =	shalt  }
.Lfunc_end0:
.L_simem_size_0:
called_computation.1_lowered:
.L_overlay_start_0:
0x88: {  	s2 =	sld [smem:$0x3FD9]  }
0x89: {  	s3 =	sld [smem:$0x3FFE];
	_ =	sdelay $0x1  }
0x8a: {  	s1 =	srdreg.scid  }
0x8b: {  	s0 =	sand.u32 $0x1, s1  }
0x8c: {  	s17 =	sshll.u32 s0, $0xA;
	s2 =	sadd.s32 s3, s2  }
0x8d: {  	s2 =	sadd.s32 s2, s17  }
0x8e: {  	[smem:$0x3FC1] =	sst s2  }
0x8f: {  	_ = 	snop  }
0x90: {  	s2 =	sld [smem:$0x3FD0];
	(tm) =	ssettm $0x1  }
0x91: {  	s18 =	sld [smem:$0x3FFB];
	_ =	sdelay $0x3  }
0x92: {  	_ =	strace s18  }
0x93: {  	s3 =	sld [smem:$0x3FFC];
	_ =	sdelay $0x3  }
0x94: {  	_ =	strace s3  }
0x95: {  	s3 =	sld [smem:$0x3FFD];
	_ =	sdelay $0x3  }
0x96: {  	_ =	strace s3  }
0x97: {  	_ =	strace $0x8FFFFFFF  }
0x98: {  	s19 =	sld [smem:$0x3FDB];
	_ =	sdelay $0x1  }
0x99: {  	s4 =	simm.s32 $_scs_section_size  }
0x9a: {  	s5 =	simm.s32 $_size__tile_overlayer_lowered;
	s6 =	simm.s32 $_tile_overlayer_lowered  }
0x9b: {  	s22 =	simm.s32 $0x1BFF;
	s21 =	sshll.u32 s6, $0x1;
	s3 =	sadd.s32 s4, s19  }
0x9c: {  	s7 =	simm.s32 $0x0;
	s20 =	sshll.u32 s5, $0x1;
	s5 =	sadd.s32 s21, s3  }
0x9d: {  	[timem:s7], [sflag:s22] =	dma.local [hbm:s5], s20  }
0x9e: {  	_ =	swait.ge [sflag:s22], s20  }
0x9f: {  	s4 =	ssub.s32 $0x0, s20;
	[sflag:s22] =	ssyncset.done $0x0  }
0xa0: {  	[sflag:s22] =	ssyncadd.s32 s4;
	_ =	sdelay $0x1  }
0xa1: {  	s23 =	simm.s32 $0x1B8B  }
0xa2: {  	_ =	swait.ge [sflag:s23], $0x1  }
0xa3: {  	[sflag:s23] =	ssyncset.done $0x0  }
0xa4: {  	s25 =	simm.s32 $0x1B8E;
	s24 =	sld [smem:$0x3FFE];
	[sflag:s23] =	ssyncadd.s32 $0xFFFFFFFF  }
0xa5: {  	s26 =	simm.s32 $execute0_lowered;
	[smem:$0x3FD2] =	sst s25  }
0xa6: {  	s5 =	sshll.u32 s26, $0x1;
	_ =	strace $0x80000046;
	[dreg:$0x1] =	wrdreg $0xFFFFFFFF  }
0xa7: {  	s28 =	simm.s32 $_size_execute0_lowered;
	s3 =	sadd.s32 s3, s5;
	[dreg:$0x0] =	wrdreg $0x0  }
0xa8: {  	s5 =	sshll.u32 s28, $0x1;
	[dreg:$0x2] =	wrdreg s3  }
0xa9: {  	[dreg:$0x3] =	wrdreg s5  }
0xaa: {  	[dreg:$0x4] =	wrdreg $0xC0  }
0xab: {  	_ =	task [dreg:s7], $0x5FFFF  }
0xac: {  	[dreg:$0x1] =	wrdreg $0xFFFFFFFF  }
0xad: {  	[dreg:$0x0] =	wrdreg $0x60  }
0xae: {  	[dreg:$0x2] =	wrdreg s24  }
0xaf: {  	[dreg:$0x3] =	wrdreg s2  }
0xb0: {  	[dreg:$0x4] =	wrdreg $0x9  }
0xb1: {  	_ =	task.clear_ibuf [dreg:s7], $0x5FFFF;
	_ =	strace $0x90000046  }
0xb2: {  	s29 =	simm.s32 $0x9;
	_ =	strace $0x80000053  }
0xb3: {  	_ =	swait.ge [sflag:s29], $0x1  }
0xb4: {  	[sflag:s29] =	ssyncadd.s32 $0xFFFFFFFF  }
0xb5: {  	_ =	strace $0x90000053  }
0xb6: {  	_ =	sfence  }
0xb7: {  	s30 =	sld [smem:$0x0];
	_ =	sdelay $0x2  }
0xb8: {  	s31 =	sshll.u32 s1, $0xD;
	s1 =	sshrl.u32 s1, $0x2  }
0xb9: {  	s3 =	sand.u32 $0x4000, s31;
	s1 =	sadd.s32 s1, s30  }
0xba: {  	s0 =	sor.u32 s3, s0;
	s1 =	sshll.u32 s1, $0x11  }
0xbb: {  	s0 =	sor.u32 s1, s0  }
0xbc: {  	s0 =	sadd.s32 $0x8F2B, s0  }
0xbd: {  	[sflag:s0] =	ssyncadd.remote.s32 $0x1  }
0xbe: {  	_ =	sfence.sel $0xFFFF  }
0xbf: {  	[dreg:$0x0] =	wrdreg $0xFFFFFFFF;
	(pc) =	sbr.abs _section_cstart, $3  }
0xc0: {  	[dreg:$0x1] =	wrdreg $0xFFFFFFFF  }
0xc1: {  	_ =	task.clear_ibuf [dreg:s7], $0x2FFFF;
	_ =	strace $0x9FFFFFFF  }
0xc2: {  	(tm) =	ssettm $0x7FFFFFFF  }
0xc3: {  	_ =	shalt  }
tec
execute0_lowered:
.L_overlay_start_1:
0x0: {  	(tag) =	ssettag $0x1  }
0x1: {  	s0 =	rddreg [dreg:$0x0]  }
0x2: {  	s1 =	simm.s32 $0x0;
	s25 =	srdreg.scid;
	s3 =	stileid.u32  }
0x3: {  	s18 =	simm.s32 $0x80;
	s24 =	simm.s32 $0x4;
	[smem:$0x7FF] =	sst s1  }
0x4: {  	s4 =	sadd.s32 $0x4D200, s0;
	s1 =	sand.u32 $0x1, s25;
	s5 =	sadd.s32 $0x110800, s0  }
0x5: {  	s6 =	sadd.s32 $0x1D3E00, s0;
	s2 =	sshll.u32 s1, $0x4;
	s1 =	ssub.s32 $0x2, s1  }
0x6: {  	s7 =	sadd.s32 $0x2200, s0;
	s2 =	sor.u32 s3, s2;
	s26 =	sshrl.u32 s1, $0x1  }
0x7: {  	s8 =	sadd.s32 $0x1B200, s0;
	s11 =	smul.u32 $0xC80, s2;
	s28 =	ssub.s32 s1, s26  }
.Ltmp0:
0x8: {  	s9 =	sadd.s32 $0x34200, s0;
	s0 =	smax.u32 s28, $0x1;
	(pc) =	sbr.rel .LBB2_1-.Ltmp0, $4  }
0x9: {  	_ =	strace $0x80000047;
	s29 =	sadd.s32 s7, s11;
	[dreg:$0x6] =	wrdreg s0  }
0xa: {  	s25 =	simm.s32 $0x5;
	s30 =	sadd.s32 s8, s11;
	[dreg:$0x3] =	wrdreg s29  }
0xb: {  	s10 =	smul.u32 $0xC8, s2;
	s31 =	sadd.s32 s9, s11;
	[dreg:$0x4] =	wrdreg s30  }
0xc: {  	s26 =	simm.s32 $0x6;
	s1 =	simm.s32 $0x0;
	[dreg:$0x5] =	wrdreg s31  }
.LBB2_23:
0xd: {  	s0 =	sand.u32 $0x1, s31  }
0xe: {  	_ =	strace $0x80000052;
	s0 =	sor.u32 $0x10, s0  }
0xf: {  	_ =	swait.ge [sflag:s0], $0x2000  }
0x10: {  	s1 =	rddreg [dreg:$0x7]  }
0x11: {  	s31 =	rddreg [dreg:$0x6];
	s1 =	sadd.s32 $0x1, s1  }
0x12: {  	p0 =	sne.s32 s1, s31  }
.Ltmp1:
0x13: {  	_ = 	snop;
	(pc) =	sbr.rel @!p0 .LBB2_24-.Ltmp1, $4  }
0x14: {  	_ = 	snop  }
0x15: {  	[sflag:s0] =	ssyncset.done $0x0  }
0x16: {  	[sflag:s0] =	ssyncadd.s32 $0xFFFFE000  }
0x17: {  	_ =	strace $0x90000052  }
.LBB2_1:
0x18: {  	[dreg:$0x7] =	wrdreg s1  }
0x19: {  	s0 =	simm.s32 $0x0;
	s2 =	simm.s32 $0x12480;
	s28 =	simm.s32 $0x12580  }
0x1a: {  	s30 =	simm.s32 $0x12680;
	s12 =	simm.s32 $0x0;
	[smem:$0x0] =	sst s0  }
0x1b: {  	s31 =	simm.s32 $0x0;
	s3 =	simm.s32 $0x0;
	_ =	strace $0x80000048  }
0x1c: {  	s15 =	simm.s32 $0x1;
	s16 =	simm.s32 $0x0;
	s22 =	rddreg [dreg:$0x3]  }
0x1d: {  	[tilespmem:s2], [sflag:$0xA] =	stream.linear.gather [hbm4b:s22+s0], $0x80, $0x200038;
	[tilespmem:$0x16780] =	vst v63  }
.Ltmp2:
0x1e: {  	s14 =	simm.s32 $0x1;
	s23 =	rddreg [dreg:$0x4];
	(pc) =	sbr.rel .LBB2_2-.Ltmp2, $4  }
0x1f: {  	[tilespmem:s28], [sflag:$0xC] =	stream.linear.gather [hbm4b:s23+s0], $0x80, $0x200038;
	[tilespmem:$0x16780] =	vst v63  }
0x20: {  	s17 =	simm.s32 $0x0;
	s19 =	simm.s32 $0x1;
	s29 =	rddreg [dreg:$0x5]  }
0x21: {  	[tilespmem:s30], [sflag:$0xE] =	stream.linear.gather [hbm4b:s29+s0], $0x80, $0x200038;
	[tilespmem:$0x16780] =	vst v63  }
0x22: {  	s11 =	simm.s32 $0x0;
	s0 =	simm.s32 $0x0;
	_ =	strace $0x90000048  }
.LBB2_22:
0x23: {  	s1 =	sadd.s32 @!p2 $0x1, s19;
	s28 =	sadd.s32 @!p2 $0x1, s14  }
0x24: {  	s12 =	sadd.s32 $0xFFFFFFFE, s12;
	s22 =	sadd.s32 $0xFFFFFFFE, s22;
	s29 =	sadd.s32 $0xFFFFFFFE, s20  }
0x25: {  	p4 =	sne.s32 s11, $0x0;
	s2 =	sadd.s32 $0x1, s2;
	s30 =	smov.u32 s14  }
0x26: {  	s11 =	sadd.s32 $0x1, s11;
	p1 =	sgt.s32 s12, $0x0;
	p2 =	sgt.s32 s22, $0x0  }
0x27: {  	[smem:$0x0] =	sst s2;
	s12 =	simm.s32 @!p1 $0x0;
	s22 =	simm.s32 @!p2 $0x0  }
0x28: {  	s2 =	simm.s32 $0x0;
	p1 =	sgt.s32 s29, $0x0;
	p3 =	sne.s32 s12, s22  }
0x29: {  	_ =	strace $0x9000004F;
	s29 =	simm.s32 @!p1 $0x0;
	p2 =	por !p4, !p3  }
0x2a: {  	p5 =	sne.s32 s12, s29;
	p3 =	por !p6, p0;
	p6 =	sne.s32 s13, s21  }
0x2b: {  	p1 =	por p0, p5;
	s2 =	simm.s32 @p3 $0x1;
	s30 =	smov.u32 @p3 s28  }
0x2c: {  	p2 =	por !p2, !p2;
	s12 =	sadd.s32 @p1 s10, s12;
	_ =	strace @p1 $0x80000050  }
0x2d: {  	s22 =	sor.u32 @p1 $0x10, s23;
	s23 =	sshll.u32 @p1 s23, $0xD;
	s2 =	simm.s32 @p0 $0x0  }
0x2e: {  	s30 =	smov.u32 @p0 s14;
	s12 =	sshll.u32 @p1 s12, $0xA;
	s29 =	rddreg [dreg:$0x1]  }
0x2f: {  	s23 =	sadd.s32 @p1 $0x12780, s23;
	s15 =	sadd.s32 s15, s2;
	s12 =	sand.u32 @p1 $0x1FFFFC00, s12  }
0x30: {  	s2 =	simm.s32 $0x1;
	s12 =	sadd.s32 @p1 s29, s12;
	s29 =	simm.s32 @p1 $0x0  }
0x31: {  	[hbm4b:s12+s29] =	stream.linear.scatter @p1 [tilespmem:s23], [sflag:s22], $0x2000, $0x200038;
	[tilespmem:$0x16780] =	vst v63  }
0x32: {  	s14 =	smov.u32 s30;
	s22 =	smov.u32 s19;
	s12 =	simm.s32 $0x1  }
0x33: {  	s22 =	smov.u32 @p3 s1;
	_ =	strace @p1 $0x90000050;
	s1 =	sand.u32 @p2 $0x1, s31  }
0x34: {  	_ =	strace @p2 $0x80000051;
	s22 =	smov.u32 @p0 s19;
	p0 =	por p0, p6  }
0x35: {  	s1 =	sor.u32 @p2 $0x10, s1;
	s2 =	simm.s32 @!p0 $0x0;
	p0 =	sne.s32 s11, $0xCA  }
.Ltmp3:
0x36: {  	s12 =	simm.s32 @!p1 $0x0;
	_ =	swait.ge @p2 [sflag:s1], $0x2000;
	(pc) =	sbr.rel @!p0 .LBB2_23-.Ltmp3, $4  }
0x37: {  	s0 =	sadd.s32 s12, s0;
	s12 =	smov.u32 s20;
	[sflag:s1] =	ssyncset.done @p2 $0x0  }
0x38: {  	s19 =	smov.u32 s22;
	[sflag:s1] =	ssyncadd.s32 @p2 $0xFFFFE000;
	s1 =	simm.s32 $0x1  }
0x39: {  	s17 =	sadd.s32 s2, s17;
	s16 =	sadd.s32 s2, s16;
	s1 =	simm.s32 @!p2 $0x0  }
0x3a: {  	s3 =	sadd.s32 s2, s3;
	_ =	strace @p2 $0x90000051;
	s31 =	sadd.s32 s1, s31  }
.LBB2_2:
0x3b: {  	s20 =	sadd.s32 $0x1, s12  }
0x3c: {  	p0 =	seq.s32 s20, $0xCA  }
0x3d: {  	s13 =	smov.u32 s12;
	s20 =	simm.s32 @p0 $0x0  }
0x3e: {  	p0 =	slt.s32 s12, $0xC7;
	p1 =	slt.s32 s20, $0xC7;
	s21 =	smov.u32 s20  }
0x3f: {  	s13 =	simm.s32 @!p0 $0xC7;
	p0 =	seq.s32 s11, $0xC9;
	s21 =	simm.s32 @!p1 $0xC7  }
0x40: {  	p6 =	seq.s32 @!p0 s13, s21  }
0x41: {  	p2 =	por p6, p0  }
0x42: {  	s1 =	sadd.s32 @!p2 s10, s21  }
0x43: {  	s2 =	sand.u32 @!p2 $0x1, s19;
	_ =	strace @!p2 $0x80000049;
	s1 =	sshll.u32 @!p2 s1, $0x4  }
0x44: {  	s28 =	simm.s32 @!p2 $0x0;
	s22 =	sshll.u32 @!p2 s2, $0x7;
	s1 =	sand.u32 @!p2 $0x1FFFFFF0, s1  }
0x45: {  	s2 =	sor.u32 @!p2 $0xA, s2;
	s22 =	sadd.s32 @!p2 $0x12480, s22;
	s23 =	sadd.s32 @!p2 s7, s1  }
0x46: {  	[tilespmem:s22], [sflag:s2] =	stream.linear.gather @!p2 [hbm4b:s23+s28], $0x80, $0x200038;
	[tilespmem:$0x16780] =	vst v63  }
0x47: {  	p3 =	seq.s32 s12, $0x0;
	s2 =	sand.u32 @!p2 $0x1, s14  }
0x48: {  	s29 =	sadd.s32 @!p2 s8, s1;
	_ =	strace @!p2 $0x90000049;
	s23 =	sshll.u32 @!p2 s2, $0x7  }
0x49: {  	s2 =	sor.u32 @!p2 $0xC, s2;
	_ =	strace @!p2 $0x8000004A;
	s23 =	sadd.s32 @!p2 $0x12580, s23  }
0x4a: {  	[tilespmem:s23], [sflag:s2] =	stream.linear.gather @!p2 [hbm4b:s29+s28], $0x80, $0x200038;
	[tilespmem:$0x16780] =	vst v63  }
0x4b: {  	s1 =	sadd.s32 @!p2 s9, s1;
	s22 =	sadd.s32 $0xFFFFFFFF, s12;
	s2 =	sand.u32 @!p2 $0x1, s15  }
0x4c: {  	s22 =	simm.s32 @p3 $0xC9;
	_ =	strace @!p2 $0x9000004A;
	s23 =	sshll.u32 @!p2 s2, $0x7  }
0x4d: {  	s2 =	sor.u32 @!p2 $0xE, s2;
	_ =	strace @!p2 $0x8000004B;
	s23 =	sadd.s32 @!p2 $0x12680, s23  }
0x4e: {  	[tilespmem:s23], [sflag:s2] =	stream.linear.gather @!p2 [hbm4b:s1+s28], $0x80, $0x200038;
	[tilespmem:$0x16780] =	vst v63  }
0x4f: {  	p3 =	slt.s32 s22, $0xC7;
	s1 =	smov.u32 s22  }
0x50: {  	p4 =	seq.s32 s11, $0x0;
	s1 =	simm.s32 @!p3 $0xC7  }
0x51: {  	p3 =	sne.s32 @!p4 s13, s1  }
0x52: {  	s30 =	sand.u32 $0x1, s17;
	p3 =	por p4, p3  }
0x53: {  	_ =	strace @!p2 $0x9000004B;
	s30 =	sand.u32 @p3 $0x1, s17  }
0x54: {  	_ =	strace @p3 $0x8000004C;
	s1 =	sor.u32 @p3 $0xA, s30  }
0x55: {  	_ =	swait.ge @p3 [sflag:s1], $0x80  }
0x56: {  	[sflag:s1] =	ssyncset.done @p3 $0x0  }
0x57: {  	s29 =	sand.u32 @!p3 $0x1, s16;
	[sflag:s1] =	ssyncadd.s32 @p3 $0xFFFFFF80  }
0x58: {  	s29 =	sand.u32 @p3 $0x1, s16;
	_ =	strace @p3 $0x9000004C  }
0x59: {  	s1 =	sor.u32 @p3 $0xC, s29;
	_ =	strace @p3 $0x8000004D  }
0x5a: {  	_ =	swait.ge @p3 [sflag:s1], $0x80  }
0x5b: {  	[sflag:s1] =	ssyncset.done @p3 $0x0  }
0x5c: {  	s28 =	sand.u32 @!p3 $0x1, s3;
	[sflag:s1] =	ssyncadd.s32 @p3 $0xFFFFFF80  }
0x5d: {  	s28 =	sand.u32 @p3 $0x1, s3;
	_ =	strace @p3 $0x9000004D  }
0x5e: {  	s1 =	sor.u32 @p3 $0xE, s28;
	_ =	strace @p3 $0x8000004E  }
0x5f: {  	_ =	swait.ge @p3 [sflag:s1], $0x80  }
0x60: {  	[sflag:s1] =	ssyncset.done @p3 $0x0  }
0x61: {  	[sflag:s1] =	ssyncadd.s32 @p3 $0xFFFFFF80  }
0x62: {  	_ =	strace @p3 $0x9000004E  }
0x63: {  	_ =	strace $0x8000004F  }
0x64: {  	s2 =	sld [smem:$0x0];
	_ =	sdelay $0x2  }
0x65: {  	s1 =	smulhi.u32 $0x55555556, s2;
	s23 =	sshra.s32 s2, $0x1F  }
0x66: {  	s23 =	smul.u32 $0x55555556, s23;
	_ =	sdelay $0x1  }
0x67: {  	s1 =	sadd.s32 s23, s1  }
0x68: {  	s23 =	sshrl.u32 s1, $0x1F  }
0x69: {  	s1 =	sadd.s32 s23, s1  }
0x6a: {  	s1 =	smul.u32 $0x3, s1;
	_ =	sdelay $0x1  }
0x6b: {  	s1 =	ssub.s32 s2, s1  }
0x6c: {  	p4 =	slt.s32 s2, $0xC8;
	p5 =	seq.s32 s1, $0x0  }
0x6d: {  	p3 =	por !p4, !p5  }
0x6e: {  	p3 =	por !p3, !p3  }
.Ltmp4:
0x6f: {  	_ = 	snop;
	(pc) =	sbr.rel @!p3 .LBB2_4-.Ltmp4, $2  }
0x70: {  	_ =	sdelay $0x2  }
0x71: {  	s23 =	sand.u32 $0x1, s0  }
0x72: {  	s30 =	sshll.u32 s30, $0x7  }
0x73: {  	v0 =	vld [tilespmem:s30+$0x12480];
	_ =	sdelay $0x4  }
0x74: {  	[tilespmem:$0x12000] =	vst v0  }
0x75: {  	v0 =	vld [tilespmem:s30+$0x12490];
	_ =	sdelay $0x4  }
0x76: {  	[tilespmem:$0x12010] =	vst v0  }
0x77: {  	v0 =	vld [tilespmem:s30+$0x124A0];
	_ =	sdelay $0x4  }
0x78: {  	[tilespmem:$0x12020] =	vst v0  }
0x79: {  	v0 =	vld [tilespmem:s30+$0x124B0];
	_ =	sdelay $0x4  }
0x7a: {  	[tilespmem:$0x12030] =	vst v0  }
0x7b: {  	v0 =	vld [tilespmem:s30+$0x124C0];
	_ =	sdelay $0x4  }
0x7c: {  	[tilespmem:$0x12040] =	vst v0  }
0x7d: {  	v0 =	vld [tilespmem:s30+$0x124D0];
	_ =	sdelay $0x4  }
0x7e: {  	[tilespmem:$0x12050] =	vst v0  }
0x7f: {  	v0 =	vld [tilespmem:s30+$0x124E0];
	_ =	sdelay $0x4  }
0x80: {  	[tilespmem:$0x12060] =	vst v0  }
0x81: {  	v0 =	vld [tilespmem:s30+$0x124F0];
	_ =	sdelay $0x4  }
0x82: {  	s29 =	sshll.u32 s29, $0x7;
	[tilespmem:$0x12070] =	vst v0  }
0x83: {  	v0 =	vld [tilespmem:s29+$0x12580];
	_ =	sdelay $0x4  }
0x84: {  	[tilespmem:$0x12080] =	vst v0  }
0x85: {  	v0 =	vld [tilespmem:s29+$0x12590];
	_ =	sdelay $0x4  }
0x86: {  	[tilespmem:$0x12090] =	vst v0  }
0x87: {  	v0 =	vld [tilespmem:s29+$0x125A0];
	_ =	sdelay $0x4  }
0x88: {  	[tilespmem:$0x120A0] =	vst v0  }
0x89: {  	v0 =	vld [tilespmem:s29+$0x125B0];
	_ =	sdelay $0x4  }
0x8a: {  	[tilespmem:$0x120B0] =	vst v0  }
0x8b: {  	v0 =	vld [tilespmem:s29+$0x125C0];
	_ =	sdelay $0x4  }
0x8c: {  	[tilespmem:$0x120C0] =	vst v0  }
0x8d: {  	v0 =	vld [tilespmem:s29+$0x125D0];
	_ =	sdelay $0x4  }
0x8e: {  	[tilespmem:$0x120D0] =	vst v0  }
0x8f: {  	v0 =	vld [tilespmem:s29+$0x125E0];
	_ =	sdelay $0x4  }
0x90: {  	[tilespmem:$0x120E0] =	vst v0  }
0x91: {  	v0 =	vld [tilespmem:s29+$0x125F0];
	_ =	sdelay $0x4  }
0x92: {  	s28 =	sshll.u32 s28, $0x7;
	[tilespmem:$0x120F0] =	vst v0  }
0x93: {  	v0 =	vld [tilespmem:s28+$0x12680];
	_ =	sdelay $0x4  }
0x94: {  	[tilespmem:$0x12100] =	vst v0  }
0x95: {  	v0 =	vld [tilespmem:s28+$0x12690];
	_ =	sdelay $0x4  }
0x96: {  	[tilespmem:$0x12110] =	vst v0  }
0x97: {  	v0 =	vld [tilespmem:s28+$0x126A0];
	_ =	sdelay $0x4  }
0x98: {  	[tilespmem:$0x12120] =	vst v0  }
0x99: {  	v0 =	vld [tilespmem:s28+$0x126B0];
	_ =	sdelay $0x4  }
0x9a: {  	[tilespmem:$0x12130] =	vst v0  }
0x9b: {  	v0 =	vld [tilespmem:s28+$0x126C0];
	_ =	sdelay $0x4  }
0x9c: {  	[tilespmem:$0x12140] =	vst v0  }
0x9d: {  	v0 =	vld [tilespmem:s28+$0x126D0];
	_ =	sdelay $0x4  }
0x9e: {  	[tilespmem:$0x12150] =	vst v0  }
0x9f: {  	v0 =	vld [tilespmem:s28+$0x126E0];
	_ =	sdelay $0x4  }
0xa0: {  	[tilespmem:$0x12160] =	vst v0  }
0xa1: {  	v0 =	vld [tilespmem:s28+$0x126F0];
	_ =	sdelay $0x4  }
0xa2: {  	s30 =	simm.s32 $0x12000;
	s28 =	simm.s32 $0x0;
	[tilespmem:$0x12170] =	vst v0  }
0xa3: {  	[tilespmem:s28], [sflag:$0x1] =	stream.indirect.gather [hbm4b:s4+s18], $0x40, s30, s18, $0x2000b8;
	[tilespmem:$0x16780] =	vst v63  }
.Ltmp5:
0xa4: {  	_ = 	snop;
	(pc) =	sbr.rel .LBB2_6-.Ltmp5, $4  }
0xa5: {  	s28 =	simm.s32 $0x12080;
	s30 =	simm.s32 $0x2000  }
0xa6: {  	[tilespmem:s30], [sflag:$0x2] =	stream.indirect.gather [hbm4b:s5+s18], $0x40, s28, s18, $0x2000b8;
	[tilespmem:$0x16780] =	vst v63  }
0xa7: {  	s28 =	simm.s32 $0x12100;
	s30 =	simm.s32 $0x4000  }
0xa8: {  	[tilespmem:s30], [sflag:$0x3] =	stream.indirect.gather [hbm4b:s6+s18], $0x40, s28, s18, $0x2000b8;
	[tilespmem:$0x16780] =	vst v63  }
.LBB2_4:
0xa9: {  	p5 =	sgt.s32 s2, $0xC7  }
0xaa: {  	p4 =	sne.s32 @!p5 s1, $0x1  }
0xab: {  	p4 =	por p5, p4  }
.Ltmp6:
0xac: {  	_ = 	snop;
	(pc) =	sbr.rel @p4 .LBB2_7-.Ltmp6, $1  }
0xad: {  	_ =	sdelay $0x3  }
0xae: {  	s30 =	sshll.u32 s30, $0x7  }
0xaf: {  	v0 =	vld [tilespmem:s30+$0x12480];
	_ =	sdelay $0x4  }
0xb0: {  	[tilespmem:$0x12180] =	vst v0  }
0xb1: {  	v0 =	vld [tilespmem:s30+$0x12490];
	_ =	sdelay $0x4  }
0xb2: {  	[tilespmem:$0x12190] =	vst v0  }
0xb3: {  	v0 =	vld [tilespmem:s30+$0x124A0];
	_ =	sdelay $0x4  }
0xb4: {  	[tilespmem:$0x121A0] =	vst v0  }
0xb5: {  	v0 =	vld [tilespmem:s30+$0x124B0];
	_ =	sdelay $0x4  }
0xb6: {  	[tilespmem:$0x121B0] =	vst v0  }
0xb7: {  	v0 =	vld [tilespmem:s30+$0x124C0];
	_ =	sdelay $0x4  }
0xb8: {  	[tilespmem:$0x121C0] =	vst v0  }
0xb9: {  	v0 =	vld [tilespmem:s30+$0x124D0];
	_ =	sdelay $0x4  }
0xba: {  	[tilespmem:$0x121D0] =	vst v0  }
0xbb: {  	v0 =	vld [tilespmem:s30+$0x124E0];
	_ =	sdelay $0x4  }
0xbc: {  	[tilespmem:$0x121E0] =	vst v0  }
0xbd: {  	v0 =	vld [tilespmem:s30+$0x124F0];
	_ =	sdelay $0x4  }
0xbe: {  	s29 =	sshll.u32 s29, $0x7;
	[tilespmem:$0x121F0] =	vst v0  }
0xbf: {  	v0 =	vld [tilespmem:s29+$0x12580];
	_ =	sdelay $0x4  }
0xc0: {  	[tilespmem:$0x12200] =	vst v0  }
0xc1: {  	v0 =	vld [tilespmem:s29+$0x12590];
	_ =	sdelay $0x4  }
0xc2: {  	[tilespmem:$0x12210] =	vst v0  }
0xc3: {  	v0 =	vld [tilespmem:s29+$0x125A0];
	_ =	sdelay $0x4  }
0xc4: {  	[tilespmem:$0x12220] =	vst v0  }
0xc5: {  	v0 =	vld [tilespmem:s29+$0x125B0];
	_ =	sdelay $0x4  }
0xc6: {  	[tilespmem:$0x12230] =	vst v0  }
0xc7: {  	v0 =	vld [tilespmem:s29+$0x125C0];
	_ =	sdelay $0x4  }
0xc8: {  	[tilespmem:$0x12240] =	vst v0  }
0xc9: {  	v0 =	vld [tilespmem:s29+$0x125D0];
	_ =	sdelay $0x4  }
0xca: {  	[tilespmem:$0x12250] =	vst v0  }
0xcb: {  	v0 =	vld [tilespmem:s29+$0x125E0];
	_ =	sdelay $0x4  }
0xcc: {  	[tilespmem:$0x12260] =	vst v0  }
0xcd: {  	v0 =	vld [tilespmem:s29+$0x125F0];
	_ =	sdelay $0x4  }
0xce: {  	s28 =	sshll.u32 s28, $0x7;
	[tilespmem:$0x12270] =	vst v0  }
0xcf: {  	v0 =	vld [tilespmem:s28+$0x12680];
	_ =	sdelay $0x4  }
0xd0: {  	[tilespmem:$0x12280] =	vst v0  }
0xd1: {  	v0 =	vld [tilespmem:s28+$0x12690];
	_ =	sdelay $0x4  }
0xd2: {  	[tilespmem:$0x12290] =	vst v0  }
0xd3: {  	v0 =	vld [tilespmem:s28+$0x126A0];
	_ =	sdelay $0x4  }
0xd4: {  	[tilespmem:$0x122A0] =	vst v0  }
0xd5: {  	v0 =	vld [tilespmem:s28+$0x126B0];
	_ =	sdelay $0x4  }
0xd6: {  	[tilespmem:$0x122B0] =	vst v0  }
0xd7: {  	v0 =	vld [tilespmem:s28+$0x126C0];
	_ =	sdelay $0x4  }
0xd8: {  	[tilespmem:$0x122C0] =	vst v0  }
0xd9: {  	v0 =	vld [tilespmem:s28+$0x126D0];
	_ =	sdelay $0x4  }
0xda: {  	[tilespmem:$0x122D0] =	vst v0  }
0xdb: {  	v0 =	vld [tilespmem:s28+$0x126E0];
	_ =	sdelay $0x4  }
0xdc: {  	[tilespmem:$0x122E0] =	vst v0  }
0xdd: {  	v0 =	vld [tilespmem:s28+$0x126F0];
	_ =	sdelay $0x4  }
0xde: {  	s30 =	simm.s32 $0x6000;
	s28 =	simm.s32 $0x12180;
	[tilespmem:$0x122F0] =	vst v0  }
0xdf: {  	[tilespmem:s30], [sflag:$0x4] =	stream.indirect.gather [hbm4b:s4+s18], $0x40, s28, s18, $0x2000b8;
	[tilespmem:$0x16780] =	vst v63  }
0xe0: {  	s28 =	simm.s32 $0x12200;
	s30 =	simm.s32 $0x8000  }
0xe1: {  	[tilespmem:s30], [sflag:$0x5] =	stream.indirect.gather [hbm4b:s5+s18], $0x40, s28, s18, $0x2000b8;
	[tilespmem:$0x16780] =	vst v63  }
0xe2: {  	s28 =	simm.s32 $0x12280;
	s30 =	simm.s32 $0xA000  }
0xe3: {  	[tilespmem:s30], [sflag:$0x6] =	stream.indirect.gather [hbm4b:s6+s18], $0x40, s28, s18, $0x2000b8;
	[tilespmem:$0x16780] =	vst v63  }
.LBB2_6:
0xe4: {  	p3 =	por !p3, !p3;
	p4 =	sgt.s32 s2, $0x1  }
.LBB2_14:
0xe5: {  	p1 =	sne.s32 @p4 s1, $0x0  }
0xe6: {  	p1 =	por !p4, p1  }
.Ltmp7:
0xe7: {  	_ = 	snop;
	(pc) =	sbr.rel @p1 .LBB2_18-.Ltmp7, $1  }
0xe8: {  	_ =	sdelay $0x3  }
0xe9: {  	_ =	swait.ge [sflag:s24], $0x2000  }
0xea: {  	[sflag:s24] =	ssyncset.done $0x0  }
0xeb: {  	[sflag:s24] =	ssyncadd.s32 $0xFFFFE000  }
0xec: {  	_ =	swait.ge [sflag:s25], $0x2000  }
0xed: {  	[sflag:s25] =	ssyncset.done $0x0  }
0xee: {  	[sflag:s25] =	ssyncadd.s32 $0xFFFFE000  }
0xef: {  	_ =	swait.ge [sflag:s26], $0x2000  }
0xf0: {  	[sflag:s26] =	ssyncset.done $0x0  }
0xf1: {  	s1 =	simm.s32 $0x0;
	[sflag:s26] =	ssyncadd.s32 $0xFFFFE000  }
0xf2: {  	v1 =	vld [tilespmem:s1+$0x6000]  }
0xf3: {  	v2 =	vld [tilespmem:s1+$0x8000];
	_ =	sdelay $0x1  }
0xf4: {  	s28 =	sshll.u32 s23, $0xD;
	v3 =	vld [tilespmem:s1+$0xA000]  }
0xf5: {  	s28 =	sadd.s32 $0x12780, s28  }
0xf6: {  	v0 =	vmov s28  }
0xf7: {  	v1 =	vadd.f32 v2, v1;
	_ =	sdelay $0x1  }
0xf8: {  	v1 =	vadd.f32 v3, v1;
	_ =	sdelay $0x1  }
0xf9: {  	[tilespmem:v0+s1+$0x0 ss:$0x1] =	vst.idx.msk $0xffff, v1  }
0xfa: {  	v1 =	vld [tilespmem:s1+$0x6010]  }
0xfb: {  	v2 =	vld [tilespmem:s1+$0x8010];
	_ =	sdelay $0x1  }
0xfc: {  	v3 =	vld [tilespmem:s1+$0xA010];
	_ =	sdelay $0x2  }
0xfd: {  	v1 =	vadd.f32 v2, v1;
	_ =	sdelay $0x1  }
0xfe: {  	v1 =	vadd.f32 v3, v1;
	_ =	sdelay $0x1  }
0xff: {  	[tilespmem:v0+s1+$0x10 ss:$0x1] =	vst.idx.msk $0xffff, v1  }
0x100: {  	v1 =	vld [tilespmem:s1+$0x6020]  }
0x101: {  	v2 =	vld [tilespmem:s1+$0x8020];
	_ =	sdelay $0x1  }
0x102: {  	v3 =	vld [tilespmem:s1+$0xA020];
	_ =	sdelay $0x2  }
0x103: {  	v1 =	vadd.f32 v2, v1;
	_ =	sdelay $0x1  }
0x104: {  	v1 =	vadd.f32 v3, v1;
	_ =	sdelay $0x1  }
0x105: {  	[tilespmem:v0+s1+$0x20 ss:$0x1] =	vst.idx.msk $0xffff, v1  }
0x106: {  	v1 =	vld [tilespmem:s1+$0x6030]  }
0x107: {  	v2 =	vld [tilespmem:s1+$0x8030];
	_ =	sdelay $0x1  }
0x108: {  	v3 =	vld [tilespmem:s1+$0xA030];
	_ =	sdelay $0x2  }
0x109: {  	v1 =	vadd.f32 v2, v1;
	_ =	sdelay $0x1  }
0x10a: {  	v1 =	vadd.f32 v3, v1;
	_ =	sdelay $0x1  }
0x10b: {  	[tilespmem:v0+s1+$0x30 ss:$0x1] =	vst.idx.msk $0xffff, v1  }
0x10c: {  	v1 =	vld [tilespmem:s1+$0x6040]  }
0x10d: {  	v2 =	vld [tilespmem:s1+$0x8040];
	_ =	sdelay $0x1  }
0x10e: {  	v3 =	vld [tilespmem:s1+$0xA040];
	_ =	sdelay $0x2  }
0x10f: {  	v1 =	vadd.f32 v2, v1;
	_ =	sdelay $0x1  }
0x110: {  	v1 =	vadd.f32 v3, v1;
	_ =	sdelay $0x1  }
0x111: {  	[tilespmem:v0+s1+$0x40 ss:$0x1] =	vst.idx.msk $0xffff, v1  }
0x112: {  	v1 =	vld [tilespmem:s1+$0x6050]  }
0x113: {  	v2 =	vld [tilespmem:s1+$0x8050];
	_ =	sdelay $0x1  }
0x114: {  	v3 =	vld [tilespmem:s1+$0xA050];
	_ =	sdelay $0x2  }
0x115: {  	v1 =	vadd.f32 v2, v1;
	_ =	sdelay $0x1  }
0x116: {  	v1 =	vadd.f32 v3, v1;
	_ =	sdelay $0x1  }
0x117: {  	[tilespmem:v0+s1+$0x50 ss:$0x1] =	vst.idx.msk $0xffff, v1  }
0x118: {  	v1 =	vld [tilespmem:s1+$0x6060]  }
0x119: {  	v2 =	vld [tilespmem:s1+$0x8060];
	_ =	sdelay $0x1  }
0x11a: {  	v3 =	vld [tilespmem:s1+$0xA060];
	_ =	sdelay $0x2  }
0x11b: {  	v1 =	vadd.f32 v2, v1;
	_ =	sdelay $0x1  }
0x11c: {  	v1 =	vadd.f32 v3, v1;
	_ =	sdelay $0x1  }
0x11d: {  	[tilespmem:v0+s1+$0x60 ss:$0x1] =	vst.idx.msk $0xffff, v1  }
0x11e: {  	s28 =	simm.s32 $0x200;
	v1 =	vld [tilespmem:s1+$0x6070]  }
.LBB2_16:
0x11f: {  	p5 =	sne.s32 s28, $0x7E00;
	v2 =	vld [tilespmem:s1+$0x8070];
	s29 =	smov.u32 s28;
	s28 =	sadd.s32 $0x200, s28  }
0x120: {  	v3 =	vld [tilespmem:s1+$0xA070];
	_ =	sdelay $0x3  }
0x121: {  	v1 =	vadd.f32 v2, v1;
	_ =	sdelay $0x1  }
0x122: {  	v1 =	vadd.f32 v3, v1  }
0x123: {  	s29 =	sshra.s32 s29, $0x2  }
0x124: {  	[tilespmem:v0+s1+$0x70 ss:$0x1] =	vst.idx.msk $0xffff, v1;
	s1 =	smov.u32 s29  }
0x125: {  	v1 =	vld [tilespmem:s1+$0x6000]  }
0x126: {  	v2 =	vld [tilespmem:s1+$0x8000]  }
0x127: {  	v3 =	vld [tilespmem:s1+$0xA000];
	_ =	sdelay $0x3  }
0x128: {  	v1 =	vadd.f32 v2, v1;
	_ =	sdelay $0x1  }
0x129: {  	v1 =	vadd.f32 v3, v1;
	_ =	sdelay $0x1  }
0x12a: {  	[tilespmem:v0+s1+$0x0 ss:$0x1] =	vst.idx.msk $0xffff, v1  }
0x12b: {  	v1 =	vld [tilespmem:s1+$0x6010]  }
0x12c: {  	v2 =	vld [tilespmem:s1+$0x8010];
	_ =	sdelay $0x1  }
0x12d: {  	v3 =	vld [tilespmem:s1+$0xA010];
	_ =	sdelay $0x2  }
0x12e: {  	v1 =	vadd.f32 v2, v1;
	_ =	sdelay $0x1  }
0x12f: {  	v1 =	vadd.f32 v3, v1;
	_ =	sdelay $0x1  }
0x130: {  	[tilespmem:v0+s1+$0x10 ss:$0x1] =	vst.idx.msk $0xffff, v1  }
0x131: {  	v1 =	vld [tilespmem:s1+$0x6020]  }
0x132: {  	v2 =	vld [tilespmem:s1+$0x8020];
	_ =	sdelay $0x1  }
0x133: {  	v3 =	vld [tilespmem:s1+$0xA020];
	_ =	sdelay $0x2  }
0x134: {  	v1 =	vadd.f32 v2, v1;
	_ =	sdelay $0x1  }
0x135: {  	v1 =	vadd.f32 v3, v1;
	_ =	sdelay $0x1  }
0x136: {  	[tilespmem:v0+s1+$0x20 ss:$0x1] =	vst.idx.msk $0xffff, v1  }
0x137: {  	v1 =	vld [tilespmem:s1+$0x6030]  }
0x138: {  	v2 =	vld [tilespmem:s1+$0x8030]  }
0x139: {  	v3 =	vld [tilespmem:s1+$0xA030];
	_ =	sdelay $0x3  }
0x13a: {  	v1 =	vadd.f32 v2, v1;
	_ =	sdelay $0x1  }
0x13b: {  	v1 =	vadd.f32 v3, v1;
	_ =	sdelay $0x1  }
0x13c: {  	[tilespmem:v0+s1+$0x30 ss:$0x1] =	vst.idx.msk $0xffff, v1  }
0x13d: {  	v1 =	vld [tilespmem:s1+$0x6040]  }
0x13e: {  	v2 =	vld [tilespmem:s1+$0x8040]  }
0x13f: {  	v3 =	vld [tilespmem:s1+$0xA040];
	_ =	sdelay $0x3  }
0x140: {  	v1 =	vadd.f32 v2, v1;
	_ =	sdelay $0x1  }
0x141: {  	v1 =	vadd.f32 v3, v1;
	_ =	sdelay $0x1  }
0x142: {  	[tilespmem:v0+s1+$0x40 ss:$0x1] =	vst.idx.msk $0xffff, v1  }
0x143: {  	v1 =	vld [tilespmem:s1+$0x6050]  }
0x144: {  	v2 =	vld [tilespmem:s1+$0x8050]  }
0x145: {  	v3 =	vld [tilespmem:s1+$0xA050];
	_ =	sdelay $0x3  }
0x146: {  	v1 =	vadd.f32 v2, v1;
	_ =	sdelay $0x1  }
0x147: {  	v1 =	vadd.f32 v3, v1;
	_ =	sdelay $0x1  }
0x148: {  	[tilespmem:v0+s1+$0x50 ss:$0x1] =	vst.idx.msk $0xffff, v1  }
0x149: {  	v1 =	vld [tilespmem:s1+$0x6060]  }
0x14a: {  	v2 =	vld [tilespmem:s1+$0x8060]  }
0x14b: {  	v3 =	vld [tilespmem:s1+$0xA060];
	_ =	sdelay $0x3  }
0x14c: {  	v1 =	vadd.f32 v2, v1  }
.Ltmp8:
0x14d: {  	(pc) =	sbr.rel @p5 .LBB2_16-.Ltmp8, $3  }
0x14e: {  	v1 =	vadd.f32 v3, v1;
	_ =	sdelay $0x1  }
0x14f: {  	[tilespmem:v0+s1+$0x60 ss:$0x1] =	vst.idx.msk $0xffff, v1  }
0x150: {  	v1 =	vld [tilespmem:s1+$0x6070]  }
0x151: {  	v2 =	vld [tilespmem:s1+$0x8070];
	_ =	sdelay $0x1  }
0x152: {  	v3 =	vld [tilespmem:s1+$0xA070];
	_ =	sdelay $0x2  }
0x153: {  	v1 =	vadd.f32 v2, v1;
	_ =	sdelay $0x1  }
0x154: {  	v1 =	vadd.f32 v3, v1;
	_ =	sdelay $0x1  }
0x155: {  	[tilespmem:v0+s1+$0x70 ss:$0x1] =	vst.idx.msk $0xffff, v1  }
.LBB2_18:
0x156: {  	p1 =	por !p4, !p3  }
0x157: {  	p1 =	por !p1, !p1  }
.Ltmp9:
0x158: {  	_ = 	snop;
	(pc) =	sbr.rel @!p1 .LBB2_22-.Ltmp9, $1  }
0x159: {  	_ =	sdelay $0x3  }
0x15a: {  	s1 =	simm.s32 $0x7  }
0x15b: {  	_ =	swait.ge [sflag:s1], $0x2000  }
0x15c: {  	[sflag:s1] =	ssyncset.done $0x0  }
0x15d: {  	s29 =	simm.s32 $0x8;
	[sflag:s1] =	ssyncadd.s32 $0xFFFFE000  }
0x15e: {  	_ =	swait.ge [sflag:s29], $0x2000  }
0x15f: {  	[sflag:s29] =	ssyncset.done $0x0  }
0x160: {  	s30 =	simm.s32 $0x9;
	[sflag:s29] =	ssyncadd.s32 $0xFFFFE000  }
0x161: {  	_ =	swait.ge [sflag:s30], $0x2000  }
0x162: {  	[sflag:s30] =	ssyncset.done $0x0  }
0x163: {  	s1 =	simm.s32 $0x0;
	[sflag:s30] =	ssyncadd.s32 $0xFFFFE000  }
0x164: {  	v1 =	vld [tilespmem:s1+$0xC000]  }
0x165: {  	v2 =	vld [tilespmem:s1+$0xE000];
	_ =	sdelay $0x1  }
0x166: {  	s28 =	sshll.u32 s23, $0xD;
	v3 =	vld [tilespmem:s1+$0x10000]  }
0x167: {  	s28 =	sadd.s32 $0x12780, s28  }
0x168: {  	v0 =	vmov s28  }
0x169: {  	v1 =	vadd.f32 v2, v1;
	_ =	sdelay $0x1  }
0x16a: {  	v1 =	vadd.f32 v3, v1;
	_ =	sdelay $0x1  }
0x16b: {  	[tilespmem:v0+s1+$0x0 ss:$0x1] =	vst.idx.msk $0xffff, v1  }
0x16c: {  	v1 =	vld [tilespmem:s1+$0xC010]  }
0x16d: {  	v2 =	vld [tilespmem:s1+$0xE010];
	_ =	sdelay $0x1  }
0x16e: {  	v3 =	vld [tilespmem:s1+$0x10010];
	_ =	sdelay $0x2  }
0x16f: {  	v1 =	vadd.f32 v2, v1;
	_ =	sdelay $0x1  }
0x170: {  	v1 =	vadd.f32 v3, v1;
	_ =	sdelay $0x1  }
0x171: {  	[tilespmem:v0+s1+$0x10 ss:$0x1] =	vst.idx.msk $0xffff, v1  }
0x172: {  	v1 =	vld [tilespmem:s1+$0xC020]  }
0x173: {  	v2 =	vld [tilespmem:s1+$0xE020];
	_ =	sdelay $0x1  }
0x174: {  	v3 =	vld [tilespmem:s1+$0x10020];
	_ =	sdelay $0x2  }
0x175: {  	v1 =	vadd.f32 v2, v1;
	_ =	sdelay $0x1  }
0x176: {  	v1 =	vadd.f32 v3, v1;
	_ =	sdelay $0x1  }
0x177: {  	[tilespmem:v0+s1+$0x20 ss:$0x1] =	vst.idx.msk $0xffff, v1  }
0x178: {  	v1 =	vld [tilespmem:s1+$0xC030]  }
0x179: {  	v2 =	vld [tilespmem:s1+$0xE030];
	_ =	sdelay $0x1  }
0x17a: {  	v3 =	vld [tilespmem:s1+$0x10030];
	_ =	sdelay $0x2  }
0x17b: {  	v1 =	vadd.f32 v2, v1;
	_ =	sdelay $0x1  }
0x17c: {  	v1 =	vadd.f32 v3, v1;
	_ =	sdelay $0x1  }
0x17d: {  	[tilespmem:v0+s1+$0x30 ss:$0x1] =	vst.idx.msk $0xffff, v1  }
0x17e: {  	v1 =	vld [tilespmem:s1+$0xC040]  }
0x17f: {  	v2 =	vld [tilespmem:s1+$0xE040];
	_ =	sdelay $0x1  }
0x180: {  	v3 =	vld [tilespmem:s1+$0x10040];
	_ =	sdelay $0x2  }
0x181: {  	v1 =	vadd.f32 v2, v1;
	_ =	sdelay $0x1  }
0x182: {  	v1 =	vadd.f32 v3, v1;
	_ =	sdelay $0x1  }
0x183: {  	[tilespmem:v0+s1+$0x40 ss:$0x1] =	vst.idx.msk $0xffff, v1  }
0x184: {  	v1 =	vld [tilespmem:s1+$0xC050]  }
0x185: {  	v2 =	vld [tilespmem:s1+$0xE050];
	_ =	sdelay $0x1  }
0x186: {  	v3 =	vld [tilespmem:s1+$0x10050];
	_ =	sdelay $0x2  }
0x187: {  	v1 =	vadd.f32 v2, v1;
	_ =	sdelay $0x1  }
0x188: {  	v1 =	vadd.f32 v3, v1;
	_ =	sdelay $0x1  }
0x189: {  	[tilespmem:v0+s1+$0x50 ss:$0x1] =	vst.idx.msk $0xffff, v1  }
0x18a: {  	v1 =	vld [tilespmem:s1+$0xC060]  }
0x18b: {  	v2 =	vld [tilespmem:s1+$0xE060];
	_ =	sdelay $0x1  }
0x18c: {  	v3 =	vld [tilespmem:s1+$0x10060];
	_ =	sdelay $0x2  }
0x18d: {  	v1 =	vadd.f32 v2, v1;
	_ =	sdelay $0x1  }
0x18e: {  	v1 =	vadd.f32 v3, v1;
	_ =	sdelay $0x1  }
0x18f: {  	[tilespmem:v0+s1+$0x60 ss:$0x1] =	vst.idx.msk $0xffff, v1  }
0x190: {  	s28 =	simm.s32 $0x200;
	v1 =	vld [tilespmem:s1+$0xC070]  }
.LBB2_20:
0x191: {  	p3 =	sne.s32 s28, $0x7E00;
	v2 =	vld [tilespmem:s1+$0xE070];
	s29 =	smov.u32 s28;
	s28 =	sadd.s32 $0x200, s28  }
0x192: {  	v3 =	vld [tilespmem:s1+$0x10070];
	_ =	sdelay $0x3  }
0x193: {  	v1 =	vadd.f32 v2, v1;
	_ =	sdelay $0x1  }
0x194: {  	v1 =	vadd.f32 v3, v1  }
0x195: {  	s29 =	sshra.s32 s29, $0x2  }
0x196: {  	[tilespmem:v0+s1+$0x70 ss:$0x1] =	vst.idx.msk $0xffff, v1;
	s1 =	smov.u32 s29  }
0x197: {  	v1 =	vld [tilespmem:s1+$0xC000]  }
0x198: {  	v2 =	vld [tilespmem:s1+$0xE000]  }
0x199: {  	v3 =	vld [tilespmem:s1+$0x10000];
	_ =	sdelay $0x3  }
0x19a: {  	v1 =	vadd.f32 v2, v1;
	_ =	sdelay $0x1  }
0x19b: {  	v1 =	vadd.f32 v3, v1;
	_ =	sdelay $0x1  }
0x19c: {  	[tilespmem:v0+s1+$0x0 ss:$0x1] =	vst.idx.msk $0xffff, v1  }
0x19d: {  	v1 =	vld [tilespmem:s1+$0xC010]  }
0x19e: {  	v2 =	vld [tilespmem:s1+$0xE010];
	_ =	sdelay $0x1  }
0x19f: {  	v3 =	vld [tilespmem:s1+$0x10010];
	_ =	sdelay $0x2  }
0x1a0: {  	v1 =	vadd.f32 v2, v1;
	_ =	sdelay $0x1  }
0x1a1: {  	v1 =	vadd.f32 v3, v1;
	_ =	sdelay $0x1  }
0x1a2: {  	[tilespmem:v0+s1+$0x10 ss:$0x1] =	vst.idx.msk $0xffff, v1  }
0x1a3: {  	v1 =	vld [tilespmem:s1+$0xC020]  }
0x1a4: {  	v2 =	vld [tilespmem:s1+$0xE020];
	_ =	sdelay $0x1  }
0x1a5: {  	v3 =	vld [tilespmem:s1+$0x10020];
	_ =	sdelay $0x2  }
0x1a6: {  	v1 =	vadd.f32 v2, v1;
	_ =	sdelay $0x1  }
0x1a7: {  	v1 =	vadd.f32 v3, v1;
	_ =	sdelay $0x1  }
0x1a8: {  	[tilespmem:v0+s1+$0x20 ss:$0x1] =	vst.idx.msk $0xffff, v1  }
0x1a9: {  	v1 =	vld [tilespmem:s1+$0xC030]  }
0x1aa: {  	v2 =	vld [tilespmem:s1+$0xE030]  }
0x1ab: {  	v3 =	vld [tilespmem:s1+$0x10030];
	_ =	sdelay $0x3  }
0x1ac: {  	v1 =	vadd.f32 v2, v1;
	_ =	sdelay $0x1  }
0x1ad: {  	v1 =	vadd.f32 v3, v1;
	_ =	sdelay $0x1  }
0x1ae: {  	[tilespmem:v0+s1+$0x30 ss:$0x1] =	vst.idx.msk $0xffff, v1  }
0x1af: {  	v1 =	vld [tilespmem:s1+$0xC040]  }
0x1b0: {  	v2 =	vld [tilespmem:s1+$0xE040]  }
0x1b1: {  	v3 =	vld [tilespmem:s1+$0x10040];
	_ =	sdelay $0x3  }
0x1b2: {  	v1 =	vadd.f32 v2, v1;
	_ =	sdelay $0x1  }
0x1b3: {  	v1 =	vadd.f32 v3, v1;
	_ =	sdelay $0x1  }
0x1b4: {  	[tilespmem:v0+s1+$0x40 ss:$0x1] =	vst.idx.msk $0xffff, v1  }
0x1b5: {  	v1 =	vld [tilespmem:s1+$0xC050]  }
0x1b6: {  	v2 =	vld [tilespmem:s1+$0xE050]  }
0x1b7: {  	v3 =	vld [tilespmem:s1+$0x10050];
	_ =	sdelay $0x3  }
0x1b8: {  	v1 =	vadd.f32 v2, v1;
	_ =	sdelay $0x1  }
0x1b9: {  	v1 =	vadd.f32 v3, v1;
	_ =	sdelay $0x1  }
0x1ba: {  	[tilespmem:v0+s1+$0x50 ss:$0x1] =	vst.idx.msk $0xffff, v1  }
0x1bb: {  	v1 =	vld [tilespmem:s1+$0xC060]  }
0x1bc: {  	v2 =	vld [tilespmem:s1+$0xE060]  }
0x1bd: {  	v3 =	vld [tilespmem:s1+$0x10060];
	_ =	sdelay $0x3  }
0x1be: {  	v1 =	vadd.f32 v2, v1  }
.Ltmp10:
0x1bf: {  	(pc) =	sbr.rel @p3 .LBB2_20-.Ltmp10, $3  }
0x1c0: {  	v1 =	vadd.f32 v3, v1;
	_ =	sdelay $0x1  }
0x1c1: {  	[tilespmem:v0+s1+$0x60 ss:$0x1] =	vst.idx.msk $0xffff, v1  }
0x1c2: {  	v1 =	vld [tilespmem:s1+$0xC070]  }
0x1c3: {  	v2 =	vld [tilespmem:s1+$0xE070];
	_ =	sdelay $0x1  }
0x1c4: {  	v3 =	vld [tilespmem:s1+$0x10070];
	_ =	sdelay $0x2  }
.Ltmp11:
0x1c5: {  	v1 =	vadd.f32 v2, v1;
	(pc) =	sbr.rel .LBB2_22-.Ltmp11, $3  }
0x1c6: {  	_ = 	snop  }
0x1c7: {  	v1 =	vadd.f32 v3, v1;
	_ =	sdelay $0x1  }
0x1c8: {  	[tilespmem:v0+s1+$0x70 ss:$0x1] =	vst.idx.msk $0xffff, v1  }
.LBB2_7:
.Ltmp12:
0x1c9: {  	(pc) =	sbr.rel @p5 .LBB2_9-.Ltmp12, $2  }
0x1ca: {  	_ =	sdelay $0x2  }
0x1cb: {  	p3 =	seq.s32 s1, $0x1;
	p4 =	seq.s32 s1, $0x2  }
0x1cc: {  	p5 =	sne.s32 s1, $0x2  }
0x1cd: {  	s30 =	sshll.u32 @!p5 s30, $0x7  }
0x1ce: {  	v0 =	vld @!p5 [tilespmem:s30+$0x12480];
	_ =	sdelay $0x4  }
0x1cf: {  	[tilespmem:$0x12300] =	vst @!p5 v0  }
0x1d0: {  	v0 =	vld @!p5 [tilespmem:s30+$0x12490];
	_ =	sdelay $0x4  }
0x1d1: {  	[tilespmem:$0x12310] =	vst @!p5 v0  }
0x1d2: {  	v0 =	vld @!p5 [tilespmem:s30+$0x124A0];
	_ =	sdelay $0x4  }
0x1d3: {  	[tilespmem:$0x12320] =	vst @!p5 v0  }
0x1d4: {  	v0 =	vld @!p5 [tilespmem:s30+$0x124B0];
	_ =	sdelay $0x4  }
0x1d5: {  	[tilespmem:$0x12330] =	vst @!p5 v0  }
0x1d6: {  	v0 =	vld @!p5 [tilespmem:s30+$0x124C0];
	_ =	sdelay $0x4  }
0x1d7: {  	[tilespmem:$0x12340] =	vst @!p5 v0  }
0x1d8: {  	v0 =	vld @!p5 [tilespmem:s30+$0x124D0];
	_ =	sdelay $0x4  }
0x1d9: {  	[tilespmem:$0x12350] =	vst @!p5 v0  }
0x1da: {  	v0 =	vld @!p5 [tilespmem:s30+$0x124E0];
	_ =	sdelay $0x4  }
0x1db: {  	[tilespmem:$0x12360] =	vst @!p5 v0  }
0x1dc: {  	v0 =	vld @!p5 [tilespmem:s30+$0x124F0];
	_ =	sdelay $0x4  }
0x1dd: {  	s29 =	sshll.u32 @!p5 s29, $0x7;
	[tilespmem:$0x12370] =	vst @!p5 v0  }
0x1de: {  	v0 =	vld @!p5 [tilespmem:s29+$0x12580];
	_ =	sdelay $0x4  }
0x1df: {  	[tilespmem:$0x12380] =	vst @!p5 v0  }
0x1e0: {  	v0 =	vld @!p5 [tilespmem:s29+$0x12590];
	_ =	sdelay $0x4  }
0x1e1: {  	[tilespmem:$0x12390] =	vst @!p5 v0  }
0x1e2: {  	v0 =	vld @!p5 [tilespmem:s29+$0x125A0];
	_ =	sdelay $0x4  }
0x1e3: {  	[tilespmem:$0x123A0] =	vst @!p5 v0  }
0x1e4: {  	v0 =	vld @!p5 [tilespmem:s29+$0x125B0];
	_ =	sdelay $0x4  }
0x1e5: {  	[tilespmem:$0x123B0] =	vst @!p5 v0  }
0x1e6: {  	v0 =	vld @!p5 [tilespmem:s29+$0x125C0];
	_ =	sdelay $0x4  }
0x1e7: {  	[tilespmem:$0x123C0] =	vst @!p5 v0  }
0x1e8: {  	v0 =	vld @!p5 [tilespmem:s29+$0x125D0];
	_ =	sdelay $0x4  }
0x1e9: {  	[tilespmem:$0x123D0] =	vst @!p5 v0  }
0x1ea: {  	v0 =	vld @!p5 [tilespmem:s29+$0x125E0];
	_ =	sdelay $0x4  }
0x1eb: {  	[tilespmem:$0x123E0] =	vst @!p5 v0  }
0x1ec: {  	v0 =	vld @!p5 [tilespmem:s29+$0x125F0];
	_ =	sdelay $0x4  }
0x1ed: {  	s28 =	sshll.u32 @!p5 s28, $0x7;
	[tilespmem:$0x123F0] =	vst @!p5 v0  }
0x1ee: {  	v0 =	vld @!p5 [tilespmem:s28+$0x12680];
	_ =	sdelay $0x4  }
0x1ef: {  	[tilespmem:$0x12400] =	vst @!p5 v0  }
0x1f0: {  	v0 =	vld @!p5 [tilespmem:s28+$0x12690];
	_ =	sdelay $0x4  }
0x1f1: {  	[tilespmem:$0x12410] =	vst @!p5 v0  }
0x1f2: {  	v0 =	vld @!p5 [tilespmem:s28+$0x126A0];
	_ =	sdelay $0x4  }
0x1f3: {  	[tilespmem:$0x12420] =	vst @!p5 v0  }
0x1f4: {  	v0 =	vld @!p5 [tilespmem:s28+$0x126B0];
	_ =	sdelay $0x4  }
0x1f5: {  	[tilespmem:$0x12430] =	vst @!p5 v0  }
0x1f6: {  	v0 =	vld @!p5 [tilespmem:s28+$0x126C0];
	_ =	sdelay $0x4  }
0x1f7: {  	[tilespmem:$0x12440] =	vst @!p5 v0  }
0x1f8: {  	v0 =	vld @!p5 [tilespmem:s28+$0x126D0];
	_ =	sdelay $0x4  }
0x1f9: {  	[tilespmem:$0x12450] =	vst @!p5 v0  }
0x1fa: {  	v0 =	vld @!p5 [tilespmem:s28+$0x126E0];
	_ =	sdelay $0x4  }
0x1fb: {  	[tilespmem:$0x12460] =	vst @!p5 v0  }
0x1fc: {  	v0 =	vld @!p5 [tilespmem:s28+$0x126F0];
	_ =	sdelay $0x2  }
0x1fd: {  	p1 =	por @!p5 $0x1, $0x1  }
0x1fe: {  	p4 =	por @!p5 p1, p1  }
0x1ff: {  	s30 =	simm.s32 @!p5 $0xC000;
	s29 =	simm.s32 @!p5 $0x12300;
	s28 =	simm.s32 @!p5 $0x80;
	[tilespmem:$0x12470] =	vst @!p5 v0  }
0x200: {  	[tilespmem:s30], [sflag:$0x7] =	stream.indirect.gather @!p5 [hbm4b:s4+s28], $0x40, s29, s28, $0x2000b8;
	[tilespmem:$0x16780] =	vst v63  }
0x201: {  	p1 =	por @!p5 $0x0, $0x0;
	s29 =	simm.s32 @!p5 $0x12380;
	s30 =	simm.s32 @!p5 $0xE000  }
0x202: {  	[tilespmem:s30], [sflag:$0x8] =	stream.indirect.gather @!p5 [hbm4b:s5+s28], $0x40, s29, s28, $0x2000b8;
	[tilespmem:$0x16780] =	vst v63  }
0x203: {  	p3 =	por @!p5 p1, p1;
	s29 =	simm.s32 @!p5 $0x12400;
	s30 =	simm.s32 @!p5 $0x10000  }
0x204: {  	[tilespmem:s30], [sflag:$0x9] =	stream.indirect.gather @!p5 [hbm4b:s6+s28], $0x40, s29, s28, $0x2000b8;
	[tilespmem:$0x16780] =	vst v63  }
.LBB2_9:
0x205: {  	p5 =	slt.s32 s2, $0x2  }
0x206: {  	p1 =	por p5, !p4  }
.Ltmp13:
0x207: {  	_ = 	snop;
	(pc) =	sbr.rel @p1 .LBB2_10-.Ltmp13, $1  }
0x208: {  	_ =	sdelay $0x3  }
0x209: {  	s28 =	simm.s32 $0x1  }
0x20a: {  	_ =	swait.ge [sflag:s28], $0x2000  }
0x20b: {  	[sflag:s28] =	ssyncset.done $0x0  }
0x20c: {  	[sflag:s28] =	ssyncadd.s32 $0xFFFFE000;
	s28 =	simm.s32 $0x2  }
0x20d: {  	_ =	swait.ge [sflag:s28], $0x2000  }
0x20e: {  	[sflag:s28] =	ssyncset.done $0x0  }
0x20f: {  	[sflag:s28] =	ssyncadd.s32 $0xFFFFE000;
	s28 =	simm.s32 $0x3  }
0x210: {  	_ =	swait.ge [sflag:s28], $0x2000  }
0x211: {  	[sflag:s28] =	ssyncset.done $0x0  }
0x212: {  	[sflag:s28] =	ssyncadd.s32 $0xFFFFE000;
	s28 =	simm.s32 $0x0  }
0x213: {  	v1 =	vld [tilespmem:s28+$0x0]  }
0x214: {  	v2 =	vld [tilespmem:s28+$0x2000];
	_ =	sdelay $0x1  }
0x215: {  	s29 =	sshll.u32 s23, $0xD;
	v3 =	vld [tilespmem:s28+$0x4000]  }
0x216: {  	s29 =	sadd.s32 $0x12780, s29  }
0x217: {  	v0 =	vmov s29  }
0x218: {  	v1 =	vadd.f32 v2, v1;
	_ =	sdelay $0x1  }
0x219: {  	v1 =	vadd.f32 v3, v1;
	_ =	sdelay $0x1  }
0x21a: {  	[tilespmem:v0+s28+$0x0 ss:$0x1] =	vst.idx.msk $0xffff, v1  }
0x21b: {  	v1 =	vld [tilespmem:s28+$0x10]  }
0x21c: {  	v2 =	vld [tilespmem:s28+$0x2010];
	_ =	sdelay $0x1  }
0x21d: {  	v3 =	vld [tilespmem:s28+$0x4010];
	_ =	sdelay $0x2  }
0x21e: {  	v1 =	vadd.f32 v2, v1;
	_ =	sdelay $0x1  }
0x21f: {  	v1 =	vadd.f32 v3, v1;
	_ =	sdelay $0x1  }
0x220: {  	[tilespmem:v0+s28+$0x10 ss:$0x1] =	vst.idx.msk $0xffff, v1  }
0x221: {  	v1 =	vld [tilespmem:s28+$0x20]  }
0x222: {  	v2 =	vld [tilespmem:s28+$0x2020];
	_ =	sdelay $0x1  }
0x223: {  	v3 =	vld [tilespmem:s28+$0x4020];
	_ =	sdelay $0x2  }
0x224: {  	v1 =	vadd.f32 v2, v1;
	_ =	sdelay $0x1  }
0x225: {  	v1 =	vadd.f32 v3, v1;
	_ =	sdelay $0x1  }
0x226: {  	[tilespmem:v0+s28+$0x20 ss:$0x1] =	vst.idx.msk $0xffff, v1  }
0x227: {  	v1 =	vld [tilespmem:s28+$0x30]  }
0x228: {  	v2 =	vld [tilespmem:s28+$0x2030];
	_ =	sdelay $0x1  }
0x229: {  	v3 =	vld [tilespmem:s28+$0x4030];
	_ =	sdelay $0x2  }
0x22a: {  	v1 =	vadd.f32 v2, v1;
	_ =	sdelay $0x1  }
0x22b: {  	v1 =	vadd.f32 v3, v1;
	_ =	sdelay $0x1  }
0x22c: {  	[tilespmem:v0+s28+$0x30 ss:$0x1] =	vst.idx.msk $0xffff, v1  }
0x22d: {  	v1 =	vld [tilespmem:s28+$0x40]  }
0x22e: {  	v2 =	vld [tilespmem:s28+$0x2040];
	_ =	sdelay $0x1  }
0x22f: {  	v3 =	vld [tilespmem:s28+$0x4040];
	_ =	sdelay $0x2  }
0x230: {  	v1 =	vadd.f32 v2, v1;
	_ =	sdelay $0x1  }
0x231: {  	v1 =	vadd.f32 v3, v1;
	_ =	sdelay $0x1  }
0x232: {  	[tilespmem:v0+s28+$0x40 ss:$0x1] =	vst.idx.msk $0xffff, v1  }
0x233: {  	v1 =	vld [tilespmem:s28+$0x50]  }
0x234: {  	v2 =	vld [tilespmem:s28+$0x2050];
	_ =	sdelay $0x1  }
0x235: {  	v3 =	vld [tilespmem:s28+$0x4050];
	_ =	sdelay $0x2  }
0x236: {  	v1 =	vadd.f32 v2, v1;
	_ =	sdelay $0x1  }
0x237: {  	v1 =	vadd.f32 v3, v1;
	_ =	sdelay $0x1  }
0x238: {  	[tilespmem:v0+s28+$0x50 ss:$0x1] =	vst.idx.msk $0xffff, v1  }
0x239: {  	v1 =	vld [tilespmem:s28+$0x60]  }
0x23a: {  	v2 =	vld [tilespmem:s28+$0x2060];
	_ =	sdelay $0x1  }
0x23b: {  	v3 =	vld [tilespmem:s28+$0x4060];
	_ =	sdelay $0x2  }
0x23c: {  	v1 =	vadd.f32 v2, v1;
	_ =	sdelay $0x1  }
0x23d: {  	v1 =	vadd.f32 v3, v1;
	_ =	sdelay $0x1  }
0x23e: {  	[tilespmem:v0+s28+$0x60 ss:$0x1] =	vst.idx.msk $0xffff, v1  }
0x23f: {  	s29 =	simm.s32 $0x200;
	v1 =	vld [tilespmem:s28+$0x70]  }
.LBB2_12:
0x240: {  	p4 =	sne.s32 s29, $0x7E00;
	v2 =	vld [tilespmem:s28+$0x2070];
	s30 =	smov.u32 s29;
	s29 =	sadd.s32 $0x200, s29  }
0x241: {  	v3 =	vld [tilespmem:s28+$0x4070];
	_ =	sdelay $0x3  }
0x242: {  	v1 =	vadd.f32 v2, v1;
	_ =	sdelay $0x1  }
0x243: {  	v1 =	vadd.f32 v3, v1  }
0x244: {  	s30 =	sshra.s32 s30, $0x2  }
0x245: {  	[tilespmem:v0+s28+$0x70 ss:$0x1] =	vst.idx.msk $0xffff, v1;
	s28 =	smov.u32 s30  }
0x246: {  	v1 =	vld [tilespmem:s28+$0x0]  }
0x247: {  	v2 =	vld [tilespmem:s28+$0x2000]  }
0x248: {  	v3 =	vld [tilespmem:s28+$0x4000];
	_ =	sdelay $0x3  }
0x249: {  	v1 =	vadd.f32 v2, v1;
	_ =	sdelay $0x1  }
0x24a: {  	v1 =	vadd.f32 v3, v1;
	_ =	sdelay $0x1  }
0x24b: {  	[tilespmem:v0+s28+$0x0 ss:$0x1] =	vst.idx.msk $0xffff, v1  }
0x24c: {  	v1 =	vld [tilespmem:s28+$0x10]  }
0x24d: {  	v2 =	vld [tilespmem:s28+$0x2010];
	_ =	sdelay $0x1  }
0x24e: {  	v3 =	vld [tilespmem:s28+$0x4010];
	_ =	sdelay $0x2  }
0x24f: {  	v1 =	vadd.f32 v2, v1;
	_ =	sdelay $0x1  }
0x250: {  	v1 =	vadd.f32 v3, v1;
	_ =	sdelay $0x1  }
0x251: {  	[tilespmem:v0+s28+$0x10 ss:$0x1] =	vst.idx.msk $0xffff, v1  }
0x252: {  	v1 =	vld [tilespmem:s28+$0x20]  }
0x253: {  	v2 =	vld [tilespmem:s28+$0x2020];
	_ =	sdelay $0x1  }
0x254: {  	v3 =	vld [tilespmem:s28+$0x4020];
	_ =	sdelay $0x2  }
0x255: {  	v1 =	vadd.f32 v2, v1;
	_ =	sdelay $0x1  }
0x256: {  	v1 =	vadd.f32 v3, v1;
	_ =	sdelay $0x1  }
0x257: {  	[tilespmem:v0+s28+$0x20 ss:$0x1] =	vst.idx.msk $0xffff, v1  }
0x258: {  	v1 =	vld [tilespmem:s28+$0x30]  }
0x259: {  	v2 =	vld [tilespmem:s28+$0x2030]  }
0x25a: {  	v3 =	vld [tilespmem:s28+$0x4030];
	_ =	sdelay $0x3  }
0x25b: {  	v1 =	vadd.f32 v2, v1;
	_ =	sdelay $0x1  }
0x25c: {  	v1 =	vadd.f32 v3, v1;
	_ =	sdelay $0x1  }
0x25d: {  	[tilespmem:v0+s28+$0x30 ss:$0x1] =	vst.idx.msk $0xffff, v1  }
0x25e: {  	v1 =	vld [tilespmem:s28+$0x40]  }
0x25f: {  	v2 =	vld [tilespmem:s28+$0x2040]  }
0x260: {  	v3 =	vld [tilespmem:s28+$0x4040];
	_ =	sdelay $0x3  }
0x261: {  	v1 =	vadd.f32 v2, v1;
	_ =	sdelay $0x1  }
0x262: {  	v1 =	vadd.f32 v3, v1;
	_ =	sdelay $0x1  }
0x263: {  	[tilespmem:v0+s28+$0x40 ss:$0x1] =	vst.idx.msk $0xffff, v1  }
0x264: {  	v1 =	vld [tilespmem:s28+$0x50]  }
0x265: {  	v2 =	vld [tilespmem:s28+$0x2050]  }
0x266: {  	v3 =	vld [tilespmem:s28+$0x4050];
	_ =	sdelay $0x3  }
0x267: {  	v1 =	vadd.f32 v2, v1;
	_ =	sdelay $0x1  }
0x268: {  	v1 =	vadd.f32 v3, v1;
	_ =	sdelay $0x1  }
0x269: {  	[tilespmem:v0+s28+$0x50 ss:$0x1] =	vst.idx.msk $0xffff, v1  }
0x26a: {  	v1 =	vld [tilespmem:s28+$0x60]  }
0x26b: {  	v2 =	vld [tilespmem:s28+$0x2060]  }
0x26c: {  	v3 =	vld [tilespmem:s28+$0x4060];
	_ =	sdelay $0x3  }
0x26d: {  	v1 =	vadd.f32 v2, v1  }
.Ltmp14:
0x26e: {  	(pc) =	sbr.rel @p4 .LBB2_12-.Ltmp14, $3  }
0x26f: {  	v1 =	vadd.f32 v3, v1;
	_ =	sdelay $0x1  }
0x270: {  	[tilespmem:v0+s28+$0x60 ss:$0x1] =	vst.idx.msk $0xffff, v1  }
0x271: {  	v1 =	vld [tilespmem:s28+$0x70]  }
0x272: {  	v2 =	vld [tilespmem:s28+$0x2070];
	_ =	sdelay $0x1  }
0x273: {  	v3 =	vld [tilespmem:s28+$0x4070];
	_ =	sdelay $0x2  }
.Ltmp15:
0x274: {  	v1 =	vadd.f32 v2, v1;
	(pc) =	sbr.rel .LBB2_14-.Ltmp15, $3  }
0x275: {  	_ = 	snop  }
0x276: {  	v1 =	vadd.f32 v3, v1;
	_ =	sdelay $0x1  }
0x277: {  	p4 =	por $0x1, $0x1;
	[tilespmem:v0+s28+$0x70 ss:$0x1] =	vst.idx.msk $0xffff, v1  }
.LBB2_10:
.Ltmp16:
0x278: {  	(pc) =	sbr.rel .LBB2_14-.Ltmp16, $3  }
0x279: {  	_ =	sdelay $0x1  }
0x27a: {  	p4 =	sgt.s32 s2, $0x1  }
0x27b: {  	p3 =	por @!p5 p3, p3;
	p4 =	por @!p5 p4, p4  }
.LBB2_24:
0x27c: {  	_ =	sfence.sel $0x180000  }
0x27d: {  	[bflag:$0x0] =	sbarrier.arrive $0xFFFF  }
0x27e: {  	_ =	strace $0x90000047  }
0x27f: {  	s0 =	stileid.u32;
	[bflag:$0x2] =	sbarrier.arrive $0xFFFF  }
0x280: {  	p0 =	sne.s32 s0, $0x0;
	s0 =	rddreg [dreg:$0x2]  }
0x281: {  	s0 =	sadd.s32 @!p0 $0x100000, s0  }
0x282: {  	[sflag:s0] =	ssyncadd.tile.s32 @!p0 $0x1;
	_ =	shalt  }
.Lfunc_end2:
_tile_overlayer_lowered:
.L_overlay_start_2:
0x283: {  	(tag) =	ssettag $0x2  }
0x284: {  	s0 =	rddreg [dreg:$0x0];
	s2 =	stileid.u32  }
0x285: {  	s1 =	rddreg [dreg:$0x1];
	p0 =	sne.s32 s2, $0x0  }
0x286: {  	s3 =	rddreg [dreg:$0x2];
	[bflag:$0x3] =	sbarrier.arrive $0xFFFF;
	s2 =	simm.s32 @!p0 $0x1C0A  }
0x287: {  	[timem:s3], [sflag:s2] =	dma.local @!p0 [hbm:s0], s1  }
0x288: {  	s0 =	simm.s32 @!p0 $0xA  }
0x289: {  	_ =	swait.ge @!p0 [sflag:s0], s1  }
0x28a: {  	s1 =	ssub.s32 @!p0 $0x0, s1;
	[sflag:s0] =	ssyncset.done @!p0 $0x0  }
0x28b: {  	[sflag:s0] =	ssyncadd.s32 @!p0 s1  }
0x28c: {  	[bflag:$0x3] =	sbarrier.arrive $0xFFFF  }
0x28d: {  	_ =	shalt  }

// kernel: sparse-core-data-format-call.cloned.1.call-start
scs
called_computation_lowered:
.L_overlay_start_0:
0x0: {  	s2 =	sld [smem:$0x3FD9]  }
0x1: {  	s3 =	sld [smem:$0x3FFE];
	_ =	sdelay $0x1  }
0x2: {  	s1 =	srdreg.scid  }
0x3: {  	s0 =	sand.u32 $0x1, s1  }
0x4: {  	s18 =	sshll.u32 s0, $0xA;
	s2 =	sadd.s32 s3, s2  }
0x5: {  	s2 =	sadd.s32 s2, s18  }
0x6: {  	[smem:$0x3FC1] =	sst s2  }
0x7: {  	_ = 	snop  }
0x8: {  	s2 =	sld [smem:$0x3FD0];
	(tm) =	ssettm $0x1  }
0x9: {  	s19 =	sld [smem:$0x3FFB];
	_ =	sdelay $0x3  }
0xa: {  	_ =	strace s19  }
0xb: {  	s3 =	sld [smem:$0x3FFC];
	_ =	sdelay $0x3  }
0xc: {  	_ =	strace s3  }
0xd: {  	s3 =	sld [smem:$0x3FFD];
	_ =	sdelay $0x3  }
0xe: {  	_ =	strace s3  }
0xf: {  	_ =	strace $0x8FFFFFFF  }
0x10: {  	s20 =	sld [smem:$0x3FDB];
	_ =	sdelay $0x1  }
0x11: {  	s4 =	simm.s32 $_scs_section_size  }
0x12: {  	s5 =	simm.s32 $_size__tile_overlayer_lowered;
	s6 =	simm.s32 $_tile_overlayer_lowered  }
0x13: {  	s23 =	simm.s32 $0x1BFF;
	s22 =	sshll.u32 s6, $0x1;
	s3 =	sadd.s32 s4, s20  }
0x14: {  	s7 =	simm.s32 $0x0;
	s21 =	sshll.u32 s5, $0x1;
	s5 =	sadd.s32 s22, s3  }
0x15: {  	[timem:s7], [sflag:s23] =	dma.local [hbm:s5], s21  }
0x16: {  	_ =	swait.ge [sflag:s23], s21  }
0x17: {  	s4 =	ssub.s32 $0x0, s21;
	[sflag:s23] =	ssyncset.done $0x0  }
0x18: {  	[sflag:s23] =	ssyncadd.s32 s4;
	_ =	sdelay $0x1  }
0x19: {  	s24 =	simm.s32 $0x1B8B  }
0x1a: {  	_ =	swait.ge [sflag:s24], $0x1  }
0x1b: {  	[sflag:s24] =	ssyncset.done $0x0  }
0x1c: {  	s26 =	simm.s32 $0x1B8E;
	s25 =	sld [smem:$0x3FFE];
	[sflag:s24] =	ssyncadd.s32 $0xFFFFFFFF  }
0x1d: {  	s27 =	simm.s32 $execute0_lowered;
	[smem:$0x3FD2] =	sst s26  }
0x1e: {  	s5 =	sshll.u32 s27, $0x1;
	_ =	strace $0x80000054;
	[dreg:$0x1] =	wrdreg $0xFFFFFFFF  }
0x1f: {  	s28 =	simm.s32 $_size_execute0_lowered;
	s3 =	sadd.s32 s3, s5;
	[dreg:$0x0] =	wrdreg $0x0  }
0x20: {  	s5 =	sshll.u32 s28, $0x1;
	[dreg:$0x2] =	wrdreg s3  }
0x21: {  	[dreg:$0x3] =	wrdreg s5  }
0x22: {  	[dreg:$0x4] =	wrdreg $0xC0  }
0x23: {  	_ =	task [dreg:s7], $0x5FFFF  }
0x24: {  	[dreg:$0x1] =	wrdreg $0xFFFFFFFF  }
0x25: {  	[dreg:$0x0] =	wrdreg $0x60  }
0x26: {  	[dreg:$0x2] =	wrdreg s25  }
0x27: {  	[dreg:$0x3] =	wrdreg s2  }
0x28: {  	[dreg:$0x4] =	wrdreg $0x9  }
0x29: {  	_ =	task.clear_ibuf [dreg:s7], $0x5FFFF;
	_ =	strace $0x90000054  }
0x2a: {  	s29 =	simm.s32 $0x9;
	_ =	strace $0x80000056  }
0x2b: {  	_ =	swait.ge [sflag:s29], $0x1  }
0x2c: {  	[sflag:s29] =	ssyncadd.s32 $0xFFFFFFFF  }
0x2d: {  	_ =	strace $0x90000056  }
0x2e: {  	_ =	sfence  }
0x2f: {  	s30 =	sld [smem:$0x0];
	_ =	sdelay $0x2  }
0x30: {  	s31 =	sshll.u32 s1, $0xD;
	s1 =	sshrl.u32 s1, $0x2  }
0x31: {  	s3 =	sand.u32 $0x4000, s31;
	s1 =	sadd.s32 s1, s30  }
0x32: {  	s0 =	sor.u32 s3, s0;
	s1 =	sshll.u32 s1, $0x11  }
0x33: {  	s0 =	sor.u32 s1, s0  }
0x34: {  	s0 =	sadd.s32 $0x8F2B, s0  }
0x35: {  	[sflag:s0] =	ssyncadd.remote.s32 $0x1  }
0x36: {  	_ =	sfence.sel $0xFFFF  }
0x37: {  	[dreg:$0x0] =	wrdreg $0xFFFFFFFF;
	(pc) =	sbr.abs _section_cstart, $3  }
0x38: {  	[dreg:$0x1] =	wrdreg $0xFFFFFFFF  }
0x39: {  	_ =	task.clear_ibuf [dreg:s7], $0x2FFFF;
	_ =	strace $0x9FFFFFFF  }
0x3a: {  	(tm) =	ssettm $0x7FFFFFFF  }
0x3b: {  	_ =	shalt  }
tec
execute0_lowered:
.L_overlay_start_1:
0x0: {  	(tag) =	ssettag $0x1  }
0x1: {  	s0 =	srdreg.scid  }
0x2: {  	s1 =	sshll.u32 s0, $0x4  }
0x3: {  	s0 =	stileid.u32;
	s1 =	sand.u32 $0x10, s1  }
0x4: {  	s1 =	sor.u32 s0, s1  }
0x5: {  	s6 =	rddreg [dreg:$0x0];
	s4 =	simm.s32 $0x1;
	s2 =	sshll.u32 s1, $0x7  }
0x6: {  	s7 =	simm.s32 $0x2;
	s12 =	simm.s32 $0x0;
	s1 =	ssub.s32 $0x1000, s2  }
0x7: {  	s8 =	simm.s32 $0x8000;
	s13 =	simm.s32 $0x0;
	s3 =	sand.u32 $0xF80, s1  }
0x8: {  	s9 =	simm.s32 $0x0;
	s5 =	sshrl.u32 s1, $0xC;
	p0 =	sne.s32 s3, $0x0  }
.Ltmp0:
0x9: {  	s1 =	rddreg [dreg:$0x2];
	s4 =	simm.s32 @!p0 $0x0;
	(pc) =	sbr.rel .LBB1_1-.Ltmp0, $4  }
0xa: {  	s11 =	simm.s32 $0x0;
	s3 =	rddreg [dreg:$0x1];
	s5 =	sadd.s32 s4, s5  }
0xb: {  	_ =	strace $0x80000055;
	s4 =	simm.s32 $0x1;
	s5 =	smul.u32 $0xC8, s5  }
0xc: {  	s6 =	sadd.s32 $0x2200, s6;
	s10 =	smov.u32 s2;
	[sflag:s4] =	ssyncpa.u1 $0x0  }
0xd: {  	p0 =	por $0x0, $0x0;
	[sflag:s7] =	ssyncpa.u1 $0x0;
	s7 =	sor.u32 $0x1, s5  }
.LBB1_4:
0xe: {  	s16 =	sshll.u32 s13, $0x3;
	s17 =	sand.u32 $0x78, s13  }
0xf: {  	s30 =	sand.u32 $0x7E00, s13;
	s12 =	sshll.u32 s12, $0xF;
	s16 =	sand.u32 $0xC00, s16  }
0x10: {  	[tilespmem:s15+$0x810 ss:$0x81] =	vst.msk $0xffff, v2;
	s31 =	sand.u32 $0x7, s13;
	s16 =	sor.u32 s17, s16;
	s17 =	sadd.s32 s3, s30  }
0x11: {  	[tilespmem:s15+$0x1020 ss:$0x81] =	vst.msk $0xffff, v0;
	s13 =	sshll.u32 s31, $0x12;
	s12 =	sadd.s32 s12, s17;
	s16 =	sshrl.u32 s16, $0x3  }
0x12: {  	[tilespmem:s15+$0x0 ss:$0x81] =	vst.msk $0xffff, v1;
	s13 =	sor.u32 $0x400, s13;
	s12 =	sadd.s32 s16, s12  }
0x13: {  	[hbm4b:s12+s13] =	stream.strided.scatter [tilespmem:s14], [sflag:$0x2], $0x2000, s8, s13, $0x20;
	[tilespmem:$0x8080] =	vst v63  }
.LBB1_5:
0x14: {  	s14 =	sadd.s32 $0x1, s9  }
0x15: {  	s12 =	sadd.s32 $0x1000, s10;
	s16 =	smov.u32 s10;
	p2 =	sgt.s32 s14, $0xC7  }
0x16: {  	s16 =	smov.u32 @p2 s12  }
0x17: {  	s14 =	simm.s32 @p2 $0x0;
	p2 =	sgt.s32 s16, $0xFFF  }
0x18: {  	s16 =	smov.u32 @p2 s2;
	p2 =	sne.s32 s11, s7  }
.Ltmp1:
0x19: {  	p1 =	slt.u32 s11, $0x2;
	(pc) =	sbr.rel @!p2 .LBB1_6-.Ltmp1, $4  }
0x1a: {  	s15 =	simm.s32 @!p1 $0x2  }
0x1b: {  	s13 =	smov.u32 s10;
	p0 =	por !p0, !p0;
	_ =	swait.ge @!p1 [sflag:s15], $0x2000  }
0x1c: {  	s12 =	smov.u32 s9;
	[sflag:s15] =	ssyncset.done @!p1 $0x0;
	s9 =	smov.u32 s14  }
0x1d: {  	s11 =	sadd.s32 $0x1, s11;
	[sflag:s15] =	ssyncadd.s32 @!p1 $0xFFFFE000;
	s10 =	smov.u32 s16  }
.LBB1_1:
0x1e: {  	p1 =	sge.u32 s11, s5  }
0x1f: {  	s14 =	sand.u32 @!p1 $0x1FFFFFF, s9  }
0x20: {  	s15 =	smulhi.u32 @!p1 $0x147AE15, s14;
	_ =	sdelay $0x1  }
0x21: {  	s15 =	smul.u32 @!p1 $0xC8, s15  }
0x22: {  	s16 =	sxor.u32 @!p1 $0xFFFFFFFF, s11;
	s17 =	smul.u32 @!p1 $0xC80, s10  }
0x23: {  	s31 =	sadd.s32 $0xFFFFFFFF, s11;
	s16 =	sshll.u32 @!p1 s16, $0xD;
	s14 =	ssub.s32 @!p1 s14, s15  }
0x24: {  	s15 =	sand.u32 @!p1 $0x2000, s16;
	s16 =	sadd.s32 @!p1 s6, s17;
	s14 =	sshll.u32 @!p1 s14, $0x4  }
0x25: {  	s17 =	simm.s32 @!p1 $0x6400;
	s14 =	sadd.s32 @!p1 s14, s16;
	s16 =	simm.s32 @!p1 $0x40  }
0x26: {  	[tilespmem:s15], [sflag:$0x1] =	stream.strided.gather @!p1 [hbm4b:s14+s16], $0x2000, s17, s16, $0x38;
	[tilespmem:$0x8080] =	vst v63  }
0x27: {  	p1 =	sge.u32 s31, s5  }
.Ltmp2:
0x28: {  	_ = 	snop;
	(pc) =	sbr.rel @p1 .LBB1_5-.Ltmp2, $1  }
0x29: {  	_ =	sdelay $0x3  }
0x2a: {  	s14 =	simm.s32 $0x1  }
0x2b: {  	_ =	swait.ge [sflag:s4], $0x2000;
	s14 =	simm.s32 @!p0 $0x0  }
0x2c: {  	[sflag:s4] =	ssyncset.done $0x0;
	s15 =	sshll.u32 s14, $0xD  }
0x2d: {  	[sflag:s4] =	ssyncadd.s32 $0xFFFFE000;
	s18 =	sor.u32 $0x20, s15  }
0x2e: {  	s14 =	smul.u32 $0x8100, s14;
	v3 =	vld [tilespmem:s18+$0x10]  }
0x2f: {  	s30 =	sand.u32 $0x1, s11;
	v2 =	vld [tilespmem:s18+$0xFFFFFFF0]  }
0x30: {  	s15 =	smul.u32 $0x8100, s30;
	s14 =	sshrl.u32 s14, $0x2;
	v0 =	vld [tilespmem:s18+$0x0]  }
0x31: {  	v1 =	vld [tilespmem:s18+$0xFFFFFFE0];
	s16 =	sor.u32 $0x4000, s14  }
0x32: {  	s31 =	sshrl.u32 s15, $0x2;
	s15 =	sadd.s32 $0x0, s16  }
0x33: {  	s17 =	simm.s32 $0x4;
	s18 =	sadd.s32 $0x40, s18;
	s14 =	sor.u32 $0x4000, s31;
	[tilespmem:s15+$0x1830 ss:$0x81] =	vst.msk $0xffff, v3  }
.LBB1_3:
0x34: {  	v3 =	vld [tilespmem:s18+$0x10];
	p1 =	sne.s32 s17, $0x1FC;
	[tilespmem:s15+$0x810 ss:$0x81] =	vst.msk $0xffff, v2;
	s19 =	smov.u32 s17;
	s17 =	sadd.s32 $0x4, s17  }
.Ltmp3:
0x35: {  	v2 =	vld [tilespmem:s18+$0xFFFFFFF0];
	[tilespmem:s15+$0x1020 ss:$0x81] =	vst.msk $0xffff, v0;
	(pc) =	sbr.rel @p1 .LBB1_3-.Ltmp3, $4  }
0x36: {  	v0 =	vld [tilespmem:s18+$0x0];
	[tilespmem:s15+$0x0 ss:$0x81] =	vst.msk $0xffff, v1  }
0x37: {  	s15 =	sshra.s32 s19, $0x2;
	v1 =	vld [tilespmem:s18+$0xFFFFFFE0]  }
0x38: {  	s15 =	sadd.s32 s15, s16  }
0x39: {  	s18 =	sadd.s32 $0x40, s18;
	[tilespmem:s15+$0x1830 ss:$0x81] =	vst.msk $0xffff, v3  }
.Ltmp4:
0x3a: {  	_ = 	snop;
	(pc) =	sbr.rel .LBB1_4-.Ltmp4, $1  }
0x3b: {  	_ =	sdelay $0x3  }
.LBB1_6:
0x3c: {  	_ =	sfence.sel $0x180000  }
0x3d: {  	s2 =	simm.s32 $0x1;
	[bflag:$0x0] =	sbarrier.arrive $0xFFFF  }
0x3e: {  	s31 =	simm.s32 $0x2;
	[sflag:s2] =	ssyncpa.u1 $0x1  }
0x3f: {  	[sflag:s31] =	ssyncpa.u1 $0x1  }
0x40: {  	p0 =	sne.s32 s0, $0x0;
	_ =	strace $0x90000055  }
0x41: {  	s0 =	sadd.s32 @!p0 $0x100000, s1;
	[bflag:$0x2] =	sbarrier.arrive $0xFFFF  }
0x42: {  	[sflag:s0] =	ssyncadd.tile.s32 @!p0 $0x1;
	_ =	shalt  }
.Lfunc_end1:
_tile_overlayer_lowered:
.L_overlay_start_2:
0x43: {  	(tag) =	ssettag $0x2  }
0x44: {  	s0 =	rddreg [dreg:$0x0];
	s2 =	stileid.u32  }
0x45: {  	s1 =	rddreg [dreg:$0x1];
	p0 =	sne.s32 s2, $0x0  }
0x46: {  	s3 =	rddreg [dreg:$0x2];
	[bflag:$0x3] =	sbarrier.arrive $0xFFFF;
	s2 =	simm.s32 @!p0 $0x1C01  }
0x47: {  	[timem:s3], [sflag:s2] =	dma.local @!p0 [hbm:s0], s1  }
0x48: {  	s0 =	simm.s32 @!p0 $0x1  }
0x49: {  	_ =	swait.ge @!p0 [sflag:s0], s1  }
0x4a: {  	s1 =	ssub.s32 @!p0 $0x0, s1;
	[sflag:s0] =	ssyncset.done @!p0 $0x0  }
0x4b: {  	[sflag:s0] =	ssyncadd.s32 @!p0 s1  }
0x4c: {  	[bflag:$0x3] =	sbarrier.arrive $0xFFFF  }
0x4d: {  	_ =	shalt  }

</sc_bundles>
